<compile_context>
chip_gen: v7x
topology: tpu7x:2x2x1
jax: 0.10.2.dev20260603
libtpu: 0.0.44.dev20260713+nightly
codegen_flags: <defaults>
</compile_context>

<pallas_src>
import functools

import jax
import jax.numpy as jnp
from jax import lax
from jax.experimental import pallas as pl
from jax.experimental.pallas import tpu as pltpu
from jax.experimental.pallas import tpu_sc as plsc

N_TOK = 8192
D = 4096
N_IDX = 4096
NC = 2
NS = 16
NW = NC * NS
PER_W = N_IDX // NW
G = 8
N_CHUNK = PER_W // G
LANES = 16
D_VECS = D // LANES
COLS_W = D // NW

_mesh = plsc.VectorSubcoreMesh(core_axis_name="c", subcore_axis_name="s")
_params = pltpu.CompilerParams(needs_layout_passes=False)


@functools.partial(
    pl.kernel,
    mesh=_mesh,
    compiler_params=_params,
    out_type=[
        jax.ShapeDtypeStruct((NW, D), jnp.float32),
        jax.ShapeDtypeStruct((NW, LANES), jnp.float32),
    ],
    scratch_types=[
        pltpu.VMEM((PER_W,), jnp.int32),
        pltpu.VMEM((PER_W,), jnp.float32),
        pltpu.VMEM((G, D), jnp.float32),
        pltpu.VMEM((G, D), jnp.float32),
        pltpu.VMEM((D,), jnp.float32),
        pltpu.VMEM((LANES,), jnp.float32),
        pltpu.SemaphoreType.DMA,
        pltpu.SemaphoreType.DMA,
        pltpu.SemaphoreType.DMA,
    ],
)
def _partial_sums(tokens_hbm, s_hbm, idx_hbm, acc_out, den_out,
                  idx_v, ssel_v, rows0_v, rows1_v, acc_v, den_v,
                  sem0, sem1, sems):
    wid = lax.axis_index("s") * NC + lax.axis_index("c")
    base = wid * PER_W

    pltpu.sync_copy(idx_hbm.at[pl.ds(base, PER_W)], idx_v)

    def gather_start(k, buf, sem):
        pltpu.async_copy(tokens_hbm.at[idx_v.at[pl.ds(k * G, G)]], buf, sem)

    def gather_wait(k, buf, sem):
        pltpu.make_async_copy(tokens_hbm.at[idx_v.at[pl.ds(k * G, G)]],
                              buf, sem).wait()

    gather_start(0, rows0_v, sem0)
    pltpu.async_copy(s_hbm.at[idx_v], ssel_v, sems).wait()

    den = jnp.zeros((LANES,), jnp.float32)
    for t in range(PER_W // LANES):
        den = den + ssel_v[pl.ds(t * LANES, LANES)]
    den_v[...] = den

    def process(buf, k, init=False):
        w = [plsc.load_gather(ssel_v, [jnp.full((LANES,), k * G + r, jnp.int32)])
             for r in range(G)]

        def col_body(j, _):
            sl = pl.ds(j * LANES, LANES)
            a = w[0] * buf[0, sl] if init else acc_v[sl] + w[0] * buf[0, sl]
            for r in range(1, G):
                a = a + w[r] * buf[r, sl]
            acc_v[sl] = a
            return 0
        lax.fori_loop(0, D_VECS, col_body, 0, unroll=4)

    gather_start(1, rows1_v, sem1)
    gather_wait(0, rows0_v, sem0)
    process(rows0_v, 0, init=True)

    def body(t, _):
        k0 = 2 * t
        gather_start(k0 + 2, rows0_v, sem0)
        gather_wait(k0 + 1, rows1_v, sem1)
        process(rows1_v, k0 + 1)
        gather_start(k0 + 3, rows1_v, sem1)
        gather_wait(k0 + 2, rows0_v, sem0)
        process(rows0_v, k0 + 2)
        return 0
    lax.fori_loop(0, N_CHUNK // 2 - 1, body, 0)

    gather_wait(N_CHUNK - 1, rows1_v, sem1)
    process(rows1_v, N_CHUNK - 1)

    pltpu.sync_copy(acc_v, acc_out.at[wid])
    pltpu.sync_copy(den_v, den_out.at[wid])


def _combine_tc(acc_ref, den_ref, out_ref):
    den = jnp.sum(den_ref[...]) + 1e-6
    out_ref[...] = jnp.sum(acc_ref[...], axis=0, keepdims=True) / den


def kernel(tokens, s, idx):
    idx32 = idx.astype(jnp.int32)
    acc, den = _partial_sums(tokens, s, idx32)
    return pl.pallas_call(
        _combine_tc,
        out_shape=jax.ShapeDtypeStruct((1, D), jnp.float32),
    )(acc, den)

# --- scband reference (transcript-rebuilt; emitter-appended) ---
"""Pipeline reference for scband-token-merger-32255204393653 (READ-ONLY COPY).

The authoritative reference and input builder live on the scoring server;
editing this copy changes nothing except your own understanding.
"""

import jax, jax.numpy as jnp
import numpy as np


def setup_inputs(seed: int = 0) -> dict:
    key = jax.random.key(seed)
    k1, k2, k3 = jax.random.split(key, 3)
    tokens = jax.random.normal(k1, (8192, 4096), dtype=jnp.float32)
    s = jax.random.uniform(k2, (8192,), dtype=jnp.float32)
    idx = jax.random.randint(k3, (4096,), 0, 8192, dtype=jnp.int64)
    return {"tokens": tokens, "s": s, "idx": idx}


def reference(tokens, s, idx):
    # s = s[idx]; tokens = tokens[idx]
    s_sel = jnp.take(s, idx, axis=0)
    t_sel = jnp.take(tokens, idx, axis=0)
    # z = tokens * s.unsqueeze(-1)
    z = t_sel * s_sel[:, None]
    # z_s = z.sum(0) / (s.sum(0) + 1e-06)
    z_s = jnp.sum(z, axis=0) / (jnp.sum(s_sel, axis=0) + 1e-06)
    # return z_s.unsqueeze(0)
    return z_s[None, :]

if __name__ == "__main__":
    import jax
    _d = setup_inputs()
    print(jax.jit(kernel)(*tuple(_d.values())))

</pallas_src>

<mosaic_0001>
#map = affine_map<(d0, d1) -> (0, 0)>
#map1 = affine_map<(d0, d1) -> (0)>
module attributes {stable_mosaic.version = 14 : i64} {
  func.func @_partial_sums(%arg0: i32, %arg1: i32, %arg2: memref<8192x4096xf32, #tpu.memory_space<hbm>>, %arg3: memref<8192xf32, #tpu.memory_space<hbm>>, %arg4: memref<4096xi32, #tpu.memory_space<hbm>>, %arg5: memref<32x4096xf32, #tpu.memory_space<hbm>>, %arg6: memref<32x16xf32, #tpu.memory_space<hbm>>, %arg7: memref<128xi32, #tpu.memory_space<vmem>>, %arg8: memref<128xf32, #tpu.memory_space<vmem>>, %arg9: memref<8x4096xf32, #tpu.memory_space<vmem>>, %arg10: memref<8x4096xf32, #tpu.memory_space<vmem>>, %arg11: memref<4096xf32, #tpu.memory_space<vmem>>, %arg12: memref<16xf32, #tpu.memory_space<vmem>>, %arg13: memref<!tpu.dma_semaphore, #tpu.memory_space<semaphore_mem>>, %arg14: memref<!tpu.dma_semaphore, #tpu.memory_space<semaphore_mem>>, %arg15: memref<!tpu.dma_semaphore, #tpu.memory_space<semaphore_mem>>) attributes {dimension_semantics = [#tpu.dimension_semantics<core_parallel>, #tpu.dimension_semantics<subcore_parallel>], iteration_bounds = array<i64: 2, 16>, scalar_prefetch = 0 : i64, scratch_operands = 9 : i64, tpu.core_type = #tpu.core_type<sc_vector_subcore>, window_params = [{transform_indices = #map}, {transform_indices = #map1}, {transform_indices = #map1}, {transform_indices = #map}, {transform_indices = #map}]} {
    %mul3A = arith.constant 2 : i32
    %mul3A_0 = arith.muli %arg1, %mul3A : i32
    %add3A = arith.addi %mul3A_0, %arg0 : i32
    %mul3A_1 = arith.constant 128 : i32
    %mul3A_2 = arith.muli %add3A, %mul3A_1 : i32
    "tpu.region"() ({
      %run_scoped3A = tpu.sem_alloc : memref<!tpu.dma_semaphore, #tpu.memory_space<semaphore_mem>>
      %dma_start3A_117 = tpu.memref_slice %arg4[%mul3A_2] : memref<4096xi32, #tpu.memory_space<hbm>> -> memref<128xi32, #tpu.memory_space<hbm>>
      %dma_start3A_118 = tpu.memref_slice %arg4[%mul3A_2] : memref<4096xi32, #tpu.memory_space<hbm>> -> memref<128xi32, #tpu.memory_space<hbm>>
      tpu.enqueue_dma source(%dma_start3A_118 : memref<128xi32, #tpu.memory_space<hbm>>) target(%arg7 : memref<128xi32, #tpu.memory_space<vmem>>) target_semaphore(%run_scoped3A : memref<!tpu.dma_semaphore, #tpu.memory_space<semaphore_mem>>)
      %dma_wait3A_119 = tpu.memref_slice %arg4[%mul3A_2] : memref<4096xi32, #tpu.memory_space<hbm>> -> memref<128xi32, #tpu.memory_space<hbm>>
      %dma_wait3A_120 = tpu.memref_slice %arg4[%mul3A_2] : memref<4096xi32, #tpu.memory_space<hbm>> -> memref<128xi32, #tpu.memory_space<hbm>>
      tpu.wait_dma2 semaphore(%run_scoped3A : memref<!tpu.dma_semaphore, #tpu.memory_space<semaphore_mem>>) src(%dma_wait3A_120 : memref<128xi32, #tpu.memory_space<hbm>>) dst(%arg7 : memref<128xi32, #tpu.memory_space<vmem>>)
      tpu.yield
    }) : () -> ()
    %dma_start3A = arith.constant 0 : i32
    %dma_start3A_3 = tpu.memref_slice %arg7[%dma_start3A] : memref<128xi32, #tpu.memory_space<vmem>> -> memref<8xi32, #tpu.memory_space<vmem>>
    %dma_start3A_4 = arith.constant 0 : i32
    %dma_start3A_5 = arith.constant 0 : i32
    %dma_start3A_6 = tpu.memref_slice %arg2[%dma_start3A_4, %dma_start3A_5] : memref<8192x4096xf32, #tpu.memory_space<hbm>> -> memref<8192x4096xf32, #tpu.memory_space<hbm>>
    tpu.enqueue_indirect_dma source(%dma_start3A_6 : memref<8192x4096xf32, #tpu.memory_space<hbm>>) target(%arg9 : memref<8x4096xf32, #tpu.memory_space<vmem>>) offsets(%dma_start3A_3 : memref<8xi32, #tpu.memory_space<vmem>>) semaphore(%arg13 : memref<!tpu.dma_semaphore, #tpu.memory_space<semaphore_mem>>)
    %dma_start3A_7 = arith.constant 0 : i32
    %dma_start3A_8 = tpu.memref_slice %arg3[%dma_start3A_7] : memref<8192xf32, #tpu.memory_space<hbm>> -> memref<8192xf32, #tpu.memory_space<hbm>>
    tpu.enqueue_indirect_dma source(%dma_start3A_8 : memref<8192xf32, #tpu.memory_space<hbm>>) target(%arg8 : memref<128xf32, #tpu.memory_space<vmem>>) offsets(%arg7 : memref<128xi32, #tpu.memory_space<vmem>>) semaphore(%arg15 : memref<!tpu.dma_semaphore, #tpu.memory_space<semaphore_mem>>)
    %dma_wait3A = arith.constant 0 : i32
    %dma_wait3A_9 = tpu.memref_slice %arg3[%dma_wait3A] : memref<8192xf32, #tpu.memory_space<hbm>> -> memref<8192xf32, #tpu.memory_space<hbm>>
    tpu.wait_indirect_dma semaphore(%arg15 : memref<!tpu.dma_semaphore, #tpu.memory_space<semaphore_mem>>) src(%dma_wait3A_9 : memref<8192xf32, #tpu.memory_space<hbm>>) dst(%arg8 : memref<128xf32, #tpu.memory_space<vmem>>)
    %broadcast_in_dim3A = arith.constant 0.000000e+00 : f32
    %broadcast_in_dim3A_10 = vector.broadcast %broadcast_in_dim3A : f32 to vector<16xf32>
    %get3A = arith.constant 0 : index
    %get3A_11 = tpu.vector_load %arg8[%get3A] {strides = array<i32>} : memref<128xf32, #tpu.memory_space<vmem>>, vector<16xf32>,
    %add3A_12 = arith.addf %broadcast_in_dim3A_10, %get3A_11 : vector<16xf32>
    %get3A_13 = arith.constant 16 : index
    %get3A_14 = tpu.vector_load %arg8[%get3A_13] {strides = array<i32>} : memref<128xf32, #tpu.memory_space<vmem>>, vector<16xf32>,
    %add3A_15 = arith.addf %add3A_12, %get3A_14 : vector<16xf32>
    %get3A_16 = arith.constant 32 : index
    %get3A_17 = tpu.vector_load %arg8[%get3A_16] {strides = array<i32>} : memref<128xf32, #tpu.memory_space<vmem>>, vector<16xf32>,
    %add3A_18 = arith.addf %add3A_15, %get3A_17 : vector<16xf32>
    %get3A_19 = arith.constant 48 : index
    %get3A_20 = tpu.vector_load %arg8[%get3A_19] {strides = array<i32>} : memref<128xf32, #tpu.memory_space<vmem>>, vector<16xf32>,
    %add3A_21 = arith.addf %add3A_18, %get3A_20 : vector<16xf32>
    %get3A_22 = arith.constant 64 : index
    %get3A_23 = tpu.vector_load %arg8[%get3A_22] {strides = array<i32>} : memref<128xf32, #tpu.memory_space<vmem>>, vector<16xf32>,
    %add3A_24 = arith.addf %add3A_21, %get3A_23 : vector<16xf32>
    %get3A_25 = arith.constant 80 : index
    %get3A_26 = tpu.vector_load %arg8[%get3A_25] {strides = array<i32>} : memref<128xf32, #tpu.memory_space<vmem>>, vector<16xf32>,
    %add3A_27 = arith.addf %add3A_24, %get3A_26 : vector<16xf32>
    %get3A_28 = arith.constant 96 : index
    %get3A_29 = tpu.vector_load %arg8[%get3A_28] {strides = array<i32>} : memref<128xf32, #tpu.memory_space<vmem>>, vector<16xf32>,
    %add3A_30 = arith.addf %add3A_27, %get3A_29 : vector<16xf32>
    %get3A_31 = arith.constant 112 : index
    %get3A_32 = tpu.vector_load %arg8[%get3A_31] {strides = array<i32>} : memref<128xf32, #tpu.memory_space<vmem>>, vector<16xf32>,
    %add3A_33 = arith.addf %add3A_30, %get3A_32 : vector<16xf32>
    %swap3A = arith.constant 0 : index
    %swap3A_34 = tpu.vector_load %arg12[%swap3A] {strides = array<i32>} : memref<16xf32, #tpu.memory_space<vmem>>, vector<16xf32>,
    tpu.vector_store %arg12[%swap3A], %add3A_33 {strides = array<i32>} : memref<16xf32, #tpu.memory_space<vmem>>, vector<16xf32>,
    %dma_start3A_35 = arith.constant 8 : i32
    %dma_start3A_36 = tpu.memref_slice %arg7[%dma_start3A_35] : memref<128xi32, #tpu.memory_space<vmem>> -> memref<8xi32, #tpu.memory_space<vmem>>
    %dma_start3A_37 = arith.constant 0 : i32
    %dma_start3A_38 = arith.constant 0 : i32
    %dma_start3A_39 = tpu.memref_slice %arg2[%dma_start3A_37, %dma_start3A_38] : memref<8192x4096xf32, #tpu.memory_space<hbm>> -> memref<8192x4096xf32, #tpu.memory_space<hbm>>
    tpu.enqueue_indirect_dma source(%dma_start3A_39 : memref<8192x4096xf32, #tpu.memory_space<hbm>>) target(%arg10 : memref<8x4096xf32, #tpu.memory_space<vmem>>) offsets(%dma_start3A_36 : memref<8xi32, #tpu.memory_space<vmem>>) semaphore(%arg14 : memref<!tpu.dma_semaphore, #tpu.memory_space<semaphore_mem>>)
    %dma_wait3A_40 = arith.constant 0 : i32
    %dma_wait3A_41 = tpu.memref_slice %arg7[%dma_wait3A_40] : memref<128xi32, #tpu.memory_space<vmem>> -> memref<8xi32, #tpu.memory_space<vmem>>
    %dma_wait3A_42 = arith.constant 0 : i32
    %dma_wait3A_43 = arith.constant 0 : i32
    %dma_wait3A_44 = tpu.memref_slice %arg2[%dma_wait3A_42, %dma_wait3A_43] : memref<8192x4096xf32, #tpu.memory_space<hbm>> -> memref<8192x4096xf32, #tpu.memory_space<hbm>>
    tpu.wait_indirect_dma semaphore(%arg13 : memref<!tpu.dma_semaphore, #tpu.memory_space<semaphore_mem>>) src(%dma_wait3A_44 : memref<8192x4096xf32, #tpu.memory_space<hbm>>) dst(%arg9 : memref<8x4096xf32, #tpu.memory_space<vmem>>)
    %broadcast_in_dim3A_45 = arith.constant 0 : i32
    %broadcast_in_dim3A_46 = vector.broadcast %broadcast_in_dim3A_45 : i32 to vector<16xi32>
    %gather3A = tpu.vector_load_idx %arg8[%broadcast_in_dim3A_46] : memref<128xf32, #tpu.memory_space<vmem>>[vector<16xi32>], vector<16xf32>,
    %broadcast_in_dim3A_47 = arith.constant 1 : i32
    %broadcast_in_dim3A_48 = vector.broadcast %broadcast_in_dim3A_47 : i32 to vector<16xi32>
    %gather3A_49 = tpu.vector_load_idx %arg8[%broadcast_in_dim3A_48] : memref<128xf32, #tpu.memory_space<vmem>>[vector<16xi32>], vector<16xf32>,
    %broadcast_in_dim3A_50 = arith.constant 2 : i32
    %broadcast_in_dim3A_51 = vector.broadcast %broadcast_in_dim3A_50 : i32 to vector<16xi32>
    %gather3A_52 = tpu.vector_load_idx %arg8[%broadcast_in_dim3A_51] : memref<128xf32, #tpu.memory_space<vmem>>[vector<16xi32>], vector<16xf32>,
    %broadcast_in_dim3A_53 = arith.constant 3 : i32
    %broadcast_in_dim3A_54 = vector.broadcast %broadcast_in_dim3A_53 : i32 to vector<16xi32>
    %gather3A_55 = tpu.vector_load_idx %arg8[%broadcast_in_dim3A_54] : memref<128xf32, #tpu.memory_space<vmem>>[vector<16xi32>], vector<16xf32>,
    %broadcast_in_dim3A_56 = arith.constant 4 : i32
    %broadcast_in_dim3A_57 = vector.broadcast %broadcast_in_dim3A_56 : i32 to vector<16xi32>
    %gather3A_58 = tpu.vector_load_idx %arg8[%broadcast_in_dim3A_57] : memref<128xf32, #tpu.memory_space<vmem>>[vector<16xi32>], vector<16xf32>,
    %broadcast_in_dim3A_59 = arith.constant 5 : i32
    %broadcast_in_dim3A_60 = vector.broadcast %broadcast_in_dim3A_59 : i32 to vector<16xi32>
    %gather3A_61 = tpu.vector_load_idx %arg8[%broadcast_in_dim3A_60] : memref<128xf32, #tpu.memory_space<vmem>>[vector<16xi32>], vector<16xf32>,
    %broadcast_in_dim3A_62 = arith.constant 6 : i32
    %broadcast_in_dim3A_63 = vector.broadcast %broadcast_in_dim3A_62 : i32 to vector<16xi32>
    %gather3A_64 = tpu.vector_load_idx %arg8[%broadcast_in_dim3A_63] : memref<128xf32, #tpu.memory_space<vmem>>[vector<16xi32>], vector<16xf32>,
    %broadcast_in_dim3A_65 = arith.constant 7 : i32
    %broadcast_in_dim3A_66 = vector.broadcast %broadcast_in_dim3A_65 : i32 to vector<16xi32>
    %gather3A_67 = tpu.vector_load_idx %arg8[%broadcast_in_dim3A_66] : memref<128xf32, #tpu.memory_space<vmem>>[vector<16xi32>], vector<16xf32>,
    %scan3A = arith.constant 0 : i32
    %scan3A_68 = arith.constant 0 : i32
    %scan3A_69 = arith.constant 256 : i32
    %scan3A_70 = arith.addi %scan3A_68, %scan3A_69 : i32
    %scan3A_71 = arith.constant 4 : i32
    %scan3A_72 = scf.for %scan3A_117 = %scan3A_68 to %scan3A_70 step %scan3A_71 iter_args(%scan3A_118 = %scan3A) -> (i32)  : i32 {
      %mul3A_119 = arith.constant 16 : i32
      %mul3A_120 = arith.muli %scan3A_117, %mul3A_119 : i32
      %get3A_121 = arith.constant 0 : i32
      %get3A_122 = arith.index_cast %get3A_121 : i32 to index
      %get3A_123 = arith.index_cast %mul3A_120 : i32 to index
      %get3A_124 = tpu.vector_load %arg9[%get3A_122, %get3A_123] {strides = array<i32>} : memref<8x4096xf32, #tpu.memory_space<vmem>>, vector<16xf32>,
      %mul3A_125 = arith.mulf %gather3A, %get3A_124 : vector<16xf32>
      %get3A_126 = arith.constant 1 : i32
      %get3A_127 = arith.index_cast %get3A_126 : i32 to index
      %get3A_128 = arith.index_cast %mul3A_120 : i32 to index
      %get3A_129 = tpu.vector_load %arg9[%get3A_127, %get3A_128] {strides = array<i32>} : memref<8x4096xf32, #tpu.memory_space<vmem>>, vector<16xf32>,
      %mul3A_130 = arith.mulf %gather3A_49, %get3A_129 : vector<16xf32>
      %add3A_131 = arith.addf %mul3A_125, %mul3A_130 : vector<16xf32>
      %get3A_132 = arith.constant 2 : i32
      %get3A_133 = arith.index_cast %get3A_132 : i32 to index
      %get3A_134 = arith.index_cast %mul3A_120 : i32 to index
      %get3A_135 = tpu.vector_load %arg9[%get3A_133, %get3A_134] {strides = array<i32>} : memref<8x4096xf32, #tpu.memory_space<vmem>>, vector<16xf32>,
      %mul3A_136 = arith.mulf %gather3A_52, %get3A_135 : vector<16xf32>
      %add3A_137 = arith.addf %add3A_131, %mul3A_136 : vector<16xf32>
      %get3A_138 = arith.constant 3 : i32
      %get3A_139 = arith.index_cast %get3A_138 : i32 to index
      %get3A_140 = arith.index_cast %mul3A_120 : i32 to index
      %get3A_141 = tpu.vector_load %arg9[%get3A_139, %get3A_140] {strides = array<i32>} : memref<8x4096xf32, #tpu.memory_space<vmem>>, vector<16xf32>,
      %mul3A_142 = arith.mulf %gather3A_55, %get3A_141 : vector<16xf32>
      %add3A_143 = arith.addf %add3A_137, %mul3A_142 : vector<16xf32>
      %get3A_144 = arith.constant 4 : i32
      %get3A_145 = arith.index_cast %get3A_144 : i32 to index
      %get3A_146 = arith.index_cast %mul3A_120 : i32 to index
      %get3A_147 = tpu.vector_load %arg9[%get3A_145, %get3A_146] {strides = array<i32>} : memref<8x4096xf32, #tpu.memory_space<vmem>>, vector<16xf32>,
      %mul3A_148 = arith.mulf %gather3A_58, %get3A_147 : vector<16xf32>
      %add3A_149 = arith.addf %add3A_143, %mul3A_148 : vector<16xf32>
      %get3A_150 = arith.constant 5 : i32
      %get3A_151 = arith.index_cast %get3A_150 : i32 to index
      %get3A_152 = arith.index_cast %mul3A_120 : i32 to index
      %get3A_153 = tpu.vector_load %arg9[%get3A_151, %get3A_152] {strides = array<i32>} : memref<8x4096xf32, #tpu.memory_space<vmem>>, vector<16xf32>,
      %mul3A_154 = arith.mulf %gather3A_61, %get3A_153 : vector<16xf32>
      %add3A_155 = arith.addf %add3A_149, %mul3A_154 : vector<16xf32>
      %get3A_156 = arith.constant 6 : i32
      %get3A_157 = arith.index_cast %get3A_156 : i32 to index
      %get3A_158 = arith.index_cast %mul3A_120 : i32 to index
      %get3A_159 = tpu.vector_load %arg9[%get3A_157, %get3A_158] {strides = array<i32>} : memref<8x4096xf32, #tpu.memory_space<vmem>>, vector<16xf32>,
      %mul3A_160 = arith.mulf %gather3A_64, %get3A_159 : vector<16xf32>
      %add3A_161 = arith.addf %add3A_155, %mul3A_160 : vector<16xf32>
      %get3A_162 = arith.constant 7 : i32
      %get3A_163 = arith.index_cast %get3A_162 : i32 to index
      %get3A_164 = arith.index_cast %mul3A_120 : i32 to index
      %get3A_165 = tpu.vector_load %arg9[%get3A_163, %get3A_164] {strides = array<i32>} : memref<8x4096xf32, #tpu.memory_space<vmem>>, vector<16xf32>,
      %mul3A_166 = arith.mulf %gather3A_67, %get3A_165 : vector<16xf32>
      %add3A_167 = arith.addf %add3A_161, %mul3A_166 : vector<16xf32>
      %swap3A_168 = arith.index_cast %mul3A_120 : i32 to index
      %swap3A_169 = tpu.vector_load %arg11[%swap3A_168] {strides = array<i32>} : memref<4096xf32, #tpu.memory_space<vmem>>, vector<16xf32>,
      tpu.vector_store %arg11[%swap3A_168], %add3A_167 {strides = array<i32>} : memref<4096xf32, #tpu.memory_space<vmem>>, vector<16xf32>,
      %scan3A_170 = arith.constant 0 : i32
      %scan3A_171 = arith.constant 1 : i32
      %scan3A_172 = arith.addi %scan3A_117, %scan3A_171 : i32
      %mul3A_173 = arith.constant 16 : i32
      %mul3A_174 = arith.muli %scan3A_172, %mul3A_173 : i32
      %get3A_175 = arith.constant 0 : i32
      %get3A_176 = arith.index_cast %get3A_175 : i32 to index
      %get3A_177 = arith.index_cast %mul3A_174 : i32 to index
      %get3A_178 = tpu.vector_load %arg9[%get3A_176, %get3A_177] {strides = array<i32>} : memref<8x4096xf32, #tpu.memory_space<vmem>>, vector<16xf32>,
      %mul3A_179 = arith.mulf %gather3A, %get3A_178 : vector<16xf32>
      %get3A_180 = arith.constant 1 : i32
      %get3A_181 = arith.index_cast %get3A_180 : i32 to index
      %get3A_182 = arith.index_cast %mul3A_174 : i32 to index
      %get3A_183 = tpu.vector_load %arg9[%get3A_181, %get3A_182] {strides = array<i32>} : memref<8x4096xf32, #tpu.memory_space<vmem>>, vector<16xf32>,
      %mul3A_184 = arith.mulf %gather3A_49, %get3A_183 : vector<16xf32>
      %add3A_185 = arith.addf %mul3A_179, %mul3A_184 : vector<16xf32>
      %get3A_186 = arith.constant 2 : i32
      %get3A_187 = arith.index_cast %get3A_186 : i32 to index
      %get3A_188 = arith.index_cast %mul3A_174 : i32 to index
      %get3A_189 = tpu.vector_load %arg9[%get3A_187, %get3A_188] {strides = array<i32>} : memref<8x4096xf32, #tpu.memory_space<vmem>>, vector<16xf32>,
      %mul3A_190 = arith.mulf %gather3A_52, %get3A_189 : vector<16xf32>
      %add3A_191 = arith.addf %add3A_185, %mul3A_190 : vector<16xf32>
      %get3A_192 = arith.constant 3 : i32
      %get3A_193 = arith.index_cast %get3A_192 : i32 to index
      %get3A_194 = arith.index_cast %mul3A_174 : i32 to index
      %get3A_195 = tpu.vector_load %arg9[%get3A_193, %get3A_194] {strides = array<i32>} : memref<8x4096xf32, #tpu.memory_space<vmem>>, vector<16xf32>,
      %mul3A_196 = arith.mulf %gather3A_55, %get3A_195 : vector<16xf32>
      %add3A_197 = arith.addf %add3A_191, %mul3A_196 : vector<16xf32>
      %get3A_198 = arith.constant 4 : i32
      %get3A_199 = arith.index_cast %get3A_198 : i32 to index
      %get3A_200 = arith.index_cast %mul3A_174 : i32 to index
      %get3A_201 = tpu.vector_load %arg9[%get3A_199, %get3A_200] {strides = array<i32>} : memref<8x4096xf32, #tpu.memory_space<vmem>>, vector<16xf32>,
      %mul3A_202 = arith.mulf %gather3A_58, %get3A_201 : vector<16xf32>
      %add3A_203 = arith.addf %add3A_197, %mul3A_202 : vector<16xf32>
      %get3A_204 = arith.constant 5 : i32
      %get3A_205 = arith.index_cast %get3A_204 : i32 to index
      %get3A_206 = arith.index_cast %mul3A_174 : i32 to index
      %get3A_207 = tpu.vector_load %arg9[%get3A_205, %get3A_206] {strides = array<i32>} : memref<8x4096xf32, #tpu.memory_space<vmem>>, vector<16xf32>,
      %mul3A_208 = arith.mulf %gather3A_61, %get3A_207 : vector<16xf32>
      %add3A_209 = arith.addf %add3A_203, %mul3A_208 : vector<16xf32>
      %get3A_210 = arith.constant 6 : i32
      %get3A_211 = arith.index_cast %get3A_210 : i32 to index
      %get3A_212 = arith.index_cast %mul3A_174 : i32 to index
      %get3A_213 = tpu.vector_load %arg9[%get3A_211, %get3A_212] {strides = array<i32>} : memref<8x4096xf32, #tpu.memory_space<vmem>>, vector<16xf32>,
      %mul3A_214 = arith.mulf %gather3A_64, %get3A_213 : vector<16xf32>
      %add3A_215 = arith.addf %add3A_209, %mul3A_214 : vector<16xf32>
      %get3A_216 = arith.constant 7 : i32
      %get3A_217 = arith.index_cast %get3A_216 : i32 to index
      %get3A_218 = arith.index_cast %mul3A_174 : i32 to index
      %get3A_219 = tpu.vector_load %arg9[%get3A_217, %get3A_218] {strides = array<i32>} : memref<8x4096xf32, #tpu.memory_space<vmem>>, vector<16xf32>,
      %mul3A_220 = arith.mulf %gather3A_67, %get3A_219 : vector<16xf32>
      %add3A_221 = arith.addf %add3A_215, %mul3A_220 : vector<16xf32>
      %swap3A_222 = arith.index_cast %mul3A_174 : i32 to index
      %swap3A_223 = tpu.vector_load %arg11[%swap3A_222] {strides = array<i32>} : memref<4096xf32, #tpu.memory_space<vmem>>, vector<16xf32>,
      tpu.vector_store %arg11[%swap3A_222], %add3A_221 {strides = array<i32>} : memref<4096xf32, #tpu.memory_space<vmem>>, vector<16xf32>,
      %scan3A_224 = arith.constant 0 : i32
      %scan3A_225 = arith.constant 2 : i32
      %scan3A_226 = arith.addi %scan3A_117, %scan3A_225 : i32
      %mul3A_227 = arith.constant 16 : i32
      %mul3A_228 = arith.muli %scan3A_226, %mul3A_227 : i32
      %get3A_229 = arith.constant 0 : i32
      %get3A_230 = arith.index_cast %get3A_229 : i32 to index
      %get3A_231 = arith.index_cast %mul3A_228 : i32 to index
      %get3A_232 = tpu.vector_load %arg9[%get3A_230, %get3A_231] {strides = array<i32>} : memref<8x4096xf32, #tpu.memory_space<vmem>>, vector<16xf32>,
      %mul3A_233 = arith.mulf %gather3A, %get3A_232 : vector<16xf32>
      %get3A_234 = arith.constant 1 : i32
      %get3A_235 = arith.index_cast %get3A_234 : i32 to index
      %get3A_236 = arith.index_cast %mul3A_228 : i32 to index
      %get3A_237 = tpu.vector_load %arg9[%get3A_235, %get3A_236] {strides = array<i32>} : memref<8x4096xf32, #tpu.memory_space<vmem>>, vector<16xf32>,
      %mul3A_238 = arith.mulf %gather3A_49, %get3A_237 : vector<16xf32>
      %add3A_239 = arith.addf %mul3A_233, %mul3A_238 : vector<16xf32>
      %get3A_240 = arith.constant 2 : i32
      %get3A_241 = arith.index_cast %get3A_240 : i32 to index
      %get3A_242 = arith.index_cast %mul3A_228 : i32 to index
      %get3A_243 = tpu.vector_load %arg9[%get3A_241, %get3A_242] {strides = array<i32>} : memref<8x4096xf32, #tpu.memory_space<vmem>>, vector<16xf32>,
      %mul3A_244 = arith.mulf %gather3A_52, %get3A_243 : vector<16xf32>
      %add3A_245 = arith.addf %add3A_239, %mul3A_244 : vector<16xf32>
      %get3A_246 = arith.constant 3 : i32
      %get3A_247 = arith.index_cast %get3A_246 : i32 to index
      %get3A_248 = arith.index_cast %mul3A_228 : i32 to index
      %get3A_249 = tpu.vector_load %arg9[%get3A_247, %get3A_248] {strides = array<i32>} : memref<8x4096xf32, #tpu.memory_space<vmem>>, vector<16xf32>,
      %mul3A_250 = arith.mulf %gather3A_55, %get3A_249 : vector<16xf32>
      %add3A_251 = arith.addf %add3A_245, %mul3A_250 : vector<16xf32>
      %get3A_252 = arith.constant 4 : i32
      %get3A_253 = arith.index_cast %get3A_252 : i32 to index
      %get3A_254 = arith.index_cast %mul3A_228 : i32 to index
      %get3A_255 = tpu.vector_load %arg9[%get3A_253, %get3A_254] {strides = array<i32>} : memref<8x4096xf32, #tpu.memory_space<vmem>>, vector<16xf32>,
      %mul3A_256 = arith.mulf %gather3A_58, %get3A_255 : vector<16xf32>
      %add3A_257 = arith.addf %add3A_251, %mul3A_256 : vector<16xf32>
      %get3A_258 = arith.constant 5 : i32
      %get3A_259 = arith.index_cast %get3A_258 : i32 to index
      %get3A_260 = arith.index_cast %mul3A_228 : i32 to index
      %get3A_261 = tpu.vector_load %arg9[%get3A_259, %get3A_260] {strides = array<i32>} : memref<8x4096xf32, #tpu.memory_space<vmem>>, vector<16xf32>,
      %mul3A_262 = arith.mulf %gather3A_61, %get3A_261 : vector<16xf32>
      %add3A_263 = arith.addf %add3A_257, %mul3A_262 : vector<16xf32>
      %get3A_264 = arith.constant 6 : i32
      %get3A_265 = arith.index_cast %get3A_264 : i32 to index
      %get3A_266 = arith.index_cast %mul3A_228 : i32 to index
      %get3A_267 = tpu.vector_load %arg9[%get3A_265, %get3A_266] {strides = array<i32>} : memref<8x4096xf32, #tpu.memory_space<vmem>>, vector<16xf32>,
      %mul3A_268 = arith.mulf %gather3A_64, %get3A_267 : vector<16xf32>
      %add3A_269 = arith.addf %add3A_263, %mul3A_268 : vector<16xf32>
      %get3A_270 = arith.constant 7 : i32
      %get3A_271 = arith.index_cast %get3A_270 : i32 to index
      %get3A_272 = arith.index_cast %mul3A_228 : i32 to index
      %get3A_273 = tpu.vector_load %arg9[%get3A_271, %get3A_272] {strides = array<i32>} : memref<8x4096xf32, #tpu.memory_space<vmem>>, vector<16xf32>,
      %mul3A_274 = arith.mulf %gather3A_67, %get3A_273 : vector<16xf32>
      %add3A_275 = arith.addf %add3A_269, %mul3A_274 : vector<16xf32>
      %swap3A_276 = arith.index_cast %mul3A_228 : i32 to index
      %swap3A_277 = tpu.vector_load %arg11[%swap3A_276] {strides = array<i32>} : memref<4096xf32, #tpu.memory_space<vmem>>, vector<16xf32>,
      tpu.vector_store %arg11[%swap3A_276], %add3A_275 {strides = array<i32>} : memref<4096xf32, #tpu.memory_space<vmem>>, vector<16xf32>,
      %scan3A_278 = arith.constant 0 : i32
      %scan3A_279 = arith.constant 3 : i32
      %scan3A_280 = arith.addi %scan3A_117, %scan3A_279 : i32
      %mul3A_281 = arith.constant 16 : i32
      %mul3A_282 = arith.muli %scan3A_280, %mul3A_281 : i32
      %get3A_283 = arith.constant 0 : i32
      %get3A_284 = arith.index_cast %get3A_283 : i32 to index
      %get3A_285 = arith.index_cast %mul3A_282 : i32 to index
      %get3A_286 = tpu.vector_load %arg9[%get3A_284, %get3A_285] {strides = array<i32>} : memref<8x4096xf32, #tpu.memory_space<vmem>>, vector<16xf32>,
      %mul3A_287 = arith.mulf %gather3A, %get3A_286 : vector<16xf32>
      %get3A_288 = arith.constant 1 : i32
      %get3A_289 = arith.index_cast %get3A_288 : i32 to index
      %get3A_290 = arith.index_cast %mul3A_282 : i32 to index
      %get3A_291 = tpu.vector_load %arg9[%get3A_289, %get3A_290] {strides = array<i32>} : memref<8x4096xf32, #tpu.memory_space<vmem>>, vector<16xf32>,
      %mul3A_292 = arith.mulf %gather3A_49, %get3A_291 : vector<16xf32>
      %add3A_293 = arith.addf %mul3A_287, %mul3A_292 : vector<16xf32>
      %get3A_294 = arith.constant 2 : i32
      %get3A_295 = arith.index_cast %get3A_294 : i32 to index
      %get3A_296 = arith.index_cast %mul3A_282 : i32 to index
      %get3A_297 = tpu.vector_load %arg9[%get3A_295, %get3A_296] {strides = array<i32>} : memref<8x4096xf32, #tpu.memory_space<vmem>>, vector<16xf32>,
      %mul3A_298 = arith.mulf %gather3A_52, %get3A_297 : vector<16xf32>
      %add3A_299 = arith.addf %add3A_293, %mul3A_298 : vector<16xf32>
      %get3A_300 = arith.constant 3 : i32
      %get3A_301 = arith.index_cast %get3A_300 : i32 to index
      %get3A_302 = arith.index_cast %mul3A_282 : i32 to index
      %get3A_303 = tpu.vector_load %arg9[%get3A_301, %get3A_302] {strides = array<i32>} : memref<8x4096xf32, #tpu.memory_space<vmem>>, vector<16xf32>,
      %mul3A_304 = arith.mulf %gather3A_55, %get3A_303 : vector<16xf32>
      %add3A_305 = arith.addf %add3A_299, %mul3A_304 : vector<16xf32>
      %get3A_306 = arith.constant 4 : i32
      %get3A_307 = arith.index_cast %get3A_306 : i32 to index
      %get3A_308 = arith.index_cast %mul3A_282 : i32 to index
      %get3A_309 = tpu.vector_load %arg9[%get3A_307, %get3A_308] {strides = array<i32>} : memref<8x4096xf32, #tpu.memory_space<vmem>>, vector<16xf32>,
      %mul3A_310 = arith.mulf %gather3A_58, %get3A_309 : vector<16xf32>
      %add3A_311 = arith.addf %add3A_305, %mul3A_310 : vector<16xf32>
      %get3A_312 = arith.constant 5 : i32
      %get3A_313 = arith.index_cast %get3A_312 : i32 to index
      %get3A_314 = arith.index_cast %mul3A_282 : i32 to index
      %get3A_315 = tpu.vector_load %arg9[%get3A_313, %get3A_314] {strides = array<i32>} : memref<8x4096xf32, #tpu.memory_space<vmem>>, vector<16xf32>,
      %mul3A_316 = arith.mulf %gather3A_61, %get3A_315 : vector<16xf32>
      %add3A_317 = arith.addf %add3A_311, %mul3A_316 : vector<16xf32>
      %get3A_318 = arith.constant 6 : i32
      %get3A_319 = arith.index_cast %get3A_318 : i32 to index
      %get3A_320 = arith.index_cast %mul3A_282 : i32 to index
      %get3A_321 = tpu.vector_load %arg9[%get3A_319, %get3A_320] {strides = array<i32>} : memref<8x4096xf32, #tpu.memory_space<vmem>>, vector<16xf32>,
      %mul3A_322 = arith.mulf %gather3A_64, %get3A_321 : vector<16xf32>
      %add3A_323 = arith.addf %add3A_317, %mul3A_322 : vector<16xf32>
      %get3A_324 = arith.constant 7 : i32
      %get3A_325 = arith.index_cast %get3A_324 : i32 to index
      %get3A_326 = arith.index_cast %mul3A_282 : i32 to index
      %get3A_327 = tpu.vector_load %arg9[%get3A_325, %get3A_326] {strides = array<i32>} : memref<8x4096xf32, #tpu.memory_space<vmem>>, vector<16xf32>,
      %mul3A_328 = arith.mulf %gather3A_67, %get3A_327 : vector<16xf32>
      %add3A_329 = arith.addf %add3A_323, %mul3A_328 : vector<16xf32>
      %swap3A_330 = arith.index_cast %mul3A_282 : i32 to index
      %swap3A_331 = tpu.vector_load %arg11[%swap3A_330] {strides = array<i32>} : memref<4096xf32, #tpu.memory_space<vmem>>, vector<16xf32>,
      tpu.vector_store %arg11[%swap3A_330], %add3A_329 {strides = array<i32>} : memref<4096xf32, #tpu.memory_space<vmem>>, vector<16xf32>,
      %scan3A_332 = arith.constant 0 : i32
      scf.yield %scan3A_332 : i32
    }
    %scan3A_73 = arith.constant 256 : i32
    %scan3A_74 = arith.constant 0 : i32
    %scan3A_75 = arith.constant 0 : i32
    %scan3A_76 = arith.constant 7 : i32
    %scan3A_77 = arith.addi %scan3A_75, %scan3A_76 : i32
    %scan3A_78 = arith.constant 1 : i32
    %scan3A_79 = scf.for %scan3A_117 = %scan3A_75 to %scan3A_77 step %scan3A_78 iter_args(%scan3A_118 = %scan3A_74) -> (i32)  : i32 {
      %mul3A_119 = arith.constant 2 : i32
      %mul3A_120 = arith.muli %mul3A_119, %scan3A_117 : i32
      %add3A_121 = arith.constant 2 : i32
      %add3A_122 = arith.addi %mul3A_120, %add3A_121 : i32
      %mul3A_123 = arith.constant 8 : i32
      %mul3A_124 = arith.muli %add3A_122, %mul3A_123 : i32
      %dma_start3A_125 = tpu.memref_slice %arg7[%mul3A_124] : memref<128xi32, #tpu.memory_space<vmem>> -> memref<8xi32, #tpu.memory_space<vmem>>
      %dma_start3A_126 = arith.constant 0 : i32
      %dma_start3A_127 = arith.constant 0 : i32
      %dma_start3A_128 = tpu.memref_slice %arg2[%dma_start3A_126, %dma_start3A_127] : memref<8192x4096xf32, #tpu.memory_space<hbm>> -> memref<8192x4096xf32, #tpu.memory_space<hbm>>
      tpu.enqueue_indirect_dma source(%dma_start3A_128 : memref<8192x4096xf32, #tpu.memory_space<hbm>>) target(%arg9 : memref<8x4096xf32, #tpu.memory_space<vmem>>) offsets(%dma_start3A_125 : memref<8xi32, #tpu.memory_space<vmem>>) semaphore(%arg13 : memref<!tpu.dma_semaphore, #tpu.memory_space<semaphore_mem>>)
      %add3A_129 = arith.constant 1 : i32
      %add3A_130 = arith.addi %mul3A_120, %add3A_129 : i32
      %mul3A_131 = arith.constant 8 : i32
      %mul3A_132 = arith.muli %add3A_130, %mul3A_131 : i32
      %dma_wait3A_133 = tpu.memref_slice %arg7[%mul3A_132] : memref<128xi32, #tpu.memory_space<vmem>> -> memref<8xi32, #tpu.memory_space<vmem>>
      %dma_wait3A_134 = arith.constant 0 : i32
      %dma_wait3A_135 = arith.constant 0 : i32
      %dma_wait3A_136 = tpu.memref_slice %arg2[%dma_wait3A_134, %dma_wait3A_135] : memref<8192x4096xf32, #tpu.memory_space<hbm>> -> memref<8192x4096xf32, #tpu.memory_space<hbm>>
      tpu.wait_indirect_dma semaphore(%arg14 : memref<!tpu.dma_semaphore, #tpu.memory_space<semaphore_mem>>) src(%dma_wait3A_136 : memref<8192x4096xf32, #tpu.memory_space<hbm>>) dst(%arg10 : memref<8x4096xf32, #tpu.memory_space<vmem>>)
      %add3A_137 = arith.constant 1 : i32
      %add3A_138 = arith.addi %mul3A_120, %add3A_137 : i32
      %mul3A_139 = arith.constant 8 : i32
      %mul3A_140 = arith.muli %add3A_138, %mul3A_139 : i32
      %add3A_141 = arith.constant 0 : i32
      %add3A_142 = arith.addi %mul3A_140, %add3A_141 : i32
      %broadcast_in_dim3A_143 = vector.broadcast %add3A_142 : i32 to vector<16xi32>
      %gather3A_144 = tpu.vector_load_idx %arg8[%broadcast_in_dim3A_143] : memref<128xf32, #tpu.memory_space<vmem>>[vector<16xi32>], vector<16xf32>,
      %mul3A_145 = arith.constant 8 : i32
      %mul3A_146 = arith.muli %add3A_138, %mul3A_145 : i32
      %add3A_147 = arith.constant 1 : i32
      %add3A_148 = arith.addi %mul3A_146, %add3A_147 : i32
      %broadcast_in_dim3A_149 = vector.broadcast %add3A_148 : i32 to vector<16xi32>
      %gather3A_150 = tpu.vector_load_idx %arg8[%broadcast_in_dim3A_149] : memref<128xf32, #tpu.memory_space<vmem>>[vector<16xi32>], vector<16xf32>,
      %mul3A_151 = arith.constant 8 : i32
      %mul3A_152 = arith.muli %add3A_138, %mul3A_151 : i32
      %add3A_153 = arith.constant 2 : i32
      %add3A_154 = arith.addi %mul3A_152, %add3A_153 : i32
      %broadcast_in_dim3A_155 = vector.broadcast %add3A_154 : i32 to vector<16xi32>
      %gather3A_156 = tpu.vector_load_idx %arg8[%broadcast_in_dim3A_155] : memref<128xf32, #tpu.memory_space<vmem>>[vector<16xi32>], vector<16xf32>,
      %mul3A_157 = arith.constant 8 : i32
      %mul3A_158 = arith.muli %add3A_138, %mul3A_157 : i32
      %add3A_159 = arith.constant 3 : i32
      %add3A_160 = arith.addi %mul3A_158, %add3A_159 : i32
      %broadcast_in_dim3A_161 = vector.broadcast %add3A_160 : i32 to vector<16xi32>
      %gather3A_162 = tpu.vector_load_idx %arg8[%broadcast_in_dim3A_161] : memref<128xf32, #tpu.memory_space<vmem>>[vector<16xi32>], vector<16xf32>,
      %mul3A_163 = arith.constant 8 : i32
      %mul3A_164 = arith.muli %add3A_138, %mul3A_163 : i32
      %add3A_165 = arith.constant 4 : i32
      %add3A_166 = arith.addi %mul3A_164, %add3A_165 : i32
      %broadcast_in_dim3A_167 = vector.broadcast %add3A_166 : i32 to vector<16xi32>
      %gather3A_168 = tpu.vector_load_idx %arg8[%broadcast_in_dim3A_167] : memref<128xf32, #tpu.memory_space<vmem>>[vector<16xi32>], vector<16xf32>,
      %mul3A_169 = arith.constant 8 : i32
      %mul3A_170 = arith.muli %add3A_138, %mul3A_169 : i32
      %add3A_171 = arith.constant 5 : i32
      %add3A_172 = arith.addi %mul3A_170, %add3A_171 : i32
      %broadcast_in_dim3A_173 = vector.broadcast %add3A_172 : i32 to vector<16xi32>
      %gather3A_174 = tpu.vector_load_idx %arg8[%broadcast_in_dim3A_173] : memref<128xf32, #tpu.memory_space<vmem>>[vector<16xi32>], vector<16xf32>,
      %mul3A_175 = arith.constant 8 : i32
      %mul3A_176 = arith.muli %add3A_138, %mul3A_175 : i32
      %add3A_177 = arith.constant 6 : i32
      %add3A_178 = arith.addi %mul3A_176, %add3A_177 : i32
      %broadcast_in_dim3A_179 = vector.broadcast %add3A_178 : i32 to vector<16xi32>
      %gather3A_180 = tpu.vector_load_idx %arg8[%broadcast_in_dim3A_179] : memref<128xf32, #tpu.memory_space<vmem>>[vector<16xi32>], vector<16xf32>,
      %mul3A_181 = arith.constant 8 : i32
      %mul3A_182 = arith.muli %add3A_138, %mul3A_181 : i32
      %add3A_183 = arith.constant 7 : i32
      %add3A_184 = arith.addi %mul3A_182, %add3A_183 : i32
      %broadcast_in_dim3A_185 = vector.broadcast %add3A_184 : i32 to vector<16xi32>
      %gather3A_186 = tpu.vector_load_idx %arg8[%broadcast_in_dim3A_185] : memref<128xf32, #tpu.memory_space<vmem>>[vector<16xi32>], vector<16xf32>,
      %scan3A_187 = arith.constant 0 : i32
      %scan3A_188 = arith.constant 0 : i32
      %scan3A_189 = arith.constant 256 : i32
      %scan3A_190 = arith.addi %scan3A_188, %scan3A_189 : i32
      %scan3A_191 = arith.constant 4 : i32
      %scan3A_192 = scf.for %scan3A_268 = %scan3A_188 to %scan3A_190 step %scan3A_191 iter_args(%scan3A_269 = %scan3A_187) -> (i32)  : i32 {
        %mul3A_270 = arith.constant 16 : i32
        %mul3A_271 = arith.muli %scan3A_268, %mul3A_270 : i32
        %get3A_272 = arith.index_cast %mul3A_271 : i32 to index
        %get3A_273 = tpu.vector_load %arg11[%get3A_272] {strides = array<i32>} : memref<4096xf32, #tpu.memory_space<vmem>>, vector<16xf32>,
        %get3A_274 = arith.constant 0 : i32
        %get3A_275 = arith.index_cast %get3A_274 : i32 to index
        %get3A_276 = arith.index_cast %mul3A_271 : i32 to index
        %get3A_277 = tpu.vector_load %arg10[%get3A_275, %get3A_276] {strides = array<i32>} : memref<8x4096xf32, #tpu.memory_space<vmem>>, vector<16xf32>,
        %mul3A_278 = arith.mulf %gather3A_144, %get3A_277 : vector<16xf32>
        %add3A_279 = arith.addf %get3A_273, %mul3A_278 : vector<16xf32>
        %get3A_280 = arith.constant 1 : i32
        %get3A_281 = arith.index_cast %get3A_280 : i32 to index
        %get3A_282 = arith.index_cast %mul3A_271 : i32 to index
        %get3A_283 = tpu.vector_load %arg10[%get3A_281, %get3A_282] {strides = array<i32>} : memref<8x4096xf32, #tpu.memory_space<vmem>>, vector<16xf32>,
        %mul3A_284 = arith.mulf %gather3A_150, %get3A_283 : vector<16xf32>
        %add3A_285 = arith.addf %add3A_279, %mul3A_284 : vector<16xf32>
        %get3A_286 = arith.constant 2 : i32
        %get3A_287 = arith.index_cast %get3A_286 : i32 to index
        %get3A_288 = arith.index_cast %mul3A_271 : i32 to index
        %get3A_289 = tpu.vector_load %arg10[%get3A_287, %get3A_288] {strides = array<i32>} : memref<8x4096xf32, #tpu.memory_space<vmem>>, vector<16xf32>,
        %mul3A_290 = arith.mulf %gather3A_156, %get3A_289 : vector<16xf32>
        %add3A_291 = arith.addf %add3A_285, %mul3A_290 : vector<16xf32>
        %get3A_292 = arith.constant 3 : i32
        %get3A_293 = arith.index_cast %get3A_292 : i32 to index
        %get3A_294 = arith.index_cast %mul3A_271 : i32 to index
        %get3A_295 = tpu.vector_load %arg10[%get3A_293, %get3A_294] {strides = array<i32>} : memref<8x4096xf32, #tpu.memory_space<vmem>>, vector<16xf32>,
        %mul3A_296 = arith.mulf %gather3A_162, %get3A_295 : vector<16xf32>
        %add3A_297 = arith.addf %add3A_291, %mul3A_296 : vector<16xf32>
        %get3A_298 = arith.constant 4 : i32
        %get3A_299 = arith.index_cast %get3A_298 : i32 to index
        %get3A_300 = arith.index_cast %mul3A_271 : i32 to index
        %get3A_301 = tpu.vector_load %arg10[%get3A_299, %get3A_300] {strides = array<i32>} : memref<8x4096xf32, #tpu.memory_space<vmem>>, vector<16xf32>,
        %mul3A_302 = arith.mulf %gather3A_168, %get3A_301 : vector<16xf32>
        %add3A_303 = arith.addf %add3A_297, %mul3A_302 : vector<16xf32>
        %get3A_304 = arith.constant 5 : i32
        %get3A_305 = arith.index_cast %get3A_304 : i32 to index
        %get3A_306 = arith.index_cast %mul3A_271 : i32 to index
        %get3A_307 = tpu.vector_load %arg10[%get3A_305, %get3A_306] {strides = array<i32>} : memref<8x4096xf32, #tpu.memory_space<vmem>>, vector<16xf32>,
        %mul3A_308 = arith.mulf %gather3A_174, %get3A_307 : vector<16xf32>
        %add3A_309 = arith.addf %add3A_303, %mul3A_308 : vector<16xf32>
        %get3A_310 = arith.constant 6 : i32
        %get3A_311 = arith.index_cast %get3A_310 : i32 to index
        %get3A_312 = arith.index_cast %mul3A_271 : i32 to index
        %get3A_313 = tpu.vector_load %arg10[%get3A_311, %get3A_312] {strides = array<i32>} : memref<8x4096xf32, #tpu.memory_space<vmem>>, vector<16xf32>,
        %mul3A_314 = arith.mulf %gather3A_180, %get3A_313 : vector<16xf32>
        %add3A_315 = arith.addf %add3A_309, %mul3A_314 : vector<16xf32>
        %get3A_316 = arith.constant 7 : i32
        %get3A_317 = arith.index_cast %get3A_316 : i32 to index
        %get3A_318 = arith.index_cast %mul3A_271 : i32 to index
        %get3A_319 = tpu.vector_load %arg10[%get3A_317, %get3A_318] {strides = array<i32>} : memref<8x4096xf32, #tpu.memory_space<vmem>>, vector<16xf32>,
        %mul3A_320 = arith.mulf %gather3A_186, %get3A_319 : vector<16xf32>
        %add3A_321 = arith.addf %add3A_315, %mul3A_320 : vector<16xf32>
        %swap3A_322 = arith.index_cast %mul3A_271 : i32 to index
        %swap3A_323 = tpu.vector_load %arg11[%swap3A_322] {strides = array<i32>} : memref<4096xf32, #tpu.memory_space<vmem>>, vector<16xf32>,
        tpu.vector_store %arg11[%swap3A_322], %add3A_321 {strides = array<i32>} : memref<4096xf32, #tpu.memory_space<vmem>>, vector<16xf32>,
        %scan3A_324 = arith.constant 0 : i32
        %scan3A_325 = arith.constant 1 : i32
        %scan3A_326 = arith.addi %scan3A_268, %scan3A_325 : i32
        %mul3A_327 = arith.constant 16 : i32
        %mul3A_328 = arith.muli %scan3A_326, %mul3A_327 : i32
        %get3A_329 = arith.index_cast %mul3A_328 : i32 to index
        %get3A_330 = tpu.vector_load %arg11[%get3A_329] {strides = array<i32>} : memref<4096xf32, #tpu.memory_space<vmem>>, vector<16xf32>,
        %get3A_331 = arith.constant 0 : i32
        %get3A_332 = arith.index_cast %get3A_331 : i32 to index
        %get3A_333 = arith.index_cast %mul3A_328 : i32 to index
        %get3A_334 = tpu.vector_load %arg10[%get3A_332, %get3A_333] {strides = array<i32>} : memref<8x4096xf32, #tpu.memory_space<vmem>>, vector<16xf32>,
        %mul3A_335 = arith.mulf %gather3A_144, %get3A_334 : vector<16xf32>
        %add3A_336 = arith.addf %get3A_330, %mul3A_335 : vector<16xf32>
        %get3A_337 = arith.constant 1 : i32
        %get3A_338 = arith.index_cast %get3A_337 : i32 to index
        %get3A_339 = arith.index_cast %mul3A_328 : i32 to index
        %get3A_340 = tpu.vector_load %arg10[%get3A_338, %get3A_339] {strides = array<i32>} : memref<8x4096xf32, #tpu.memory_space<vmem>>, vector<16xf32>,
        %mul3A_341 = arith.mulf %gather3A_150, %get3A_340 : vector<16xf32>
        %add3A_342 = arith.addf %add3A_336, %mul3A_341 : vector<16xf32>
        %get3A_343 = arith.constant 2 : i32
        %get3A_344 = arith.index_cast %get3A_343 : i32 to index
        %get3A_345 = arith.index_cast %mul3A_328 : i32 to index
        %get3A_346 = tpu.vector_load %arg10[%get3A_344, %get3A_345] {strides = array<i32>} : memref<8x4096xf32, #tpu.memory_space<vmem>>, vector<16xf32>,
        %mul3A_347 = arith.mulf %gather3A_156, %get3A_346 : vector<16xf32>
        %add3A_348 = arith.addf %add3A_342, %mul3A_347 : vector<16xf32>
        %get3A_349 = arith.constant 3 : i32
        %get3A_350 = arith.index_cast %get3A_349 : i32 to index
        %get3A_351 = arith.index_cast %mul3A_328 : i32 to index
        %get3A_352 = tpu.vector_load %arg10[%get3A_350, %get3A_351] {strides = array<i32>} : memref<8x4096xf32, #tpu.memory_space<vmem>>, vector<16xf32>,
        %mul3A_353 = arith.mulf %gather3A_162, %get3A_352 : vector<16xf32>
        %add3A_354 = arith.addf %add3A_348, %mul3A_353 : vector<16xf32>
        %get3A_355 = arith.constant 4 : i32
        %get3A_356 = arith.index_cast %get3A_355 : i32 to index
        %get3A_357 = arith.index_cast %mul3A_328 : i32 to index
        %get3A_358 = tpu.vector_load %arg10[%get3A_356, %get3A_357] {strides = array<i32>} : memref<8x4096xf32, #tpu.memory_space<vmem>>, vector<16xf32>,
        %mul3A_359 = arith.mulf %gather3A_168, %get3A_358 : vector<16xf32>
        %add3A_360 = arith.addf %add3A_354, %mul3A_359 : vector<16xf32>
        %get3A_361 = arith.constant 5 : i32
        %get3A_362 = arith.index_cast %get3A_361 : i32 to index
        %get3A_363 = arith.index_cast %mul3A_328 : i32 to index
        %get3A_364 = tpu.vector_load %arg10[%get3A_362, %get3A_363] {strides = array<i32>} : memref<8x4096xf32, #tpu.memory_space<vmem>>, vector<16xf32>,
        %mul3A_365 = arith.mulf %gather3A_174, %get3A_364 : vector<16xf32>
        %add3A_366 = arith.addf %add3A_360, %mul3A_365 : vector<16xf32>
        %get3A_367 = arith.constant 6 : i32
        %get3A_368 = arith.index_cast %get3A_367 : i32 to index
        %get3A_369 = arith.index_cast %mul3A_328 : i32 to index
        %get3A_370 = tpu.vector_load %arg10[%get3A_368, %get3A_369] {strides = array<i32>} : memref<8x4096xf32, #tpu.memory_space<vmem>>, vector<16xf32>,
        %mul3A_371 = arith.mulf %gather3A_180, %get3A_370 : vector<16xf32>
        %add3A_372 = arith.addf %add3A_366, %mul3A_371 : vector<16xf32>
        %get3A_373 = arith.constant 7 : i32
        %get3A_374 = arith.index_cast %get3A_373 : i32 to index
        %get3A_375 = arith.index_cast %mul3A_328 : i32 to index
        %get3A_376 = tpu.vector_load %arg10[%get3A_374, %get3A_375] {strides = array<i32>} : memref<8x4096xf32, #tpu.memory_space<vmem>>, vector<16xf32>,
        %mul3A_377 = arith.mulf %gather3A_186, %get3A_376 : vector<16xf32>
        %add3A_378 = arith.addf %add3A_372, %mul3A_377 : vector<16xf32>
        %swap3A_379 = arith.index_cast %mul3A_328 : i32 to index
        %swap3A_380 = tpu.vector_load %arg11[%swap3A_379] {strides = array<i32>} : memref<4096xf32, #tpu.memory_space<vmem>>, vector<16xf32>,
        tpu.vector_store %arg11[%swap3A_379], %add3A_378 {strides = array<i32>} : memref<4096xf32, #tpu.memory_space<vmem>>, vector<16xf32>,
        %scan3A_381 = arith.constant 0 : i32
        %scan3A_382 = arith.constant 2 : i32
        %scan3A_383 = arith.addi %scan3A_268, %scan3A_382 : i32
        %mul3A_384 = arith.constant 16 : i32
        %mul3A_385 = arith.muli %scan3A_383, %mul3A_384 : i32
        %get3A_386 = arith.index_cast %mul3A_385 : i32 to index
        %get3A_387 = tpu.vector_load %arg11[%get3A_386] {strides = array<i32>} : memref<4096xf32, #tpu.memory_space<vmem>>, vector<16xf32>,
        %get3A_388 = arith.constant 0 : i32
        %get3A_389 = arith.index_cast %get3A_388 : i32 to index
        %get3A_390 = arith.index_cast %mul3A_385 : i32 to index
        %get3A_391 = tpu.vector_load %arg10[%get3A_389, %get3A_390] {strides = array<i32>} : memref<8x4096xf32, #tpu.memory_space<vmem>>, vector<16xf32>,
        %mul3A_392 = arith.mulf %gather3A_144, %get3A_391 : vector<16xf32>
        %add3A_393 = arith.addf %get3A_387, %mul3A_392 : vector<16xf32>
        %get3A_394 = arith.constant 1 : i32
        %get3A_395 = arith.index_cast %get3A_394 : i32 to index
        %get3A_396 = arith.index_cast %mul3A_385 : i32 to index
        %get3A_397 = tpu.vector_load %arg10[%get3A_395, %get3A_396] {strides = array<i32>} : memref<8x4096xf32, #tpu.memory_space<vmem>>, vector<16xf32>,
        %mul3A_398 = arith.mulf %gather3A_150, %get3A_397 : vector<16xf32>
        %add3A_399 = arith.addf %add3A_393, %mul3A_398 : vector<16xf32>
        %get3A_400 = arith.constant 2 : i32
        %get3A_401 = arith.index_cast %get3A_400 : i32 to index
        %get3A_402 = arith.index_cast %mul3A_385 : i32 to index
        %get3A_403 = tpu.vector_load %arg10[%get3A_401, %get3A_402] {strides = array<i32>} : memref<8x4096xf32, #tpu.memory_space<vmem>>, vector<16xf32>,
        %mul3A_404 = arith.mulf %gather3A_156, %get3A_403 : vector<16xf32>
        %add3A_405 = arith.addf %add3A_399, %mul3A_404 : vector<16xf32>
        %get3A_406 = arith.constant 3 : i32
        %get3A_407 = arith.index_cast %get3A_406 : i32 to index
        %get3A_408 = arith.index_cast %mul3A_385 : i32 to index
        %get3A_409 = tpu.vector_load %arg10[%get3A_407, %get3A_408] {strides = array<i32>} : memref<8x4096xf32, #tpu.memory_space<vmem>>, vector<16xf32>,
        %mul3A_410 = arith.mulf %gather3A_162, %get3A_409 : vector<16xf32>
        %add3A_411 = arith.addf %add3A_405, %mul3A_410 : vector<16xf32>
        %get3A_412 = arith.constant 4 : i32
        %get3A_413 = arith.index_cast %get3A_412 : i32 to index
        %get3A_414 = arith.index_cast %mul3A_385 : i32 to index
        %get3A_415 = tpu.vector_load %arg10[%get3A_413, %get3A_414] {strides = array<i32>} : memref<8x4096xf32, #tpu.memory_space<vmem>>, vector<16xf32>,
        %mul3A_416 = arith.mulf %gather3A_168, %get3A_415 : vector<16xf32>
        %add3A_417 = arith.addf %add3A_411, %mul3A_416 : vector<16xf32>
        %get3A_418 = arith.constant 5 : i32
        %get3A_419 = arith.index_cast %get3A_418 : i32 to index
        %get3A_420 = arith.index_cast %mul3A_385 : i32 to index
        %get3A_421 = tpu.vector_load %arg10[%get3A_419, %get3A_420] {strides = array<i32>} : memref<8x4096xf32, #tpu.memory_space<vmem>>, vector<16xf32>,
        %mul3A_422 = arith.mulf %gather3A_174, %get3A_421 : vector<16xf32>
        %add3A_423 = arith.addf %add3A_417, %mul3A_422 : vector<16xf32>
        %get3A_424 = arith.constant 6 : i32
        %get3A_425 = arith.index_cast %get3A_424 : i32 to index
        %get3A_426 = arith.index_cast %mul3A_385 : i32 to index
        %get3A_427 = tpu.vector_load %arg10[%get3A_425, %get3A_426] {strides = array<i32>} : memref<8x4096xf32, #tpu.memory_space<vmem>>, vector<16xf32>,
        %mul3A_428 = arith.mulf %gather3A_180, %get3A_427 : vector<16xf32>
        %add3A_429 = arith.addf %add3A_423, %mul3A_428 : vector<16xf32>
        %get3A_430 = arith.constant 7 : i32
        %get3A_431 = arith.index_cast %get3A_430 : i32 to index
        %get3A_432 = arith.index_cast %mul3A_385 : i32 to index
        %get3A_433 = tpu.vector_load %arg10[%get3A_431, %get3A_432] {strides = array<i32>} : memref<8x4096xf32, #tpu.memory_space<vmem>>, vector<16xf32>,
        %mul3A_434 = arith.mulf %gather3A_186, %get3A_433 : vector<16xf32>
        %add3A_435 = arith.addf %add3A_429, %mul3A_434 : vector<16xf32>
        %swap3A_436 = arith.index_cast %mul3A_385 : i32 to index
        %swap3A_437 = tpu.vector_load %arg11[%swap3A_436] {strides = array<i32>} : memref<4096xf32, #tpu.memory_space<vmem>>, vector<16xf32>,
        tpu.vector_store %arg11[%swap3A_436], %add3A_435 {strides = array<i32>} : memref<4096xf32, #tpu.memory_space<vmem>>, vector<16xf32>,
        %scan3A_438 = arith.constant 0 : i32
        %scan3A_439 = arith.constant 3 : i32
        %scan3A_440 = arith.addi %scan3A_268, %scan3A_439 : i32
        %mul3A_441 = arith.constant 16 : i32
        %mul3A_442 = arith.muli %scan3A_440, %mul3A_441 : i32
        %get3A_443 = arith.index_cast %mul3A_442 : i32 to index
        %get3A_444 = tpu.vector_load %arg11[%get3A_443] {strides = array<i32>} : memref<4096xf32, #tpu.memory_space<vmem>>, vector<16xf32>,
        %get3A_445 = arith.constant 0 : i32
        %get3A_446 = arith.index_cast %get3A_445 : i32 to index
        %get3A_447 = arith.index_cast %mul3A_442 : i32 to index
        %get3A_448 = tpu.vector_load %arg10[%get3A_446, %get3A_447] {strides = array<i32>} : memref<8x4096xf32, #tpu.memory_space<vmem>>, vector<16xf32>,
        %mul3A_449 = arith.mulf %gather3A_144, %get3A_448 : vector<16xf32>
        %add3A_450 = arith.addf %get3A_444, %mul3A_449 : vector<16xf32>
        %get3A_451 = arith.constant 1 : i32
        %get3A_452 = arith.index_cast %get3A_451 : i32 to index
        %get3A_453 = arith.index_cast %mul3A_442 : i32 to index
        %get3A_454 = tpu.vector_load %arg10[%get3A_452, %get3A_453] {strides = array<i32>} : memref<8x4096xf32, #tpu.memory_space<vmem>>, vector<16xf32>,
        %mul3A_455 = arith.mulf %gather3A_150, %get3A_454 : vector<16xf32>
        %add3A_456 = arith.addf %add3A_450, %mul3A_455 : vector<16xf32>
        %get3A_457 = arith.constant 2 : i32
        %get3A_458 = arith.index_cast %get3A_457 : i32 to index
        %get3A_459 = arith.index_cast %mul3A_442 : i32 to index
        %get3A_460 = tpu.vector_load %arg10[%get3A_458, %get3A_459] {strides = array<i32>} : memref<8x4096xf32, #tpu.memory_space<vmem>>, vector<16xf32>,
        %mul3A_461 = arith.mulf %gather3A_156, %get3A_460 : vector<16xf32>
        %add3A_462 = arith.addf %add3A_456, %mul3A_461 : vector<16xf32>
        %get3A_463 = arith.constant 3 : i32
        %get3A_464 = arith.index_cast %get3A_463 : i32 to index
        %get3A_465 = arith.index_cast %mul3A_442 : i32 to index
        %get3A_466 = tpu.vector_load %arg10[%get3A_464, %get3A_465] {strides = array<i32>} : memref<8x4096xf32, #tpu.memory_space<vmem>>, vector<16xf32>,
        %mul3A_467 = arith.mulf %gather3A_162, %get3A_466 : vector<16xf32>
        %add3A_468 = arith.addf %add3A_462, %mul3A_467 : vector<16xf32>
        %get3A_469 = arith.constant 4 : i32
        %get3A_470 = arith.index_cast %get3A_469 : i32 to index
        %get3A_471 = arith.index_cast %mul3A_442 : i32 to index
        %get3A_472 = tpu.vector_load %arg10[%get3A_470, %get3A_471] {strides = array<i32>} : memref<8x4096xf32, #tpu.memory_space<vmem>>, vector<16xf32>,
        %mul3A_473 = arith.mulf %gather3A_168, %get3A_472 : vector<16xf32>
        %add3A_474 = arith.addf %add3A_468, %mul3A_473 : vector<16xf32>
        %get3A_475 = arith.constant 5 : i32
        %get3A_476 = arith.index_cast %get3A_475 : i32 to index
        %get3A_477 = arith.index_cast %mul3A_442 : i32 to index
        %get3A_478 = tpu.vector_load %arg10[%get3A_476, %get3A_477] {strides = array<i32>} : memref<8x4096xf32, #tpu.memory_space<vmem>>, vector<16xf32>,
        %mul3A_479 = arith.mulf %gather3A_174, %get3A_478 : vector<16xf32>
        %add3A_480 = arith.addf %add3A_474, %mul3A_479 : vector<16xf32>
        %get3A_481 = arith.constant 6 : i32
        %get3A_482 = arith.index_cast %get3A_481 : i32 to index
        %get3A_483 = arith.index_cast %mul3A_442 : i32 to index
        %get3A_484 = tpu.vector_load %arg10[%get3A_482, %get3A_483] {strides = array<i32>} : memref<8x4096xf32, #tpu.memory_space<vmem>>, vector<16xf32>,
        %mul3A_485 = arith.mulf %gather3A_180, %get3A_484 : vector<16xf32>
        %add3A_486 = arith.addf %add3A_480, %mul3A_485 : vector<16xf32>
        %get3A_487 = arith.constant 7 : i32
        %get3A_488 = arith.index_cast %get3A_487 : i32 to index
        %get3A_489 = arith.index_cast %mul3A_442 : i32 to index
        %get3A_490 = tpu.vector_load %arg10[%get3A_488, %get3A_489] {strides = array<i32>} : memref<8x4096xf32, #tpu.memory_space<vmem>>, vector<16xf32>,
        %mul3A_491 = arith.mulf %gather3A_186, %get3A_490 : vector<16xf32>
        %add3A_492 = arith.addf %add3A_486, %mul3A_491 : vector<16xf32>
        %swap3A_493 = arith.index_cast %mul3A_442 : i32 to index
        %swap3A_494 = tpu.vector_load %arg11[%swap3A_493] {strides = array<i32>} : memref<4096xf32, #tpu.memory_space<vmem>>, vector<16xf32>,
        tpu.vector_store %arg11[%swap3A_493], %add3A_492 {strides = array<i32>} : memref<4096xf32, #tpu.memory_space<vmem>>, vector<16xf32>,
        %scan3A_495 = arith.constant 0 : i32
        scf.yield %scan3A_495 : i32
      }
      %scan3A_193 = arith.constant 256 : i32
      %add3A_194 = arith.constant 3 : i32
      %add3A_195 = arith.addi %mul3A_120, %add3A_194 : i32
      %mul3A_196 = arith.constant 8 : i32
      %mul3A_197 = arith.muli %add3A_195, %mul3A_196 : i32
      %dma_start3A_198 = tpu.memref_slice %arg7[%mul3A_197] : memref<128xi32, #tpu.memory_space<vmem>> -> memref<8xi32, #tpu.memory_space<vmem>>
      %dma_start3A_199 = arith.constant 0 : i32
      %dma_start3A_200 = arith.constant 0 : i32
      %dma_start3A_201 = tpu.memref_slice %arg2[%dma_start3A_199, %dma_start3A_200] : memref<8192x4096xf32, #tpu.memory_space<hbm>> -> memref<8192x4096xf32, #tpu.memory_space<hbm>>
      tpu.enqueue_indirect_dma source(%dma_start3A_201 : memref<8192x4096xf32, #tpu.memory_space<hbm>>) target(%arg10 : memref<8x4096xf32, #tpu.memory_space<vmem>>) offsets(%dma_start3A_198 : memref<8xi32, #tpu.memory_space<vmem>>) semaphore(%arg14 : memref<!tpu.dma_semaphore, #tpu.memory_space<semaphore_mem>>)
      %add3A_202 = arith.constant 2 : i32
      %add3A_203 = arith.addi %mul3A_120, %add3A_202 : i32
      %mul3A_204 = arith.constant 8 : i32
      %mul3A_205 = arith.muli %add3A_203, %mul3A_204 : i32
      %dma_wait3A_206 = tpu.memref_slice %arg7[%mul3A_205] : memref<128xi32, #tpu.memory_space<vmem>> -> memref<8xi32, #tpu.memory_space<vmem>>
      %dma_wait3A_207 = arith.constant 0 : i32
      %dma_wait3A_208 = arith.constant 0 : i32
      %dma_wait3A_209 = tpu.memref_slice %arg2[%dma_wait3A_207, %dma_wait3A_208] : memref<8192x4096xf32, #tpu.memory_space<hbm>> -> memref<8192x4096xf32, #tpu.memory_space<hbm>>
      tpu.wait_indirect_dma semaphore(%arg13 : memref<!tpu.dma_semaphore, #tpu.memory_space<semaphore_mem>>) src(%dma_wait3A_209 : memref<8192x4096xf32, #tpu.memory_space<hbm>>) dst(%arg9 : memref<8x4096xf32, #tpu.memory_space<vmem>>)
      %add3A_210 = arith.constant 2 : i32
      %add3A_211 = arith.addi %mul3A_120, %add3A_210 : i32
      %mul3A_212 = arith.constant 8 : i32
      %mul3A_213 = arith.muli %add3A_211, %mul3A_212 : i32
      %add3A_214 = arith.constant 0 : i32
      %add3A_215 = arith.addi %mul3A_213, %add3A_214 : i32
      %broadcast_in_dim3A_216 = vector.broadcast %add3A_215 : i32 to vector<16xi32>
      %gather3A_217 = tpu.vector_load_idx %arg8[%broadcast_in_dim3A_216] : memref<128xf32, #tpu.memory_space<vmem>>[vector<16xi32>], vector<16xf32>,
      %mul3A_218 = arith.constant 8 : i32
      %mul3A_219 = arith.muli %add3A_211, %mul3A_218 : i32
      %add3A_220 = arith.constant 1 : i32
      %add3A_221 = arith.addi %mul3A_219, %add3A_220 : i32
      %broadcast_in_dim3A_222 = vector.broadcast %add3A_221 : i32 to vector<16xi32>
      %gather3A_223 = tpu.vector_load_idx %arg8[%broadcast_in_dim3A_222] : memref<128xf32, #tpu.memory_space<vmem>>[vector<16xi32>], vector<16xf32>,
      %mul3A_224 = arith.constant 8 : i32
      %mul3A_225 = arith.muli %add3A_211, %mul3A_224 : i32
      %add3A_226 = arith.constant 2 : i32
      %add3A_227 = arith.addi %mul3A_225, %add3A_226 : i32
      %broadcast_in_dim3A_228 = vector.broadcast %add3A_227 : i32 to vector<16xi32>
      %gather3A_229 = tpu.vector_load_idx %arg8[%broadcast_in_dim3A_228] : memref<128xf32, #tpu.memory_space<vmem>>[vector<16xi32>], vector<16xf32>,
      %mul3A_230 = arith.constant 8 : i32
      %mul3A_231 = arith.muli %add3A_211, %mul3A_230 : i32
      %add3A_232 = arith.constant 3 : i32
      %add3A_233 = arith.addi %mul3A_231, %add3A_232 : i32
      %broadcast_in_dim3A_234 = vector.broadcast %add3A_233 : i32 to vector<16xi32>
      %gather3A_235 = tpu.vector_load_idx %arg8[%broadcast_in_dim3A_234] : memref<128xf32, #tpu.memory_space<vmem>>[vector<16xi32>], vector<16xf32>,
      %mul3A_236 = arith.constant 8 : i32
      %mul3A_237 = arith.muli %add3A_211, %mul3A_236 : i32
      %add3A_238 = arith.constant 4 : i32
      %add3A_239 = arith.addi %mul3A_237, %add3A_238 : i32
      %broadcast_in_dim3A_240 = vector.broadcast %add3A_239 : i32 to vector<16xi32>
      %gather3A_241 = tpu.vector_load_idx %arg8[%broadcast_in_dim3A_240] : memref<128xf32, #tpu.memory_space<vmem>>[vector<16xi32>], vector<16xf32>,
      %mul3A_242 = arith.constant 8 : i32
      %mul3A_243 = arith.muli %add3A_211, %mul3A_242 : i32
      %add3A_244 = arith.constant 5 : i32
      %add3A_245 = arith.addi %mul3A_243, %add3A_244 : i32
      %broadcast_in_dim3A_246 = vector.broadcast %add3A_245 : i32 to vector<16xi32>
      %gather3A_247 = tpu.vector_load_idx %arg8[%broadcast_in_dim3A_246] : memref<128xf32, #tpu.memory_space<vmem>>[vector<16xi32>], vector<16xf32>,
      %mul3A_248 = arith.constant 8 : i32
      %mul3A_249 = arith.muli %add3A_211, %mul3A_248 : i32
      %add3A_250 = arith.constant 6 : i32
      %add3A_251 = arith.addi %mul3A_249, %add3A_250 : i32
      %broadcast_in_dim3A_252 = vector.broadcast %add3A_251 : i32 to vector<16xi32>
      %gather3A_253 = tpu.vector_load_idx %arg8[%broadcast_in_dim3A_252] : memref<128xf32, #tpu.memory_space<vmem>>[vector<16xi32>], vector<16xf32>,
      %mul3A_254 = arith.constant 8 : i32
      %mul3A_255 = arith.muli %add3A_211, %mul3A_254 : i32
      %add3A_256 = arith.constant 7 : i32
      %add3A_257 = arith.addi %mul3A_255, %add3A_256 : i32
      %broadcast_in_dim3A_258 = vector.broadcast %add3A_257 : i32 to vector<16xi32>
      %gather3A_259 = tpu.vector_load_idx %arg8[%broadcast_in_dim3A_258] : memref<128xf32, #tpu.memory_space<vmem>>[vector<16xi32>], vector<16xf32>,
      %scan3A_260 = arith.constant 0 : i32
      %scan3A_261 = arith.constant 0 : i32
      %scan3A_262 = arith.constant 256 : i32
      %scan3A_263 = arith.addi %scan3A_261, %scan3A_262 : i32
      %scan3A_264 = arith.constant 4 : i32
      %scan3A_265 = scf.for %scan3A_268 = %scan3A_261 to %scan3A_263 step %scan3A_264 iter_args(%scan3A_269 = %scan3A_260) -> (i32)  : i32 {
        %mul3A_270 = arith.constant 16 : i32
        %mul3A_271 = arith.muli %scan3A_268, %mul3A_270 : i32
        %get3A_272 = arith.index_cast %mul3A_271 : i32 to index
        %get3A_273 = tpu.vector_load %arg11[%get3A_272] {strides = array<i32>} : memref<4096xf32, #tpu.memory_space<vmem>>, vector<16xf32>,
        %get3A_274 = arith.constant 0 : i32
        %get3A_275 = arith.index_cast %get3A_274 : i32 to index
        %get3A_276 = arith.index_cast %mul3A_271 : i32 to index
        %get3A_277 = tpu.vector_load %arg9[%get3A_275, %get3A_276] {strides = array<i32>} : memref<8x4096xf32, #tpu.memory_space<vmem>>, vector<16xf32>,
        %mul3A_278 = arith.mulf %gather3A_217, %get3A_277 : vector<16xf32>
        %add3A_279 = arith.addf %get3A_273, %mul3A_278 : vector<16xf32>
        %get3A_280 = arith.constant 1 : i32
        %get3A_281 = arith.index_cast %get3A_280 : i32 to index
        %get3A_282 = arith.index_cast %mul3A_271 : i32 to index
        %get3A_283 = tpu.vector_load %arg9[%get3A_281, %get3A_282] {strides = array<i32>} : memref<8x4096xf32, #tpu.memory_space<vmem>>, vector<16xf32>,
        %mul3A_284 = arith.mulf %gather3A_223, %get3A_283 : vector<16xf32>
        %add3A_285 = arith.addf %add3A_279, %mul3A_284 : vector<16xf32>
        %get3A_286 = arith.constant 2 : i32
        %get3A_287 = arith.index_cast %get3A_286 : i32 to index
        %get3A_288 = arith.index_cast %mul3A_271 : i32 to index
        %get3A_289 = tpu.vector_load %arg9[%get3A_287, %get3A_288] {strides = array<i32>} : memref<8x4096xf32, #tpu.memory_space<vmem>>, vector<16xf32>,
        %mul3A_290 = arith.mulf %gather3A_229, %get3A_289 : vector<16xf32>
        %add3A_291 = arith.addf %add3A_285, %mul3A_290 : vector<16xf32>
        %get3A_292 = arith.constant 3 : i32
        %get3A_293 = arith.index_cast %get3A_292 : i32 to index
        %get3A_294 = arith.index_cast %mul3A_271 : i32 to index
        %get3A_295 = tpu.vector_load %arg9[%get3A_293, %get3A_294] {strides = array<i32>} : memref<8x4096xf32, #tpu.memory_space<vmem>>, vector<16xf32>,
        %mul3A_296 = arith.mulf %gather3A_235, %get3A_295 : vector<16xf32>
        %add3A_297 = arith.addf %add3A_291, %mul3A_296 : vector<16xf32>
        %get3A_298 = arith.constant 4 : i32
        %get3A_299 = arith.index_cast %get3A_298 : i32 to index
        %get3A_300 = arith.index_cast %mul3A_271 : i32 to index
        %get3A_301 = tpu.vector_load %arg9[%get3A_299, %get3A_300] {strides = array<i32>} : memref<8x4096xf32, #tpu.memory_space<vmem>>, vector<16xf32>,
        %mul3A_302 = arith.mulf %gather3A_241, %get3A_301 : vector<16xf32>
        %add3A_303 = arith.addf %add3A_297, %mul3A_302 : vector<16xf32>
        %get3A_304 = arith.constant 5 : i32
        %get3A_305 = arith.index_cast %get3A_304 : i32 to index
        %get3A_306 = arith.index_cast %mul3A_271 : i32 to index
        %get3A_307 = tpu.vector_load %arg9[%get3A_305, %get3A_306] {strides = array<i32>} : memref<8x4096xf32, #tpu.memory_space<vmem>>, vector<16xf32>,
        %mul3A_308 = arith.mulf %gather3A_247, %get3A_307 : vector<16xf32>
        %add3A_309 = arith.addf %add3A_303, %mul3A_308 : vector<16xf32>
        %get3A_310 = arith.constant 6 : i32
        %get3A_311 = arith.index_cast %get3A_310 : i32 to index
        %get3A_312 = arith.index_cast %mul3A_271 : i32 to index
        %get3A_313 = tpu.vector_load %arg9[%get3A_311, %get3A_312] {strides = array<i32>} : memref<8x4096xf32, #tpu.memory_space<vmem>>, vector<16xf32>,
        %mul3A_314 = arith.mulf %gather3A_253, %get3A_313 : vector<16xf32>
        %add3A_315 = arith.addf %add3A_309, %mul3A_314 : vector<16xf32>
        %get3A_316 = arith.constant 7 : i32
        %get3A_317 = arith.index_cast %get3A_316 : i32 to index
        %get3A_318 = arith.index_cast %mul3A_271 : i32 to index
        %get3A_319 = tpu.vector_load %arg9[%get3A_317, %get3A_318] {strides = array<i32>} : memref<8x4096xf32, #tpu.memory_space<vmem>>, vector<16xf32>,
        %mul3A_320 = arith.mulf %gather3A_259, %get3A_319 : vector<16xf32>
        %add3A_321 = arith.addf %add3A_315, %mul3A_320 : vector<16xf32>
        %swap3A_322 = arith.index_cast %mul3A_271 : i32 to index
        %swap3A_323 = tpu.vector_load %arg11[%swap3A_322] {strides = array<i32>} : memref<4096xf32, #tpu.memory_space<vmem>>, vector<16xf32>,
        tpu.vector_store %arg11[%swap3A_322], %add3A_321 {strides = array<i32>} : memref<4096xf32, #tpu.memory_space<vmem>>, vector<16xf32>,
        %scan3A_324 = arith.constant 0 : i32
        %scan3A_325 = arith.constant 1 : i32
        %scan3A_326 = arith.addi %scan3A_268, %scan3A_325 : i32
        %mul3A_327 = arith.constant 16 : i32
        %mul3A_328 = arith.muli %scan3A_326, %mul3A_327 : i32
        %get3A_329 = arith.index_cast %mul3A_328 : i32 to index
        %get3A_330 = tpu.vector_load %arg11[%get3A_329] {strides = array<i32>} : memref<4096xf32, #tpu.memory_space<vmem>>, vector<16xf32>,
        %get3A_331 = arith.constant 0 : i32
        %get3A_332 = arith.index_cast %get3A_331 : i32 to index
        %get3A_333 = arith.index_cast %mul3A_328 : i32 to index
        %get3A_334 = tpu.vector_load %arg9[%get3A_332, %get3A_333] {strides = array<i32>} : memref<8x4096xf32, #tpu.memory_space<vmem>>, vector<16xf32>,
        %mul3A_335 = arith.mulf %gather3A_217, %get3A_334 : vector<16xf32>
        %add3A_336 = arith.addf %get3A_330, %mul3A_335 : vector<16xf32>
        %get3A_337 = arith.constant 1 : i32
        %get3A_338 = arith.index_cast %get3A_337 : i32 to index
        %get3A_339 = arith.index_cast %mul3A_328 : i32 to index
        %get3A_340 = tpu.vector_load %arg9[%get3A_338, %get3A_339] {strides = array<i32>} : memref<8x4096xf32, #tpu.memory_space<vmem>>, vector<16xf32>,
        %mul3A_341 = arith.mulf %gather3A_223, %get3A_340 : vector<16xf32>
        %add3A_342 = arith.addf %add3A_336, %mul3A_341 : vector<16xf32>
        %get3A_343 = arith.constant 2 : i32
        %get3A_344 = arith.index_cast %get3A_343 : i32 to index
        %get3A_345 = arith.index_cast %mul3A_328 : i32 to index
        %get3A_346 = tpu.vector_load %arg9[%get3A_344, %get3A_345] {strides = array<i32>} : memref<8x4096xf32, #tpu.memory_space<vmem>>, vector<16xf32>,
        %mul3A_347 = arith.mulf %gather3A_229, %get3A_346 : vector<16xf32>
        %add3A_348 = arith.addf %add3A_342, %mul3A_347 : vector<16xf32>
        %get3A_349 = arith.constant 3 : i32
        %get3A_350 = arith.index_cast %get3A_349 : i32 to index
        %get3A_351 = arith.index_cast %mul3A_328 : i32 to index
        %get3A_352 = tpu.vector_load %arg9[%get3A_350, %get3A_351] {strides = array<i32>} : memref<8x4096xf32, #tpu.memory_space<vmem>>, vector<16xf32>,
        %mul3A_353 = arith.mulf %gather3A_235, %get3A_352 : vector<16xf32>
        %add3A_354 = arith.addf %add3A_348, %mul3A_353 : vector<16xf32>
        %get3A_355 = arith.constant 4 : i32
        %get3A_356 = arith.index_cast %get3A_355 : i32 to index
        %get3A_357 = arith.index_cast %mul3A_328 : i32 to index
        %get3A_358 = tpu.vector_load %arg9[%get3A_356, %get3A_357] {strides = array<i32>} : memref<8x4096xf32, #tpu.memory_space<vmem>>, vector<16xf32>,
        %mul3A_359 = arith.mulf %gather3A_241, %get3A_358 : vector<16xf32>
        %add3A_360 = arith.addf %add3A_354, %mul3A_359 : vector<16xf32>
        %get3A_361 = arith.constant 5 : i32
        %get3A_362 = arith.index_cast %get3A_361 : i32 to index
        %get3A_363 = arith.index_cast %mul3A_328 : i32 to index
        %get3A_364 = tpu.vector_load %arg9[%get3A_362, %get3A_363] {strides = array<i32>} : memref<8x4096xf32, #tpu.memory_space<vmem>>, vector<16xf32>,
        %mul3A_365 = arith.mulf %gather3A_247, %get3A_364 : vector<16xf32>
        %add3A_366 = arith.addf %add3A_360, %mul3A_365 : vector<16xf32>
        %get3A_367 = arith.constant 6 : i32
        %get3A_368 = arith.index_cast %get3A_367 : i32 to index
        %get3A_369 = arith.index_cast %mul3A_328 : i32 to index
        %get3A_370 = tpu.vector_load %arg9[%get3A_368, %get3A_369] {strides = array<i32>} : memref<8x4096xf32, #tpu.memory_space<vmem>>, vector<16xf32>,
        %mul3A_371 = arith.mulf %gather3A_253, %get3A_370 : vector<16xf32>
        %add3A_372 = arith.addf %add3A_366, %mul3A_371 : vector<16xf32>
        %get3A_373 = arith.constant 7 : i32
        %get3A_374 = arith.index_cast %get3A_373 : i32 to index
        %get3A_375 = arith.index_cast %mul3A_328 : i32 to index
        %get3A_376 = tpu.vector_load %arg9[%get3A_374, %get3A_375] {strides = array<i32>} : memref<8x4096xf32, #tpu.memory_space<vmem>>, vector<16xf32>,
        %mul3A_377 = arith.mulf %gather3A_259, %get3A_376 : vector<16xf32>
        %add3A_378 = arith.addf %add3A_372, %mul3A_377 : vector<16xf32>
        %swap3A_379 = arith.index_cast %mul3A_328 : i32 to index
        %swap3A_380 = tpu.vector_load %arg11[%swap3A_379] {strides = array<i32>} : memref<4096xf32, #tpu.memory_space<vmem>>, vector<16xf32>,
        tpu.vector_store %arg11[%swap3A_379], %add3A_378 {strides = array<i32>} : memref<4096xf32, #tpu.memory_space<vmem>>, vector<16xf32>,
        %scan3A_381 = arith.constant 0 : i32
        %scan3A_382 = arith.constant 2 : i32
        %scan3A_383 = arith.addi %scan3A_268, %scan3A_382 : i32
        %mul3A_384 = arith.constant 16 : i32
        %mul3A_385 = arith.muli %scan3A_383, %mul3A_384 : i32
        %get3A_386 = arith.index_cast %mul3A_385 : i32 to index
        %get3A_387 = tpu.vector_load %arg11[%get3A_386] {strides = array<i32>} : memref<4096xf32, #tpu.memory_space<vmem>>, vector<16xf32>,
        %get3A_388 = arith.constant 0 : i32
        %get3A_389 = arith.index_cast %get3A_388 : i32 to index
        %get3A_390 = arith.index_cast %mul3A_385 : i32 to index
        %get3A_391 = tpu.vector_load %arg9[%get3A_389, %get3A_390] {strides = array<i32>} : memref<8x4096xf32, #tpu.memory_space<vmem>>, vector<16xf32>,
        %mul3A_392 = arith.mulf %gather3A_217, %get3A_391 : vector<16xf32>
        %add3A_393 = arith.addf %get3A_387, %mul3A_392 : vector<16xf32>
        %get3A_394 = arith.constant 1 : i32
        %get3A_395 = arith.index_cast %get3A_394 : i32 to index
        %get3A_396 = arith.index_cast %mul3A_385 : i32 to index
        %get3A_397 = tpu.vector_load %arg9[%get3A_395, %get3A_396] {strides = array<i32>} : memref<8x4096xf32, #tpu.memory_space<vmem>>, vector<16xf32>,
        %mul3A_398 = arith.mulf %gather3A_223, %get3A_397 : vector<16xf32>
        %add3A_399 = arith.addf %add3A_393, %mul3A_398 : vector<16xf32>
        %get3A_400 = arith.constant 2 : i32
        %get3A_401 = arith.index_cast %get3A_400 : i32 to index
        %get3A_402 = arith.index_cast %mul3A_385 : i32 to index
        %get3A_403 = tpu.vector_load %arg9[%get3A_401, %get3A_402] {strides = array<i32>} : memref<8x4096xf32, #tpu.memory_space<vmem>>, vector<16xf32>,
        %mul3A_404 = arith.mulf %gather3A_229, %get3A_403 : vector<16xf32>
        %add3A_405 = arith.addf %add3A_399, %mul3A_404 : vector<16xf32>
        %get3A_406 = arith.constant 3 : i32
        %get3A_407 = arith.index_cast %get3A_406 : i32 to index
        %get3A_408 = arith.index_cast %mul3A_385 : i32 to index
        %get3A_409 = tpu.vector_load %arg9[%get3A_407, %get3A_408] {strides = array<i32>} : memref<8x4096xf32, #tpu.memory_space<vmem>>, vector<16xf32>,
        %mul3A_410 = arith.mulf %gather3A_235, %get3A_409 : vector<16xf32>
        %add3A_411 = arith.addf %add3A_405, %mul3A_410 : vector<16xf32>
        %get3A_412 = arith.constant 4 : i32
        %get3A_413 = arith.index_cast %get3A_412 : i32 to index
        %get3A_414 = arith.index_cast %mul3A_385 : i32 to index
        %get3A_415 = tpu.vector_load %arg9[%get3A_413, %get3A_414] {strides = array<i32>} : memref<8x4096xf32, #tpu.memory_space<vmem>>, vector<16xf32>,
        %mul3A_416 = arith.mulf %gather3A_241, %get3A_415 : vector<16xf32>
        %add3A_417 = arith.addf %add3A_411, %mul3A_416 : vector<16xf32>
        %get3A_418 = arith.constant 5 : i32
        %get3A_419 = arith.index_cast %get3A_418 : i32 to index
        %get3A_420 = arith.index_cast %mul3A_385 : i32 to index
        %get3A_421 = tpu.vector_load %arg9[%get3A_419, %get3A_420] {strides = array<i32>} : memref<8x4096xf32, #tpu.memory_space<vmem>>, vector<16xf32>,
        %mul3A_422 = arith.mulf %gather3A_247, %get3A_421 : vector<16xf32>
        %add3A_423 = arith.addf %add3A_417, %mul3A_422 : vector<16xf32>
        %get3A_424 = arith.constant 6 : i32
        %get3A_425 = arith.index_cast %get3A_424 : i32 to index
        %get3A_426 = arith.index_cast %mul3A_385 : i32 to index
        %get3A_427 = tpu.vector_load %arg9[%get3A_425, %get3A_426] {strides = array<i32>} : memref<8x4096xf32, #tpu.memory_space<vmem>>, vector<16xf32>,
        %mul3A_428 = arith.mulf %gather3A_253, %get3A_427 : vector<16xf32>
        %add3A_429 = arith.addf %add3A_423, %mul3A_428 : vector<16xf32>
        %get3A_430 = arith.constant 7 : i32
        %get3A_431 = arith.index_cast %get3A_430 : i32 to index
        %get3A_432 = arith.index_cast %mul3A_385 : i32 to index
        %get3A_433 = tpu.vector_load %arg9[%get3A_431, %get3A_432] {strides = array<i32>} : memref<8x4096xf32, #tpu.memory_space<vmem>>, vector<16xf32>,
        %mul3A_434 = arith.mulf %gather3A_259, %get3A_433 : vector<16xf32>
        %add3A_435 = arith.addf %add3A_429, %mul3A_434 : vector<16xf32>
        %swap3A_436 = arith.index_cast %mul3A_385 : i32 to index
        %swap3A_437 = tpu.vector_load %arg11[%swap3A_436] {strides = array<i32>} : memref<4096xf32, #tpu.memory_space<vmem>>, vector<16xf32>,
        tpu.vector_store %arg11[%swap3A_436], %add3A_435 {strides = array<i32>} : memref<4096xf32, #tpu.memory_space<vmem>>, vector<16xf32>,
        %scan3A_438 = arith.constant 0 : i32
        %scan3A_439 = arith.constant 3 : i32
        %scan3A_440 = arith.addi %scan3A_268, %scan3A_439 : i32
        %mul3A_441 = arith.constant 16 : i32
        %mul3A_442 = arith.muli %scan3A_440, %mul3A_441 : i32
        %get3A_443 = arith.index_cast %mul3A_442 : i32 to index
        %get3A_444 = tpu.vector_load %arg11[%get3A_443] {strides = array<i32>} : memref<4096xf32, #tpu.memory_space<vmem>>, vector<16xf32>,
        %get3A_445 = arith.constant 0 : i32
        %get3A_446 = arith.index_cast %get3A_445 : i32 to index
        %get3A_447 = arith.index_cast %mul3A_442 : i32 to index
        %get3A_448 = tpu.vector_load %arg9[%get3A_446, %get3A_447] {strides = array<i32>} : memref<8x4096xf32, #tpu.memory_space<vmem>>, vector<16xf32>,
        %mul3A_449 = arith.mulf %gather3A_217, %get3A_448 : vector<16xf32>
        %add3A_450 = arith.addf %get3A_444, %mul3A_449 : vector<16xf32>
        %get3A_451 = arith.constant 1 : i32
        %get3A_452 = arith.index_cast %get3A_451 : i32 to index
        %get3A_453 = arith.index_cast %mul3A_442 : i32 to index
        %get3A_454 = tpu.vector_load %arg9[%get3A_452, %get3A_453] {strides = array<i32>} : memref<8x4096xf32, #tpu.memory_space<vmem>>, vector<16xf32>,
        %mul3A_455 = arith.mulf %gather3A_223, %get3A_454 : vector<16xf32>
        %add3A_456 = arith.addf %add3A_450, %mul3A_455 : vector<16xf32>
        %get3A_457 = arith.constant 2 : i32
        %get3A_458 = arith.index_cast %get3A_457 : i32 to index
        %get3A_459 = arith.index_cast %mul3A_442 : i32 to index
        %get3A_460 = tpu.vector_load %arg9[%get3A_458, %get3A_459] {strides = array<i32>} : memref<8x4096xf32, #tpu.memory_space<vmem>>, vector<16xf32>,
        %mul3A_461 = arith.mulf %gather3A_229, %get3A_460 : vector<16xf32>
        %add3A_462 = arith.addf %add3A_456, %mul3A_461 : vector<16xf32>
        %get3A_463 = arith.constant 3 : i32
        %get3A_464 = arith.index_cast %get3A_463 : i32 to index
        %get3A_465 = arith.index_cast %mul3A_442 : i32 to index
        %get3A_466 = tpu.vector_load %arg9[%get3A_464, %get3A_465] {strides = array<i32>} : memref<8x4096xf32, #tpu.memory_space<vmem>>, vector<16xf32>,
        %mul3A_467 = arith.mulf %gather3A_235, %get3A_466 : vector<16xf32>
        %add3A_468 = arith.addf %add3A_462, %mul3A_467 : vector<16xf32>
        %get3A_469 = arith.constant 4 : i32
        %get3A_470 = arith.index_cast %get3A_469 : i32 to index
        %get3A_471 = arith.index_cast %mul3A_442 : i32 to index
        %get3A_472 = tpu.vector_load %arg9[%get3A_470, %get3A_471] {strides = array<i32>} : memref<8x4096xf32, #tpu.memory_space<vmem>>, vector<16xf32>,
        %mul3A_473 = arith.mulf %gather3A_241, %get3A_472 : vector<16xf32>
        %add3A_474 = arith.addf %add3A_468, %mul3A_473 : vector<16xf32>
        %get3A_475 = arith.constant 5 : i32
        %get3A_476 = arith.index_cast %get3A_475 : i32 to index
        %get3A_477 = arith.index_cast %mul3A_442 : i32 to index
        %get3A_478 = tpu.vector_load %arg9[%get3A_476, %get3A_477] {strides = array<i32>} : memref<8x4096xf32, #tpu.memory_space<vmem>>, vector<16xf32>,
        %mul3A_479 = arith.mulf %gather3A_247, %get3A_478 : vector<16xf32>
        %add3A_480 = arith.addf %add3A_474, %mul3A_479 : vector<16xf32>
        %get3A_481 = arith.constant 6 : i32
        %get3A_482 = arith.index_cast %get3A_481 : i32 to index
        %get3A_483 = arith.index_cast %mul3A_442 : i32 to index
        %get3A_484 = tpu.vector_load %arg9[%get3A_482, %get3A_483] {strides = array<i32>} : memref<8x4096xf32, #tpu.memory_space<vmem>>, vector<16xf32>,
        %mul3A_485 = arith.mulf %gather3A_253, %get3A_484 : vector<16xf32>
        %add3A_486 = arith.addf %add3A_480, %mul3A_485 : vector<16xf32>
        %get3A_487 = arith.constant 7 : i32
        %get3A_488 = arith.index_cast %get3A_487 : i32 to index
        %get3A_489 = arith.index_cast %mul3A_442 : i32 to index
        %get3A_490 = tpu.vector_load %arg9[%get3A_488, %get3A_489] {strides = array<i32>} : memref<8x4096xf32, #tpu.memory_space<vmem>>, vector<16xf32>,
        %mul3A_491 = arith.mulf %gather3A_259, %get3A_490 : vector<16xf32>
        %add3A_492 = arith.addf %add3A_486, %mul3A_491 : vector<16xf32>
        %swap3A_493 = arith.index_cast %mul3A_442 : i32 to index
        %swap3A_494 = tpu.vector_load %arg11[%swap3A_493] {strides = array<i32>} : memref<4096xf32, #tpu.memory_space<vmem>>, vector<16xf32>,
        tpu.vector_store %arg11[%swap3A_493], %add3A_492 {strides = array<i32>} : memref<4096xf32, #tpu.memory_space<vmem>>, vector<16xf32>,
        %scan3A_495 = arith.constant 0 : i32
        scf.yield %scan3A_495 : i32
      }
      %scan3A_266 = arith.constant 256 : i32
      %scan3A_267 = arith.constant 0 : i32
      scf.yield %scan3A_267 : i32
    }
    %scan3A_80 = arith.constant 7 : i32
    %dma_wait3A_81 = arith.constant 120 : i32
    %dma_wait3A_82 = tpu.memref_slice %arg7[%dma_wait3A_81] : memref<128xi32, #tpu.memory_space<vmem>> -> memref<8xi32, #tpu.memory_space<vmem>>
    %dma_wait3A_83 = arith.constant 0 : i32
    %dma_wait3A_84 = arith.constant 0 : i32
    %dma_wait3A_85 = tpu.memref_slice %arg2[%dma_wait3A_83, %dma_wait3A_84] : memref<8192x4096xf32, #tpu.memory_space<hbm>> -> memref<8192x4096xf32, #tpu.memory_space<hbm>>
    tpu.wait_indirect_dma semaphore(%arg14 : memref<!tpu.dma_semaphore, #tpu.memory_space<semaphore_mem>>) src(%dma_wait3A_85 : memref<8192x4096xf32, #tpu.memory_space<hbm>>) dst(%arg10 : memref<8x4096xf32, #tpu.memory_space<vmem>>)
    %broadcast_in_dim3A_86 = arith.constant 120 : i32
    %broadcast_in_dim3A_87 = vector.broadcast %broadcast_in_dim3A_86 : i32 to vector<16xi32>
    %gather3A_88 = tpu.vector_load_idx %arg8[%broadcast_in_dim3A_87] : memref<128xf32, #tpu.memory_space<vmem>>[vector<16xi32>], vector<16xf32>,
    %broadcast_in_dim3A_89 = arith.constant 121 : i32
    %broadcast_in_dim3A_90 = vector.broadcast %broadcast_in_dim3A_89 : i32 to vector<16xi32>
    %gather3A_91 = tpu.vector_load_idx %arg8[%broadcast_in_dim3A_90] : memref<128xf32, #tpu.memory_space<vmem>>[vector<16xi32>], vector<16xf32>,
    %broadcast_in_dim3A_92 = arith.constant 122 : i32
    %broadcast_in_dim3A_93 = vector.broadcast %broadcast_in_dim3A_92 : i32 to vector<16xi32>
    %gather3A_94 = tpu.vector_load_idx %arg8[%broadcast_in_dim3A_93] : memref<128xf32, #tpu.memory_space<vmem>>[vector<16xi32>], vector<16xf32>,
    %broadcast_in_dim3A_95 = arith.constant 123 : i32
    %broadcast_in_dim3A_96 = vector.broadcast %broadcast_in_dim3A_95 : i32 to vector<16xi32>
    %gather3A_97 = tpu.vector_load_idx %arg8[%broadcast_in_dim3A_96] : memref<128xf32, #tpu.memory_space<vmem>>[vector<16xi32>], vector<16xf32>,
    %broadcast_in_dim3A_98 = arith.constant 124 : i32
    %broadcast_in_dim3A_99 = vector.broadcast %broadcast_in_dim3A_98 : i32 to vector<16xi32>
    %gather3A_100 = tpu.vector_load_idx %arg8[%broadcast_in_dim3A_99] : memref<128xf32, #tpu.memory_space<vmem>>[vector<16xi32>], vector<16xf32>,
    %broadcast_in_dim3A_101 = arith.constant 125 : i32
    %broadcast_in_dim3A_102 = vector.broadcast %broadcast_in_dim3A_101 : i32 to vector<16xi32>
    %gather3A_103 = tpu.vector_load_idx %arg8[%broadcast_in_dim3A_102] : memref<128xf32, #tpu.memory_space<vmem>>[vector<16xi32>], vector<16xf32>,
    %broadcast_in_dim3A_104 = arith.constant 126 : i32
    %broadcast_in_dim3A_105 = vector.broadcast %broadcast_in_dim3A_104 : i32 to vector<16xi32>
    %gather3A_106 = tpu.vector_load_idx %arg8[%broadcast_in_dim3A_105] : memref<128xf32, #tpu.memory_space<vmem>>[vector<16xi32>], vector<16xf32>,
    %broadcast_in_dim3A_107 = arith.constant 127 : i32
    %broadcast_in_dim3A_108 = vector.broadcast %broadcast_in_dim3A_107 : i32 to vector<16xi32>
    %gather3A_109 = tpu.vector_load_idx %arg8[%broadcast_in_dim3A_108] : memref<128xf32, #tpu.memory_space<vmem>>[vector<16xi32>], vector<16xf32>,
    %scan3A_110 = arith.constant 0 : i32
    %scan3A_111 = arith.constant 0 : i32
    %scan3A_112 = arith.constant 256 : i32
    %scan3A_113 = arith.addi %scan3A_111, %scan3A_112 : i32
    %scan3A_114 = arith.constant 4 : i32
    %scan3A_115 = scf.for %scan3A_117 = %scan3A_111 to %scan3A_113 step %scan3A_114 iter_args(%scan3A_118 = %scan3A_110) -> (i32)  : i32 {
      %mul3A_119 = arith.constant 16 : i32
      %mul3A_120 = arith.muli %scan3A_117, %mul3A_119 : i32
      %get3A_121 = arith.index_cast %mul3A_120 : i32 to index
      %get3A_122 = tpu.vector_load %arg11[%get3A_121] {strides = array<i32>} : memref<4096xf32, #tpu.memory_space<vmem>>, vector<16xf32>,
      %get3A_123 = arith.constant 0 : i32
      %get3A_124 = arith.index_cast %get3A_123 : i32 to index
      %get3A_125 = arith.index_cast %mul3A_120 : i32 to index
      %get3A_126 = tpu.vector_load %arg10[%get3A_124, %get3A_125] {strides = array<i32>} : memref<8x4096xf32, #tpu.memory_space<vmem>>, vector<16xf32>,
      %mul3A_127 = arith.mulf %gather3A_88, %get3A_126 : vector<16xf32>
      %add3A_128 = arith.addf %get3A_122, %mul3A_127 : vector<16xf32>
      %get3A_129 = arith.constant 1 : i32
      %get3A_130 = arith.index_cast %get3A_129 : i32 to index
      %get3A_131 = arith.index_cast %mul3A_120 : i32 to index
      %get3A_132 = tpu.vector_load %arg10[%get3A_130, %get3A_131] {strides = array<i32>} : memref<8x4096xf32, #tpu.memory_space<vmem>>, vector<16xf32>,
      %mul3A_133 = arith.mulf %gather3A_91, %get3A_132 : vector<16xf32>
      %add3A_134 = arith.addf %add3A_128, %mul3A_133 : vector<16xf32>
      %get3A_135 = arith.constant 2 : i32
      %get3A_136 = arith.index_cast %get3A_135 : i32 to index
      %get3A_137 = arith.index_cast %mul3A_120 : i32 to index
      %get3A_138 = tpu.vector_load %arg10[%get3A_136, %get3A_137] {strides = array<i32>} : memref<8x4096xf32, #tpu.memory_space<vmem>>, vector<16xf32>,
      %mul3A_139 = arith.mulf %gather3A_94, %get3A_138 : vector<16xf32>
      %add3A_140 = arith.addf %add3A_134, %mul3A_139 : vector<16xf32>
      %get3A_141 = arith.constant 3 : i32
      %get3A_142 = arith.index_cast %get3A_141 : i32 to index
      %get3A_143 = arith.index_cast %mul3A_120 : i32 to index
      %get3A_144 = tpu.vector_load %arg10[%get3A_142, %get3A_143] {strides = array<i32>} : memref<8x4096xf32, #tpu.memory_space<vmem>>, vector<16xf32>,
      %mul3A_145 = arith.mulf %gather3A_97, %get3A_144 : vector<16xf32>
      %add3A_146 = arith.addf %add3A_140, %mul3A_145 : vector<16xf32>
      %get3A_147 = arith.constant 4 : i32
      %get3A_148 = arith.index_cast %get3A_147 : i32 to index
      %get3A_149 = arith.index_cast %mul3A_120 : i32 to index
      %get3A_150 = tpu.vector_load %arg10[%get3A_148, %get3A_149] {strides = array<i32>} : memref<8x4096xf32, #tpu.memory_space<vmem>>, vector<16xf32>,
      %mul3A_151 = arith.mulf %gather3A_100, %get3A_150 : vector<16xf32>
      %add3A_152 = arith.addf %add3A_146, %mul3A_151 : vector<16xf32>
      %get3A_153 = arith.constant 5 : i32
      %get3A_154 = arith.index_cast %get3A_153 : i32 to index
      %get3A_155 = arith.index_cast %mul3A_120 : i32 to index
      %get3A_156 = tpu.vector_load %arg10[%get3A_154, %get3A_155] {strides = array<i32>} : memref<8x4096xf32, #tpu.memory_space<vmem>>, vector<16xf32>,
      %mul3A_157 = arith.mulf %gather3A_103, %get3A_156 : vector<16xf32>
      %add3A_158 = arith.addf %add3A_152, %mul3A_157 : vector<16xf32>
      %get3A_159 = arith.constant 6 : i32
      %get3A_160 = arith.index_cast %get3A_159 : i32 to index
      %get3A_161 = arith.index_cast %mul3A_120 : i32 to index
      %get3A_162 = tpu.vector_load %arg10[%get3A_160, %get3A_161] {strides = array<i32>} : memref<8x4096xf32, #tpu.memory_space<vmem>>, vector<16xf32>,
      %mul3A_163 = arith.mulf %gather3A_106, %get3A_162 : vector<16xf32>
      %add3A_164 = arith.addf %add3A_158, %mul3A_163 : vector<16xf32>
      %get3A_165 = arith.constant 7 : i32
      %get3A_166 = arith.index_cast %get3A_165 : i32 to index
      %get3A_167 = arith.index_cast %mul3A_120 : i32 to index
      %get3A_168 = tpu.vector_load %arg10[%get3A_166, %get3A_167] {strides = array<i32>} : memref<8x4096xf32, #tpu.memory_space<vmem>>, vector<16xf32>,
      %mul3A_169 = arith.mulf %gather3A_109, %get3A_168 : vector<16xf32>
      %add3A_170 = arith.addf %add3A_164, %mul3A_169 : vector<16xf32>
      %swap3A_171 = arith.index_cast %mul3A_120 : i32 to index
      %swap3A_172 = tpu.vector_load %arg11[%swap3A_171] {strides = array<i32>} : memref<4096xf32, #tpu.memory_space<vmem>>, vector<16xf32>,
      tpu.vector_store %arg11[%swap3A_171], %add3A_170 {strides = array<i32>} : memref<4096xf32, #tpu.memory_space<vmem>>, vector<16xf32>,
      %scan3A_173 = arith.constant 0 : i32
      %scan3A_174 = arith.constant 1 : i32
      %scan3A_175 = arith.addi %scan3A_117, %scan3A_174 : i32
      %mul3A_176 = arith.constant 16 : i32
      %mul3A_177 = arith.muli %scan3A_175, %mul3A_176 : i32
      %get3A_178 = arith.index_cast %mul3A_177 : i32 to index
      %get3A_179 = tpu.vector_load %arg11[%get3A_178] {strides = array<i32>} : memref<4096xf32, #tpu.memory_space<vmem>>, vector<16xf32>,
      %get3A_180 = arith.constant 0 : i32
      %get3A_181 = arith.index_cast %get3A_180 : i32 to index
      %get3A_182 = arith.index_cast %mul3A_177 : i32 to index
      %get3A_183 = tpu.vector_load %arg10[%get3A_181, %get3A_182] {strides = array<i32>} : memref<8x4096xf32, #tpu.memory_space<vmem>>, vector<16xf32>,
      %mul3A_184 = arith.mulf %gather3A_88, %get3A_183 : vector<16xf32>
      %add3A_185 = arith.addf %get3A_179, %mul3A_184 : vector<16xf32>
      %get3A_186 = arith.constant 1 : i32
      %get3A_187 = arith.index_cast %get3A_186 : i32 to index
      %get3A_188 = arith.index_cast %mul3A_177 : i32 to index
      %get3A_189 = tpu.vector_load %arg10[%get3A_187, %get3A_188] {strides = array<i32>} : memref<8x4096xf32, #tpu.memory_space<vmem>>, vector<16xf32>,
      %mul3A_190 = arith.mulf %gather3A_91, %get3A_189 : vector<16xf32>
      %add3A_191 = arith.addf %add3A_185, %mul3A_190 : vector<16xf32>
      %get3A_192 = arith.constant 2 : i32
      %get3A_193 = arith.index_cast %get3A_192 : i32 to index
      %get3A_194 = arith.index_cast %mul3A_177 : i32 to index
      %get3A_195 = tpu.vector_load %arg10[%get3A_193, %get3A_194] {strides = array<i32>} : memref<8x4096xf32, #tpu.memory_space<vmem>>, vector<16xf32>,
      %mul3A_196 = arith.mulf %gather3A_94, %get3A_195 : vector<16xf32>
      %add3A_197 = arith.addf %add3A_191, %mul3A_196 : vector<16xf32>
      %get3A_198 = arith.constant 3 : i32
      %get3A_199 = arith.index_cast %get3A_198 : i32 to index
      %get3A_200 = arith.index_cast %mul3A_177 : i32 to index
      %get3A_201 = tpu.vector_load %arg10[%get3A_199, %get3A_200] {strides = array<i32>} : memref<8x4096xf32, #tpu.memory_space<vmem>>, vector<16xf32>,
      %mul3A_202 = arith.mulf %gather3A_97, %get3A_201 : vector<16xf32>
      %add3A_203 = arith.addf %add3A_197, %mul3A_202 : vector<16xf32>
      %get3A_204 = arith.constant 4 : i32
      %get3A_205 = arith.index_cast %get3A_204 : i32 to index
      %get3A_206 = arith.index_cast %mul3A_177 : i32 to index
      %get3A_207 = tpu.vector_load %arg10[%get3A_205, %get3A_206] {strides = array<i32>} : memref<8x4096xf32, #tpu.memory_space<vmem>>, vector<16xf32>,
      %mul3A_208 = arith.mulf %gather3A_100, %get3A_207 : vector<16xf32>
      %add3A_209 = arith.addf %add3A_203, %mul3A_208 : vector<16xf32>
      %get3A_210 = arith.constant 5 : i32
      %get3A_211 = arith.index_cast %get3A_210 : i32 to index
      %get3A_212 = arith.index_cast %mul3A_177 : i32 to index
      %get3A_213 = tpu.vector_load %arg10[%get3A_211, %get3A_212] {strides = array<i32>} : memref<8x4096xf32, #tpu.memory_space<vmem>>, vector<16xf32>,
      %mul3A_214 = arith.mulf %gather3A_103, %get3A_213 : vector<16xf32>
      %add3A_215 = arith.addf %add3A_209, %mul3A_214 : vector<16xf32>
      %get3A_216 = arith.constant 6 : i32
      %get3A_217 = arith.index_cast %get3A_216 : i32 to index
      %get3A_218 = arith.index_cast %mul3A_177 : i32 to index
      %get3A_219 = tpu.vector_load %arg10[%get3A_217, %get3A_218] {strides = array<i32>} : memref<8x4096xf32, #tpu.memory_space<vmem>>, vector<16xf32>,
      %mul3A_220 = arith.mulf %gather3A_106, %get3A_219 : vector<16xf32>
      %add3A_221 = arith.addf %add3A_215, %mul3A_220 : vector<16xf32>
      %get3A_222 = arith.constant 7 : i32
      %get3A_223 = arith.index_cast %get3A_222 : i32 to index
      %get3A_224 = arith.index_cast %mul3A_177 : i32 to index
      %get3A_225 = tpu.vector_load %arg10[%get3A_223, %get3A_224] {strides = array<i32>} : memref<8x4096xf32, #tpu.memory_space<vmem>>, vector<16xf32>,
      %mul3A_226 = arith.mulf %gather3A_109, %get3A_225 : vector<16xf32>
      %add3A_227 = arith.addf %add3A_221, %mul3A_226 : vector<16xf32>
      %swap3A_228 = arith.index_cast %mul3A_177 : i32 to index
      %swap3A_229 = tpu.vector_load %arg11[%swap3A_228] {strides = array<i32>} : memref<4096xf32, #tpu.memory_space<vmem>>, vector<16xf32>,
      tpu.vector_store %arg11[%swap3A_228], %add3A_227 {strides = array<i32>} : memref<4096xf32, #tpu.memory_space<vmem>>, vector<16xf32>,
      %scan3A_230 = arith.constant 0 : i32
      %scan3A_231 = arith.constant 2 : i32
      %scan3A_232 = arith.addi %scan3A_117, %scan3A_231 : i32
      %mul3A_233 = arith.constant 16 : i32
      %mul3A_234 = arith.muli %scan3A_232, %mul3A_233 : i32
      %get3A_235 = arith.index_cast %mul3A_234 : i32 to index
      %get3A_236 = tpu.vector_load %arg11[%get3A_235] {strides = array<i32>} : memref<4096xf32, #tpu.memory_space<vmem>>, vector<16xf32>,
      %get3A_237 = arith.constant 0 : i32
      %get3A_238 = arith.index_cast %get3A_237 : i32 to index
      %get3A_239 = arith.index_cast %mul3A_234 : i32 to index
      %get3A_240 = tpu.vector_load %arg10[%get3A_238, %get3A_239] {strides = array<i32>} : memref<8x4096xf32, #tpu.memory_space<vmem>>, vector<16xf32>,
      %mul3A_241 = arith.mulf %gather3A_88, %get3A_240 : vector<16xf32>
      %add3A_242 = arith.addf %get3A_236, %mul3A_241 : vector<16xf32>
      %get3A_243 = arith.constant 1 : i32
      %get3A_244 = arith.index_cast %get3A_243 : i32 to index
      %get3A_245 = arith.index_cast %mul3A_234 : i32 to index
      %get3A_246 = tpu.vector_load %arg10[%get3A_244, %get3A_245] {strides = array<i32>} : memref<8x4096xf32, #tpu.memory_space<vmem>>, vector<16xf32>,
      %mul3A_247 = arith.mulf %gather3A_91, %get3A_246 : vector<16xf32>
      %add3A_248 = arith.addf %add3A_242, %mul3A_247 : vector<16xf32>
      %get3A_249 = arith.constant 2 : i32
      %get3A_250 = arith.index_cast %get3A_249 : i32 to index
      %get3A_251 = arith.index_cast %mul3A_234 : i32 to index
      %get3A_252 = tpu.vector_load %arg10[%get3A_250, %get3A_251] {strides = array<i32>} : memref<8x4096xf32, #tpu.memory_space<vmem>>, vector<16xf32>,
      %mul3A_253 = arith.mulf %gather3A_94, %get3A_252 : vector<16xf32>
      %add3A_254 = arith.addf %add3A_248, %mul3A_253 : vector<16xf32>
      %get3A_255 = arith.constant 3 : i32
      %get3A_256 = arith.index_cast %get3A_255 : i32 to index
      %get3A_257 = arith.index_cast %mul3A_234 : i32 to index
      %get3A_258 = tpu.vector_load %arg10[%get3A_256, %get3A_257] {strides = array<i32>} : memref<8x4096xf32, #tpu.memory_space<vmem>>, vector<16xf32>,
      %mul3A_259 = arith.mulf %gather3A_97, %get3A_258 : vector<16xf32>
      %add3A_260 = arith.addf %add3A_254, %mul3A_259 : vector<16xf32>
      %get3A_261 = arith.constant 4 : i32
      %get3A_262 = arith.index_cast %get3A_261 : i32 to index
      %get3A_263 = arith.index_cast %mul3A_234 : i32 to index
      %get3A_264 = tpu.vector_load %arg10[%get3A_262, %get3A_263] {strides = array<i32>} : memref<8x4096xf32, #tpu.memory_space<vmem>>, vector<16xf32>,
      %mul3A_265 = arith.mulf %gather3A_100, %get3A_264 : vector<16xf32>
      %add3A_266 = arith.addf %add3A_260, %mul3A_265 : vector<16xf32>
      %get3A_267 = arith.constant 5 : i32
      %get3A_268 = arith.index_cast %get3A_267 : i32 to index
      %get3A_269 = arith.index_cast %mul3A_234 : i32 to index
      %get3A_270 = tpu.vector_load %arg10[%get3A_268, %get3A_269] {strides = array<i32>} : memref<8x4096xf32, #tpu.memory_space<vmem>>, vector<16xf32>,
      %mul3A_271 = arith.mulf %gather3A_103, %get3A_270 : vector<16xf32>
      %add3A_272 = arith.addf %add3A_266, %mul3A_271 : vector<16xf32>
      %get3A_273 = arith.constant 6 : i32
      %get3A_274 = arith.index_cast %get3A_273 : i32 to index
      %get3A_275 = arith.index_cast %mul3A_234 : i32 to index
      %get3A_276 = tpu.vector_load %arg10[%get3A_274, %get3A_275] {strides = array<i32>} : memref<8x4096xf32, #tpu.memory_space<vmem>>, vector<16xf32>,
      %mul3A_277 = arith.mulf %gather3A_106, %get3A_276 : vector<16xf32>
      %add3A_278 = arith.addf %add3A_272, %mul3A_277 : vector<16xf32>
      %get3A_279 = arith.constant 7 : i32
      %get3A_280 = arith.index_cast %get3A_279 : i32 to index
      %get3A_281 = arith.index_cast %mul3A_234 : i32 to index
      %get3A_282 = tpu.vector_load %arg10[%get3A_280, %get3A_281] {strides = array<i32>} : memref<8x4096xf32, #tpu.memory_space<vmem>>, vector<16xf32>,
      %mul3A_283 = arith.mulf %gather3A_109, %get3A_282 : vector<16xf32>
      %add3A_284 = arith.addf %add3A_278, %mul3A_283 : vector<16xf32>
      %swap3A_285 = arith.index_cast %mul3A_234 : i32 to index
      %swap3A_286 = tpu.vector_load %arg11[%swap3A_285] {strides = array<i32>} : memref<4096xf32, #tpu.memory_space<vmem>>, vector<16xf32>,
      tpu.vector_store %arg11[%swap3A_285], %add3A_284 {strides = array<i32>} : memref<4096xf32, #tpu.memory_space<vmem>>, vector<16xf32>,
      %scan3A_287 = arith.constant 0 : i32
      %scan3A_288 = arith.constant 3 : i32
      %scan3A_289 = arith.addi %scan3A_117, %scan3A_288 : i32
      %mul3A_290 = arith.constant 16 : i32
      %mul3A_291 = arith.muli %scan3A_289, %mul3A_290 : i32
      %get3A_292 = arith.index_cast %mul3A_291 : i32 to index
      %get3A_293 = tpu.vector_load %arg11[%get3A_292] {strides = array<i32>} : memref<4096xf32, #tpu.memory_space<vmem>>, vector<16xf32>,
      %get3A_294 = arith.constant 0 : i32
      %get3A_295 = arith.index_cast %get3A_294 : i32 to index
      %get3A_296 = arith.index_cast %mul3A_291 : i32 to index
      %get3A_297 = tpu.vector_load %arg10[%get3A_295, %get3A_296] {strides = array<i32>} : memref<8x4096xf32, #tpu.memory_space<vmem>>, vector<16xf32>,
      %mul3A_298 = arith.mulf %gather3A_88, %get3A_297 : vector<16xf32>
      %add3A_299 = arith.addf %get3A_293, %mul3A_298 : vector<16xf32>
      %get3A_300 = arith.constant 1 : i32
      %get3A_301 = arith.index_cast %get3A_300 : i32 to index
      %get3A_302 = arith.index_cast %mul3A_291 : i32 to index
      %get3A_303 = tpu.vector_load %arg10[%get3A_301, %get3A_302] {strides = array<i32>} : memref<8x4096xf32, #tpu.memory_space<vmem>>, vector<16xf32>,
      %mul3A_304 = arith.mulf %gather3A_91, %get3A_303 : vector<16xf32>
      %add3A_305 = arith.addf %add3A_299, %mul3A_304 : vector<16xf32>
      %get3A_306 = arith.constant 2 : i32
      %get3A_307 = arith.index_cast %get3A_306 : i32 to index
      %get3A_308 = arith.index_cast %mul3A_291 : i32 to index
      %get3A_309 = tpu.vector_load %arg10[%get3A_307, %get3A_308] {strides = array<i32>} : memref<8x4096xf32, #tpu.memory_space<vmem>>, vector<16xf32>,
      %mul3A_310 = arith.mulf %gather3A_94, %get3A_309 : vector<16xf32>
      %add3A_311 = arith.addf %add3A_305, %mul3A_310 : vector<16xf32>
      %get3A_312 = arith.constant 3 : i32
      %get3A_313 = arith.index_cast %get3A_312 : i32 to index
      %get3A_314 = arith.index_cast %mul3A_291 : i32 to index
      %get3A_315 = tpu.vector_load %arg10[%get3A_313, %get3A_314] {strides = array<i32>} : memref<8x4096xf32, #tpu.memory_space<vmem>>, vector<16xf32>,
      %mul3A_316 = arith.mulf %gather3A_97, %get3A_315 : vector<16xf32>
      %add3A_317 = arith.addf %add3A_311, %mul3A_316 : vector<16xf32>
      %get3A_318 = arith.constant 4 : i32
      %get3A_319 = arith.index_cast %get3A_318 : i32 to index
      %get3A_320 = arith.index_cast %mul3A_291 : i32 to index
      %get3A_321 = tpu.vector_load %arg10[%get3A_319, %get3A_320] {strides = array<i32>} : memref<8x4096xf32, #tpu.memory_space<vmem>>, vector<16xf32>,
      %mul3A_322 = arith.mulf %gather3A_100, %get3A_321 : vector<16xf32>
      %add3A_323 = arith.addf %add3A_317, %mul3A_322 : vector<16xf32>
      %get3A_324 = arith.constant 5 : i32
      %get3A_325 = arith.index_cast %get3A_324 : i32 to index
      %get3A_326 = arith.index_cast %mul3A_291 : i32 to index
      %get3A_327 = tpu.vector_load %arg10[%get3A_325, %get3A_326] {strides = array<i32>} : memref<8x4096xf32, #tpu.memory_space<vmem>>, vector<16xf32>,
      %mul3A_328 = arith.mulf %gather3A_103, %get3A_327 : vector<16xf32>
      %add3A_329 = arith.addf %add3A_323, %mul3A_328 : vector<16xf32>
      %get3A_330 = arith.constant 6 : i32
      %get3A_331 = arith.index_cast %get3A_330 : i32 to index
      %get3A_332 = arith.index_cast %mul3A_291 : i32 to index
      %get3A_333 = tpu.vector_load %arg10[%get3A_331, %get3A_332] {strides = array<i32>} : memref<8x4096xf32, #tpu.memory_space<vmem>>, vector<16xf32>,
      %mul3A_334 = arith.mulf %gather3A_106, %get3A_333 : vector<16xf32>
      %add3A_335 = arith.addf %add3A_329, %mul3A_334 : vector<16xf32>
      %get3A_336 = arith.constant 7 : i32
      %get3A_337 = arith.index_cast %get3A_336 : i32 to index
      %get3A_338 = arith.index_cast %mul3A_291 : i32 to index
      %get3A_339 = tpu.vector_load %arg10[%get3A_337, %get3A_338] {strides = array<i32>} : memref<8x4096xf32, #tpu.memory_space<vmem>>, vector<16xf32>,
      %mul3A_340 = arith.mulf %gather3A_109, %get3A_339 : vector<16xf32>
      %add3A_341 = arith.addf %add3A_335, %mul3A_340 : vector<16xf32>
      %swap3A_342 = arith.index_cast %mul3A_291 : i32 to index
      %swap3A_343 = tpu.vector_load %arg11[%swap3A_342] {strides = array<i32>} : memref<4096xf32, #tpu.memory_space<vmem>>, vector<16xf32>,
      tpu.vector_store %arg11[%swap3A_342], %add3A_341 {strides = array<i32>} : memref<4096xf32, #tpu.memory_space<vmem>>, vector<16xf32>,
      %scan3A_344 = arith.constant 0 : i32
      scf.yield %scan3A_344 : i32
    }
    %scan3A_116 = arith.constant 256 : i32
    "tpu.region"() ({
      %run_scoped3A = tpu.sem_alloc : memref<!tpu.dma_semaphore, #tpu.memory_space<semaphore_mem>>
      %dma_start3A_117 = arith.constant 0 : i32
      %dma_start3A_118 = tpu.memref_slice %arg5[%add3A, %dma_start3A_117] : memref<32x4096xf32, #tpu.memory_space<hbm>> -> memref<1x4096xf32, #tpu.memory_space<hbm>>
      %dma_start3A_119 = tpu.memref_squeeze %dma_start3A_118 : memref<1x4096xf32, #tpu.memory_space<hbm>> -> memref<4096xf32, #tpu.memory_space<hbm>>
      %dma_start3A_120 = arith.constant 0 : i32
      %dma_start3A_121 = tpu.memref_slice %arg5[%add3A, %dma_start3A_120] : memref<32x4096xf32, #tpu.memory_space<hbm>> -> memref<1x4096xf32, #tpu.memory_space<hbm>>
      %dma_start3A_122 = tpu.memref_squeeze %dma_start3A_121 : memref<1x4096xf32, #tpu.memory_space<hbm>> -> memref<4096xf32, #tpu.memory_space<hbm>>
      tpu.enqueue_dma source(%arg11 : memref<4096xf32, #tpu.memory_space<vmem>>) target(%dma_start3A_122 : memref<4096xf32, #tpu.memory_space<hbm>>) target_semaphore(%run_scoped3A : memref<!tpu.dma_semaphore, #tpu.memory_space<semaphore_mem>>)
      %dma_wait3A_123 = arith.constant 0 : i32
      %dma_wait3A_124 = tpu.memref_slice %arg5[%add3A, %dma_wait3A_123] : memref<32x4096xf32, #tpu.memory_space<hbm>> -> memref<1x4096xf32, #tpu.memory_space<hbm>>
      %dma_wait3A_125 = tpu.memref_squeeze %dma_wait3A_124 : memref<1x4096xf32, #tpu.memory_space<hbm>> -> memref<4096xf32, #tpu.memory_space<hbm>>
      %dma_wait3A_126 = arith.constant 0 : i32
      %dma_wait3A_127 = tpu.memref_slice %arg5[%add3A, %dma_wait3A_126] : memref<32x4096xf32, #tpu.memory_space<hbm>> -> memref<1x4096xf32, #tpu.memory_space<hbm>>
      %dma_wait3A_128 = tpu.memref_squeeze %dma_wait3A_127 : memref<1x4096xf32, #tpu.memory_space<hbm>> -> memref<4096xf32, #tpu.memory_space<hbm>>
      tpu.wait_dma2 semaphore(%run_scoped3A : memref<!tpu.dma_semaphore, #tpu.memory_space<semaphore_mem>>) src(%arg11 : memref<4096xf32, #tpu.memory_space<vmem>>) dst(%dma_wait3A_128 : memref<4096xf32, #tpu.memory_space<hbm>>)
      tpu.yield
    }) : () -> ()
    "tpu.region"() ({
      %run_scoped3A = tpu.sem_alloc : memref<!tpu.dma_semaphore, #tpu.memory_space<semaphore_mem>>
      %dma_start3A_117 = arith.constant 0 : i32
      %dma_start3A_118 = tpu.memref_slice %arg6[%add3A, %dma_start3A_117] : memref<32x16xf32, #tpu.memory_space<hbm>> -> memref<1x16xf32, #tpu.memory_space<hbm>>
      %dma_start3A_119 = tpu.memref_squeeze %dma_start3A_118 : memref<1x16xf32, #tpu.memory_space<hbm>> -> memref<16xf32, #tpu.memory_space<hbm>>
      %dma_start3A_120 = arith.constant 0 : i32
      %dma_start3A_121 = tpu.memref_slice %arg6[%add3A, %dma_start3A_120] : memref<32x16xf32, #tpu.memory_space<hbm>> -> memref<1x16xf32, #tpu.memory_space<hbm>>
      %dma_start3A_122 = tpu.memref_squeeze %dma_start3A_121 : memref<1x16xf32, #tpu.memory_space<hbm>> -> memref<16xf32, #tpu.memory_space<hbm>>
      tpu.enqueue_dma source(%arg12 : memref<16xf32, #tpu.memory_space<vmem>>) target(%dma_start3A_122 : memref<16xf32, #tpu.memory_space<hbm>>) target_semaphore(%run_scoped3A : memref<!tpu.dma_semaphore, #tpu.memory_space<semaphore_mem>>)
      %dma_wait3A_123 = arith.constant 0 : i32
      %dma_wait3A_124 = tpu.memref_slice %arg6[%add3A, %dma_wait3A_123] : memref<32x16xf32, #tpu.memory_space<hbm>> -> memref<1x16xf32, #tpu.memory_space<hbm>>
      %dma_wait3A_125 = tpu.memref_squeeze %dma_wait3A_124 : memref<1x16xf32, #tpu.memory_space<hbm>> -> memref<16xf32, #tpu.memory_space<hbm>>
      %dma_wait3A_126 = arith.constant 0 : i32
      %dma_wait3A_127 = tpu.memref_slice %arg6[%add3A, %dma_wait3A_126] : memref<32x16xf32, #tpu.memory_space<hbm>> -> memref<1x16xf32, #tpu.memory_space<hbm>>
      %dma_wait3A_128 = tpu.memref_squeeze %dma_wait3A_127 : memref<1x16xf32, #tpu.memory_space<hbm>> -> memref<16xf32, #tpu.memory_space<hbm>>
      tpu.wait_dma2 semaphore(%run_scoped3A : memref<!tpu.dma_semaphore, #tpu.memory_space<semaphore_mem>>) src(%arg12 : memref<16xf32, #tpu.memory_space<vmem>>) dst(%dma_wait3A_128 : memref<16xf32, #tpu.memory_space<hbm>>)
      tpu.yield
    }) : () -> ()
    return
  }
}

module attributes {stable_mosaic.version = 14 : i64} {
  func.func @_combine_tc(%arg0: memref<32x4096xf32, #tpu.memory_space<vmem>>, %arg1: memref<32x16xf32, #tpu.memory_space<vmem>>, %arg2: memref<1x4096xf32, #tpu.memory_space<vmem>>) attributes {dimension_semantics = [], scalar_prefetch = 0 : i64, scratch_operands = 0 : i64, tpu.core_type = #tpu.core_type<tc>} {
    %get3A = arith.constant 0 : index
    %get3A_0 = arith.constant 0 : index
    %get3A_1 = vector.load %arg1[%get3A, %get3A_0] : memref<32x16xf32, #tpu.memory_space<vmem>>, vector<32x16xf32>
    %reduce_sum3A = vector.shape_cast %get3A_1 : vector<32x16xf32> to vector<1x32x16xf32>
    %reduce_sum3A_2 = arith.constant dense<0.000000e+00> : vector<1xf32>
    %reduce_sum3A_3 = vector.multi_reduction <add>, %reduce_sum3A, %reduce_sum3A_2 [1, 2] : vector<1x32x16xf32> to vector<1xf32>
    %reduce_sum3A_4 = vector.shape_cast %reduce_sum3A_3 : vector<1xf32> to vector<1x1x1xf32>
    %reduce_sum3A_5 = vector.extract %reduce_sum3A_4[0, 0, 0] : f32 from vector<1x1x1xf32>
    %add3A = arith.constant 9.99999997E-7 : f32
    %add3A_6 = arith.addf %reduce_sum3A_5, %add3A : f32
    %get3A_7 = arith.constant 0 : index
    %get3A_8 = arith.constant 0 : index
    %get3A_9 = vector.load %arg0[%get3A_7, %get3A_8] : memref<32x4096xf32, #tpu.memory_space<vmem>>, vector<32x4096xf32>
    %reduce_sum3A_10 = arith.constant dense<0.000000e+00> : vector<4096xf32>
    %reduce_sum3A_11 = vector.multi_reduction <add>, %get3A_9, %reduce_sum3A_10 [0] : vector<32x4096xf32> to vector<4096xf32>
    %broadcast_in_dim3A = vector.shape_cast %reduce_sum3A_11 : vector<4096xf32> to vector<1x4096xf32>
    %div3A = vector.broadcast %add3A_6 : f32 to vector<1x4096xf32>
    %div3A_12 = arith.divf %broadcast_in_dim3A, %div3A : vector<1x4096xf32>
    %swap3A = arith.constant 0 : index
    %swap3A_13 = arith.constant 0 : index
    %swap3A_14 = vector.load %arg2[%swap3A, %swap3A_13] : memref<1x4096xf32, #tpu.memory_space<vmem>>, vector<1x4096xf32>
    tpu.vector_store %arg2[%swap3A, %swap3A_13], %div3A_12 {strides = array<i32>} : memref<1x4096xf32, #tpu.memory_space<vmem>>, vector<1x4096xf32>,
    return
  }
}

</mosaic_0001>

<sc_bundles>
// kernel: kernel.4.cloned.1.call-start
scs
__scs_entry_jumppad:
0x0: {  	(pc) =	sbr.rel $0x88, $3  }
0x1: {  	(tag) =	ssettag $0x0;
	lr =	simm.s32 $0x1  }
0x2: {  	[smem:$0x3F9E] =	sst lr;
	_ =	strace $0xD0000000  }
0x3: {  	_ = 	snop  }
0x4: {  	_ = 	snop  }
0x5: {  	_ = 	snop  }
0x6: {  	_ = 	snop  }
0x7: {  	_ = 	snop  }
__scs_overlays_trampoline_lowered:
0x8: {  	[smem:$0x3FAD] =	sst s0  }
0x9: {  	[smem:$0x3FAE] =	sst s1  }
0xa: {  	[smem:$0x3FAF] =	sst s2  }
0xb: {  	[smem:$0x3FB0] =	sst s3  }
0xc: {  	[smem:$0x3FB1] =	sst s4  }
0xd: {  	[smem:$0x3FB2] =	sst s5  }
0xe: {  	[smem:$0x3FB3] =	sst s6  }
0xf: {  	[smem:$0x3FB4] =	sst s7  }
0x10: {  	[smem:$0x3FB5] =	sst s8  }
0x11: {  	[smem:$0x3FB6] =	sst s9;
	s0 =	simm.s32 @!p0 $0x0  }
0x12: {  	s1 =	sld [smem:$0x3F9C];
	s0 =	simm.s32 @p0 $0x1  }
0x13: {  	[smem:$0x3FB7] =	sst s0;
	s0 =	simm.s32 @!p1 $0x0  }
0x14: {  	s2 =	sld [smem:$0x3F9B];
	s0 =	simm.s32 @p1 $0x1  }
0x15: {  	[smem:$0x3FB8] =	sst s0;
	s0 =	simm.s32 @!p2 $0x0  }
0x16: {  	s3 =	sld [smem:$0x3FDB];
	s0 =	simm.s32 @p2 $0x1  }
0x17: {  	s4 =	simm.s32 $0x1BF5;
	[smem:$0x3FBA] =	sst s0  }
0x18: {  	s0 =	sld [smem:$0x3F9D];
	_ =	swait.ge [sflag:s4], $0x0  }
0x19: {  	s7 =	sld [smem:$0x3F9E]  }
0x1a: {  	s8 =	sadd.s32 $0xFFFFE003, lr  }
0x1b: {  	s9 =	sadd.s32 $0xFFFFFEF7, lr;
	s5 =	simm.s32 $0xFFFFFFFF;
	p2 =	slt.u32 s8, $0xFFFFF086  }
0x1c: {  	p1 =	slt.u32 s9, $0xF7A;
	s5 =	simm.s32 @!p2 $0x0  }
0x1d: {  	s5 =	simm.s32 @p1 $0x1;
	p0 =	seq.s32 s7, s2  }
0x1e: {  	s7 =	smul.u32 @!p0 $0xF7A, s2;
	p2 =	seq.s32 @!p0 s5, $0x0  }
0x1f: {  	s9 =	smul.u32 $0xF7A, s1;
	s8 =	simm.s32 @!p0 $0x1BF5;
	p2 =	por !p2, p0  }
0x20: {  	[sflag:s8] =	ssyncset.s32 @!p0 $0xFFFFF086;
	s6 =	sadd.s32 @!p0 s3, s7;
	s7 =	simm.s32 @!p0 $0x108  }
0x21: {  	s3 =	sadd.s32 s3, s9;
	s6 =	sadd.s32 @!p0 $0x88, s6;
	s7 =	simm.s32 @p2 $0x1082  }
0x22: {  	[simem:s7], [sflag:s8] =	dma.local @!p0 [hbm:s6], $0xF7A  }
0x23: {  	s9 =	sor.u32 $0xD0000000, s2;
	s6 =	simm.s32 $0x108;
	_ =	swait.ge @!p0 [sflag:s8], $0x0  }
0x24: {  	s3 =	sadd.s32 $0x88, s3;
	s6 =	simm.s32 @!p1 $0x1082;
	[sflag:s4] =	ssyncset.s32 $0xFFFFF086  }
0x25: {  	[simem:s6], [sflag:s4] =	dma.local [hbm:s3], $0xF7A  }
0x26: {  	[smem:$0x3F9E] =	sst s1;
	(tag) =	ssettag s2;
	_ =	strace s9  }
0x27: {  	s1 =	sld [smem:$0x3FAE]  }
0x28: {  	s2 =	sld [smem:$0x3FAF]  }
0x29: {  	s4 =	sld [smem:$0x3FB1]  }
0x2a: {  	p0 =	seq.s32 s5, $0x0;
	s5 =	sld [smem:$0x3FB2]  }
0x2b: {  	s6 =	sld [smem:$0x3FB3]  }
0x2c: {  	s7 =	sld [smem:$0x3FB4]  }
0x2d: {  	s3 =	simm.s32 $0x108;
	s8 =	sld [smem:$0x3FB5]  }
0x2e: {  	s3 =	simm.s32 @!p0 $0x1082;
	s9 =	sld [smem:$0x3FB6]  }
0x2f: {  	lr =	sadd.s32 s0, s3;
	s0 =	sld [smem:$0x3FAD]  }
0x30: {  	s3 =	sld [smem:$0x3FB0]  }
0x31: {  	[smem:$0x3FB9] =	sst s10  }
0x32: {  	s10 =	sld [smem:$0x3FB7];
	_ =	sdelay $0x3  }
0x33: {  	p0 =	seq.s32 s10, $0x1;
	s10 =	sld [smem:$0x3FB9];
	_ =	sdelay $0x3  }
0x34: {  	[smem:$0x3FB9] =	sst s10  }
0x35: {  	s10 =	sld [smem:$0x3FB8];
	_ =	sdelay $0x3  }
0x36: {  	p1 =	seq.s32 s10, $0x1;
	s10 =	sld [smem:$0x3FB9];
	_ =	sdelay $0x3  }
0x37: {  	[smem:$0x3FB9] =	sst s10  }
0x38: {  	s10 =	sld [smem:$0x3FBA]  }
0x39: {  	_ = 	snop;
	(pc) =	sbr.ind lr, $3  }
0x3a: {  	_ = 	snop  }
0x3b: {  	_ = 	snop  }
0x3c: {  	p2 =	seq.s32 s10, $0x1;
	s10 =	sld [smem:$0x3FB9]  }
0x3d: {  	_ =	shalt  }
0x3e: {  	_ =	shalt  }
0x3f: {  	_ =	shalt  }
0x40: {  	_ =	shalt  }
0x41: {  	_ =	shalt  }
0x42: {  	_ =	shalt  }
0x43: {  	_ =	shalt  }
0x44: {  	_ =	shalt  }
0x45: {  	_ =	shalt  }
0x46: {  	_ =	shalt  }
0x47: {  	_ =	shalt  }
0x48: {  	_ =	shalt  }
0x49: {  	_ =	shalt  }
0x4a: {  	_ =	shalt  }
0x4b: {  	_ =	shalt  }
0x4c: {  	_ =	shalt  }
0x4d: {  	_ =	shalt  }
0x4e: {  	_ =	shalt  }
0x4f: {  	_ =	shalt  }
0x50: {  	_ =	shalt  }
0x51: {  	_ =	shalt  }
0x52: {  	_ =	shalt  }
0x53: {  	_ =	shalt  }
0x54: {  	_ =	shalt  }
0x55: {  	_ =	shalt  }
0x56: {  	_ =	shalt  }
0x57: {  	_ =	shalt  }
0x58: {  	_ =	shalt  }
0x59: {  	_ =	shalt  }
0x5a: {  	_ =	shalt  }
0x5b: {  	_ =	shalt  }
0x5c: {  	_ =	shalt  }
0x5d: {  	_ =	shalt  }
0x5e: {  	_ =	shalt  }
0x5f: {  	_ =	shalt  }
0x60: {  	_ =	shalt  }
0x61: {  	_ =	shalt  }
0x62: {  	_ =	shalt  }
0x63: {  	_ =	shalt  }
0x64: {  	_ =	shalt  }
0x65: {  	_ =	shalt  }
0x66: {  	_ =	shalt  }
0x67: {  	_ =	shalt  }
0x68: {  	_ =	shalt  }
0x69: {  	_ =	shalt  }
0x6a: {  	_ =	shalt  }
0x6b: {  	_ =	shalt  }
0x6c: {  	_ =	shalt  }
0x6d: {  	_ =	shalt  }
0x6e: {  	_ =	shalt  }
0x6f: {  	_ =	shalt  }
0x70: {  	_ =	shalt  }
0x71: {  	_ =	shalt  }
0x72: {  	_ =	shalt  }
0x73: {  	_ =	shalt  }
0x74: {  	_ =	shalt  }
0x75: {  	_ =	shalt  }
0x76: {  	_ =	shalt  }
0x77: {  	_ =	shalt  }
0x78: {  	_ =	shalt  }
0x79: {  	_ =	shalt  }
0x7a: {  	_ =	shalt  }
0x7b: {  	_ =	shalt  }
0x7c: {  	_ =	shalt  }
0x7d: {  	_ =	shalt  }
0x7e: {  	_ =	shalt  }
0x7f: {  	_ =	shalt  }
0x80: {  	_ =	shalt  }
0x81: {  	_ =	shalt  }
0x82: {  	_ =	shalt  }
0x83: {  	_ =	shalt  }
0x84: {  	_ =	shalt  }
0x85: {  	_ =	shalt  }
0x86: {  	_ =	shalt  }
0x87: {  	_ =	shalt  }
.Lfunc_end0:
.L_simem_size_0:
called_computation_lowered:
.L_overlay_start_0:
0x88: {  	s2 =	sld [smem:$0x3FD9]  }
0x89: {  	s3 =	sld [smem:$0x3FFE];
	_ =	sdelay $0x1  }
0x8a: {  	s1 =	srdreg.scid  }
0x8b: {  	s0 =	sand.u32 $0x1, s1  }
0x8c: {  	s17 =	sshll.u32 s0, $0xA;
	s2 =	sadd.s32 s3, s2  }
0x8d: {  	s2 =	sadd.s32 s2, s17  }
0x8e: {  	[smem:$0x3FC5] =	sst s2  }
0x8f: {  	_ = 	snop  }
0x90: {  	s2 =	sld [smem:$0x3FC9]  }
0x91: {  	s18 =	sld [smem:$0x3FC8]  }
0x92: {  	s4 =	sld [smem:$0x3FC7]  }
0x93: {  	s5 =	sld [smem:$0x3FD0];
	(tm) =	ssettm $0x1  }
0x94: {  	s6 =	sld [smem:$0x3FFB];
	_ =	sdelay $0x3  }
0x95: {  	_ =	strace s6  }
0x96: {  	s6 =	sld [smem:$0x3FFC];
	_ =	sdelay $0x3  }
0x97: {  	_ =	strace s6  }
0x98: {  	s6 =	sld [smem:$0x3FFD];
	_ =	sdelay $0x3  }
0x99: {  	_ =	strace s6  }
0x9a: {  	_ =	strace $0x8FFFFFFF  }
0x9b: {  	s19 =	sld [smem:$0x3FDB];
	_ =	sdelay $0x1  }
0x9c: {  	s7 =	simm.s32 $_scs_section_size  }
0x9d: {  	s8 =	simm.s32 $_size__tile_overlayer_lowered;
	s9 =	simm.s32 $_tile_overlayer_lowered  }
0x9e: {  	s22 =	simm.s32 $0x1BFF;
	s21 =	sshll.u32 s9, $0x1;
	s6 =	sadd.s32 s7, s19  }
0x9f: {  	s10 =	simm.s32 $0x0;
	s20 =	sshll.u32 s8, $0x1;
	s8 =	sadd.s32 s21, s6  }
0xa0: {  	[timem:s10], [sflag:s22] =	dma.local [hbm:s8], s20  }
0xa1: {  	_ =	swait.ge [sflag:s22], s20  }
0xa2: {  	s7 =	ssub.s32 $0x0, s20;
	[sflag:s22] =	ssyncset.done $0x0  }
0xa3: {  	[sflag:s22] =	ssyncadd.s32 s7;
	_ =	sdelay $0x1  }
0xa4: {  	s23 =	simm.s32 $0x1B8B  }
0xa5: {  	_ =	swait.ge [sflag:s23], $0x1  }
0xa6: {  	[sflag:s23] =	ssyncset.done $0x0  }
0xa7: {  	s25 =	simm.s32 $0x1B8E;
	s24 =	sld [smem:$0x3FFE];
	[sflag:s23] =	ssyncadd.s32 $0xFFFFFFFF  }
0xa8: {  	s26 =	simm.s32 $execute0_lowered;
	[smem:$0x3FD2] =	sst s25  }
0xa9: {  	s8 =	sshll.u32 s26, $0x1;
	_ =	strace $0x80000046;
	[dreg:$0x1] =	wrdreg $0xFFFFFFFF  }
0xaa: {  	s28 =	simm.s32 $_size_execute0_lowered;
	s6 =	sadd.s32 s6, s8;
	[dreg:$0x0] =	wrdreg $0x0  }
0xab: {  	s8 =	sshll.u32 s28, $0x1;
	[dreg:$0x2] =	wrdreg s6  }
0xac: {  	[dreg:$0x3] =	wrdreg s8  }
0xad: {  	[dreg:$0x4] =	wrdreg $0xC0  }
0xae: {  	_ =	task [dreg:s10], $0x5FFFF  }
0xaf: {  	[dreg:$0x1] =	wrdreg $0xFFFFFFFF  }
0xb0: {  	[dreg:$0x0] =	wrdreg $0x60  }
0xb1: {  	[dreg:$0x2] =	wrdreg s2  }
0xb2: {  	[dreg:$0x3] =	wrdreg s18  }
0xb3: {  	[dreg:$0x4] =	wrdreg s4  }
0xb4: {  	[dreg:$0x5] =	wrdreg s24  }
0xb5: {  	[dreg:$0x6] =	wrdreg s5  }
0xb6: {  	[dreg:$0x7] =	wrdreg $0x9  }
0xb7: {  	_ =	task.clear_ibuf [dreg:s10], $0x8FFFF;
	_ =	strace $0x90000046  }
0xb8: {  	s29 =	simm.s32 $0x9;
	_ =	strace $0x80000048  }
0xb9: {  	_ =	swait.ge [sflag:s29], $0x1  }
0xba: {  	[sflag:s29] =	ssyncadd.s32 $0xFFFFFFFF  }
0xbb: {  	_ =	strace $0x90000048  }
0xbc: {  	_ =	sfence  }
0xbd: {  	s30 =	sld [smem:$0x0];
	_ =	sdelay $0x2  }
0xbe: {  	s31 =	sshll.u32 s1, $0xD;
	s1 =	sshrl.u32 s1, $0x2  }
0xbf: {  	s3 =	sand.u32 $0x4000, s31;
	s1 =	sadd.s32 s1, s30  }
0xc0: {  	s0 =	sor.u32 s3, s0;
	s1 =	sshll.u32 s1, $0x11  }
0xc1: {  	s0 =	sor.u32 s1, s0  }
0xc2: {  	s0 =	sadd.s32 $0x8F2B, s0  }
0xc3: {  	[sflag:s0] =	ssyncadd.remote.s32 $0x1  }
0xc4: {  	_ =	sfence.sel $0xFFFF  }
0xc5: {  	[dreg:$0x0] =	wrdreg $0xFFFFFFFF;
	(pc) =	sbr.abs _section_cstart, $3  }
0xc6: {  	[dreg:$0x1] =	wrdreg $0xFFFFFFFF  }
0xc7: {  	_ =	task.clear_ibuf [dreg:s10], $0x2FFFF;
	_ =	strace $0x9FFFFFFF  }
0xc8: {  	(tm) =	ssettm $0x7FFFFFFF  }
0xc9: {  	_ =	shalt  }
tec
execute0_lowered:
.L_overlay_start_1:
0x0: {  	(tag) =	ssettag $0x1  }
0x1: {  	s30 =	rddreg [dreg:$0x0]  }
0x2: {  	s0 =	rddreg [dreg:$0x2]  }
0x3: {  	s1 =	srdreg.scid;
	s2 =	rddreg [dreg:$0x3]  }
0x4: {  	s5 =	stileid.u32;
	s4 =	rddreg [dreg:$0x4];
	s21 =	simm.s32 $0x0  }
0x5: {  	s28 =	simm.s32 $0x80;
	s1 =	sand.u32 $0x1, s1;
	s3 =	sshll.u32 s5, $0x1  }
0x6: {  	s5 =	sshrl.u32 s5, $0x2;
	[smem:$0x7FF] =	sst s21;
	s31 =	sadd.s32 $0x100, s30  }
0x7: {  	s24 =	sadd.s32 $0x200, s30;
	s25 =	sadd.s32 $0x300, s30;
	s9 =	sadd.s32 $0x400, s30  }
0x8: {  	s10 =	sadd.s32 $0x500, s30;
	s11 =	sadd.s32 $0x600, s30;
	s12 =	sadd.s32 $0x700, s30  }
0x9: {  	s13 =	sadd.s32 $0x800, s30;
	s14 =	sadd.s32 $0x900, s30;
	s15 =	sadd.s32 $0xA00, s30  }
0xa: {  	s16 =	sadd.s32 $0xB00, s30;
	s17 =	sadd.s32 $0xC00, s30;
	s19 =	sadd.s32 $0xE00, s30  }
0xb: {  	s20 =	sadd.s32 $0xF00, s30;
	s3 =	sor.u32 s1, s3;
	s7 =	sshll.u32 s5, $0xF  }
0xc: {  	s1 =	ssub.s32 $0x2, s1;
	_ =	strace $0x80000047;
	[dreg:$0x7] =	wrdreg s24  }
0xd: {  	[dreg:$0x8] =	wrdreg s25;
	s26 =	sshll.u32 s5, $0xA;
	s6 =	sshll.u32 s3, $0x7  }
0xe: {  	v0 =	vimm.s32 $0x5;
	v3 =	vlaneseq.u32;
	s23 =	sshrl.u32 s1, $0x1;
	s3 =	sshll.u32 s3, $0x4;
	s18 =	sand.u32 $0x380, s6  }
0xf: {  	v2 =	vimm.s32 $0x7;
	vm0 =	vmmov $0xffff;
	v4 =	vimm.s32 $0x1;
	s1 =	ssub.s32 s1, s23;
	s0 =	sadd.s32 s0, s3;
	s6 =	sor.u32 s7, s18  }
0x10: {  	v5 =	vimm.s32 $0x2;
	v6 =	vimm.s32 $0x3;
	v7 =	vimm.s32 $0x4;
	[dreg:$0x6] =	wrdreg s0;
	s0 =	sor.u32 s26, s18;
	s18 =	sadd.s32 $0xD00, s30  }
0x11: {  	v8 =	vimm.s32 $0x6;
	v9 =	vimm.s32 $0x78;
	v10 =	vimm.s32 $0x79;
	s29 =	smax.u32 s1, $0x1;
	s6 =	sshrl.u32 s6, $0x3;
	s0 =	sshrl.u32 s0, $0x3  }
0x12: {  	v11 =	vimm.s32 $0x7A;
	v12 =	vimm.s32 $0x7B;
	v13 =	vimm.s32 $0x7C;
	[dreg:$0xb] =	wrdreg s29;
	s2 =	sadd.s32 s6, s2;
	s0 =	sadd.s32 s4, s0  }
0x13: {  	v14 =	vimm.s32 $0x7D;
	v1 =	vand.u32 $0x7, v3;
	v3 =	vshrl.u32 v3, $0x3;
	s1 =	simm.s32 $0x4;
	s2 =	sadd.s32 $0xC00, s2;
	[dreg:$0xa] =	wrdreg s0  }
0x14: {  	v15 =	vimm.s32 $0x7E;
	v16 =	vimm.s32 $0x7F;
	v3 =	vmul.u32 $0x8, v3;
	s4 =	simm.s32 $0x10100;
	[dreg:$0x9] =	wrdreg s2;
	s2 =	simm.s32 $0x0  }
.LBB2_1:
0x15: {  	[dreg:$0xc] =	wrdreg s2  }
0x16: {  	s0 =	rddreg [dreg:$0x6]  }
0x17: {  	[tilespmem:s21], [sflag:$0x4] =	stream.linear.gather [hbm4b:s0+s21], $0x80, $0x38;
	[tilespmem:$0x11180] =	vst v63  }
0x18: {  	_ =	swait.ge [sflag:s1], $0x80  }
0x19: {  	[sflag:s1] =	ssyncset.done $0x0  }
0x1a: {  	[sflag:s1] =	ssyncadd.s32 $0xFFFFFF80  }
0x1b: {  	v17 =	vld.msk [tilespmem:$0x0], $0xff;
	_ =	sdelay $0x4  }
0x1c: {  	v18 =	vshll.u32 v17, $0x5  }
0x1d: {  	v17 =	vand.u32 $0x7, v17;
	v18 =	vand.u32 $0xFFFFFF00, v18  }
0x1e: {  	v17 =	vor.u32 v17, v18  }
0x1f: {  	v17 =	vperm.xlane v17, v1;
	_ =	sdelay $0x1  }
0x20: {  	v17 =	vadd.s32 v3, v17;
	_ =	sdelay $0x3  }
0x21: {  	s7 =	simm.s32 $0x100  }
0x22: {  	[tilespmem:s7], [sflag:$0x1] =	stream.indirect_vreg.gather [hbm4b:s30+s21], $0x80, v17, vm0, $0xb8;
	[tilespmem:$0x11180] =	vst v63  }
0x23: {  	s8 =	simm.s32 $0x900  }
0x24: {  	[tilespmem:s8], [sflag:$0x1] =	stream.indirect_vreg.gather [hbm4b:s31+s21], $0x80, v17, vm0, $0xb8;
	[tilespmem:$0x11180] =	vst v63  }
0x25: {  	s22 =	simm.s32 $0x1100;
	s1 =	rddreg [dreg:$0x7]  }
0x26: {  	[tilespmem:s22], [sflag:$0x1] =	stream.indirect_vreg.gather [hbm4b:s1+s21], $0x80, v17, vm0, $0xb8;
	[tilespmem:$0x11180] =	vst v63  }
0x27: {  	s23 =	simm.s32 $0x1900;
	s2 =	rddreg [dreg:$0x8]  }
0x28: {  	[tilespmem:s23], [sflag:$0x1] =	stream.indirect_vreg.gather [hbm4b:s2+s21], $0x80, v17, vm0, $0xb8;
	[tilespmem:$0x11180] =	vst v63  }
0x29: {  	s24 =	simm.s32 $0x2100  }
0x2a: {  	[tilespmem:s24], [sflag:$0x1] =	stream.indirect_vreg.gather [hbm4b:s9+s21], $0x80, v17, vm0, $0xb8;
	[tilespmem:$0x11180] =	vst v63  }
0x2b: {  	s25 =	simm.s32 $0x2900  }
0x2c: {  	[tilespmem:s25], [sflag:$0x1] =	stream.indirect_vreg.gather [hbm4b:s10+s21], $0x80, v17, vm0, $0xb8;
	[tilespmem:$0x11180] =	vst v63  }
0x2d: {  	s26 =	simm.s32 $0x3100  }
0x2e: {  	[tilespmem:s26], [sflag:$0x1] =	stream.indirect_vreg.gather [hbm4b:s11+s21], $0x80, v17, vm0, $0xb8;
	[tilespmem:$0x11180] =	vst v63  }
0x2f: {  	s29 =	simm.s32 $0x3900  }
0x30: {  	[tilespmem:s29], [sflag:$0x1] =	stream.indirect_vreg.gather [hbm4b:s12+s21], $0x80, v17, vm0, $0xb8;
	[tilespmem:$0x11180] =	vst v63  }
0x31: {  	s3 =	simm.s32 $0x4100  }
0x32: {  	[tilespmem:s3], [sflag:$0x1] =	stream.indirect_vreg.gather [hbm4b:s13+s21], $0x80, v17, vm0, $0xb8;
	[tilespmem:$0x11180] =	vst v63  }
0x33: {  	s5 =	simm.s32 $0x4900  }
0x34: {  	[tilespmem:s5], [sflag:$0x1] =	stream.indirect_vreg.gather [hbm4b:s14+s21], $0x80, v17, vm0, $0xb8;
	[tilespmem:$0x11180] =	vst v63  }
0x35: {  	s6 =	simm.s32 $0x5100  }
0x36: {  	[tilespmem:s6], [sflag:$0x1] =	stream.indirect_vreg.gather [hbm4b:s15+s21], $0x80, v17, vm0, $0xb8;
	[tilespmem:$0x11180] =	vst v63  }
0x37: {  	s7 =	simm.s32 $0x5900  }
0x38: {  	[tilespmem:s7], [sflag:$0x1] =	stream.indirect_vreg.gather [hbm4b:s16+s21], $0x80, v17, vm0, $0xb8;
	[tilespmem:$0x11180] =	vst v63  }
0x39: {  	s8 =	simm.s32 $0x6100  }
0x3a: {  	[tilespmem:s8], [sflag:$0x1] =	stream.indirect_vreg.gather [hbm4b:s17+s21], $0x80, v17, vm0, $0xb8;
	[tilespmem:$0x11180] =	vst v63  }
0x3b: {  	s22 =	simm.s32 $0x6900  }
0x3c: {  	[tilespmem:s22], [sflag:$0x1] =	stream.indirect_vreg.gather [hbm4b:s18+s21], $0x80, v17, vm0, $0xb8;
	[tilespmem:$0x11180] =	vst v63  }
0x3d: {  	s23 =	simm.s32 $0x7100  }
0x3e: {  	[tilespmem:s23], [sflag:$0x1] =	stream.indirect_vreg.gather [hbm4b:s19+s21], $0x80, v17, vm0, $0xb8;
	[tilespmem:$0x11180] =	vst v63  }
0x3f: {  	s24 =	simm.s32 $0x7900  }
0x40: {  	[tilespmem:s24], [sflag:$0x1] =	stream.indirect_vreg.gather [hbm4b:s20+s21], $0x80, v17, vm0, $0xb8;
	[tilespmem:$0x11180] =	vst v63  }
0x41: {  	s25 =	rddreg [dreg:$0x1];
	s26 =	simm.s32 $0x3  }
0x42: {  	[tilespmem:s28], [sflag:$0x3] =	stream.indirect.gather [hbm4b:s25+s28], $0x1, s21, s28, $0xb8;
	[tilespmem:$0x11180] =	vst v63  }
0x43: {  	_ =	swait.ge [sflag:s26], $0x80  }
0x44: {  	[sflag:s26] =	ssyncset.done $0x0  }
0x45: {  	[sflag:s26] =	ssyncadd.s32 $0xFFFFFF80  }
0x46: {  	v17 =	vld [tilespmem:$0x80];
	_ =	sdelay $0x1  }
0x47: {  	v18 =	vld [tilespmem:$0x90];
	_ =	sdelay $0x1  }
0x48: {  	v19 =	vld [tilespmem:$0xA0]  }
0x49: {  	v17 =	vadd.f32 $0.0e+00, v17  }
0x4a: {  	v20 =	vld [tilespmem:$0xB0]  }
0x4b: {  	v17 =	vadd.f32 v18, v17;
	v18 =	vld.msk [tilespmem:$0x8], $0xff  }
0x4c: {  	v21 =	vld [tilespmem:$0xC0]  }
0x4d: {  	v17 =	vadd.f32 v19, v17  }
0x4e: {  	v19 =	vld [tilespmem:$0xD0]  }
0x4f: {  	v17 =	vadd.f32 v20, v17  }
0x50: {  	v20 =	vld [tilespmem:$0xE0];
	v22 =	vshll.u32 v18, $0x5  }
0x51: {  	v18 =	vand.u32 $0x7, v18;
	v17 =	vadd.f32 v21, v17;
	v21 =	vand.u32 $0xFFFFFF00, v22  }
0x52: {  	v22 =	vld [tilespmem:$0xF0];
	v18 =	vor.u32 v18, v21  }
0x53: {  	v17 =	vadd.f32 v19, v17;
	v18 =	vperm.xlane v18, v1;
	_ =	sdelay $0x1  }
0x54: {  	v17 =	vadd.f32 v20, v17;
	v18 =	vadd.s32 v3, v18;
	_ =	sdelay $0x1  }
0x55: {  	v17 =	vadd.f32 v22, v17;
	_ =	sdelay $0x1  }
0x56: {  	s29 =	simm.s32 $0x8100;
	[tilespmem:$0x11100] =	vst v17  }
0x57: {  	[tilespmem:s29], [sflag:$0x2] =	stream.indirect_vreg.gather [hbm4b:s30+s21], $0x80, v18, vm0, $0xb8;
	[tilespmem:$0x11180] =	vst v63  }
0x58: {  	s3 =	simm.s32 $0x8900  }
0x59: {  	[tilespmem:s3], [sflag:$0x2] =	stream.indirect_vreg.gather [hbm4b:s31+s21], $0x80, v18, vm0, $0xb8;
	[tilespmem:$0x11180] =	vst v63  }
0x5a: {  	s5 =	simm.s32 $0x9100  }
0x5b: {  	[tilespmem:s5], [sflag:$0x2] =	stream.indirect_vreg.gather [hbm4b:s1+s21], $0x80, v18, vm0, $0xb8;
	[tilespmem:$0x11180] =	vst v63  }
0x5c: {  	s6 =	simm.s32 $0x9900  }
0x5d: {  	[tilespmem:s6], [sflag:$0x2] =	stream.indirect_vreg.gather [hbm4b:s2+s21], $0x80, v18, vm0, $0xb8;
	[tilespmem:$0x11180] =	vst v63  }
0x5e: {  	s7 =	simm.s32 $0xA100  }
0x5f: {  	[tilespmem:s7], [sflag:$0x2] =	stream.indirect_vreg.gather [hbm4b:s9+s21], $0x80, v18, vm0, $0xb8;
	[tilespmem:$0x11180] =	vst v63  }
0x60: {  	s8 =	simm.s32 $0xA900  }
0x61: {  	[tilespmem:s8], [sflag:$0x2] =	stream.indirect_vreg.gather [hbm4b:s10+s21], $0x80, v18, vm0, $0xb8;
	[tilespmem:$0x11180] =	vst v63  }
0x62: {  	s22 =	simm.s32 $0xB100  }
0x63: {  	[tilespmem:s22], [sflag:$0x2] =	stream.indirect_vreg.gather [hbm4b:s11+s21], $0x80, v18, vm0, $0xb8;
	[tilespmem:$0x11180] =	vst v63  }
0x64: {  	s23 =	simm.s32 $0xB900  }
0x65: {  	[tilespmem:s23], [sflag:$0x2] =	stream.indirect_vreg.gather [hbm4b:s12+s21], $0x80, v18, vm0, $0xb8;
	[tilespmem:$0x11180] =	vst v63  }
0x66: {  	s24 =	simm.s32 $0xC100  }
0x67: {  	[tilespmem:s24], [sflag:$0x2] =	stream.indirect_vreg.gather [hbm4b:s13+s21], $0x80, v18, vm0, $0xb8;
	[tilespmem:$0x11180] =	vst v63  }
0x68: {  	s25 =	simm.s32 $0xC900  }
0x69: {  	[tilespmem:s25], [sflag:$0x2] =	stream.indirect_vreg.gather [hbm4b:s14+s21], $0x80, v18, vm0, $0xb8;
	[tilespmem:$0x11180] =	vst v63  }
0x6a: {  	s26 =	simm.s32 $0xD100  }
0x6b: {  	[tilespmem:s26], [sflag:$0x2] =	stream.indirect_vreg.gather [hbm4b:s15+s21], $0x80, v18, vm0, $0xb8;
	[tilespmem:$0x11180] =	vst v63  }
0x6c: {  	s29 =	simm.s32 $0xD900  }
0x6d: {  	[tilespmem:s29], [sflag:$0x2] =	stream.indirect_vreg.gather [hbm4b:s16+s21], $0x80, v18, vm0, $0xb8;
	[tilespmem:$0x11180] =	vst v63  }
0x6e: {  	s1 =	simm.s32 $0xE100  }
0x6f: {  	[tilespmem:s1], [sflag:$0x2] =	stream.indirect_vreg.gather [hbm4b:s17+s21], $0x80, v18, vm0, $0xb8;
	[tilespmem:$0x11180] =	vst v63  }
0x70: {  	s2 =	simm.s32 $0xE900  }
0x71: {  	[tilespmem:s2], [sflag:$0x2] =	stream.indirect_vreg.gather [hbm4b:s18+s21], $0x80, v18, vm0, $0xb8;
	[tilespmem:$0x11180] =	vst v63  }
0x72: {  	s3 =	simm.s32 $0xF100  }
0x73: {  	[tilespmem:s3], [sflag:$0x2] =	stream.indirect_vreg.gather [hbm4b:s19+s21], $0x80, v18, vm0, $0xb8;
	[tilespmem:$0x11180] =	vst v63  }
0x74: {  	s5 =	simm.s32 $0xF900;
	s6 =	simm.s32 $0x1  }
0x75: {  	[tilespmem:s5], [sflag:$0x2] =	stream.indirect_vreg.gather [hbm4b:s20+s21], $0x80, v18, vm0, $0xb8;
	[tilespmem:$0x11180] =	vst v63  }
0x76: {  	_ =	swait.ge [sflag:s6], $0x8000  }
0x77: {  	[sflag:s6] =	ssyncset.done $0x0  }
0x78: {  	s7 =	sand.u32 $0x7C00, s21;
	[sflag:s6] =	ssyncadd.s32 $0xFFFF8000  }
0x79: {  	s8 =	sand.u32 $0x40, s21;
	s2 =	sor.u32 $0x100, s7;
	v17 =	vld.msk [tilespmem:s28+$0x0], $0xffff  }
0x7a: {  	s3 =	sor.u32 s8, s2;
	v18 =	vld.idx.msk [tilespmem:v4+s28+$0x0], $0xffff  }
0x7b: {  	v22 =	vld [tilespmem:s3+$0x0]  }
0x7c: {  	v23 =	vld [tilespmem:s3+$0x80]  }
0x7d: {  	v19 =	vld.idx.msk [tilespmem:v5+s28+$0x0], $0xffff  }
0x7e: {  	v24 =	vld [tilespmem:s3+$0x100]  }
0x7f: {  	v20 =	vld.idx.msk [tilespmem:v6+s28+$0x0], $0xffff  }
0x80: {  	v25 =	vld [tilespmem:s3+$0x180]  }
0x81: {  	v21 =	vld.idx.msk [tilespmem:v7+s28+$0x0], $0xffff;
	v26 =	vmul.f32 v22, v17;
	v23 =	vmul.f32 v23, v18  }
0x82: {  	v27 =	vld [tilespmem:s3+$0x200]  }
0x83: {  	v28 =	vld [tilespmem:s3+$0x280];
	v24 =	vmul.f32 v24, v19;
	v26 =	vadd.f32 v23, v26  }
0x84: {  	v22 =	vld.idx.msk [tilespmem:v0+s28+$0x0], $0xffff  }
0x85: {  	v29 =	vld [tilespmem:s3+$0x300];
	v25 =	vmul.f32 v25, v20;
	v26 =	vadd.f32 v24, v26  }
0x86: {  	v23 =	vld.idx.msk [tilespmem:v8+s28+$0x0], $0xffff  }
0x87: {  	v24 =	vld.idx.msk [tilespmem:v2+s28+$0x0], $0xffff;
	v25 =	vadd.f32 v25, v26;
	v26 =	vmul.f32 v27, v21  }
0x88: {  	v27 =	vld [tilespmem:s3+$0x380]  }
0x89: {  	v25 =	vadd.f32 v26, v25;
	v26 =	vmul.f32 v28, v22;
	_ =	sdelay $0x1  }
0x8a: {  	v25 =	vadd.f32 v26, v25;
	v26 =	vmul.f32 v29, v23;
	_ =	sdelay $0x1  }
0x8b: {  	v25 =	vadd.f32 v26, v25;
	v26 =	vmul.f32 v27, v24;
	_ =	sdelay $0x1  }
0x8c: {  	v25 =	vadd.f32 v26, v25  }
0x8d: {  	s22 =	sor.u32 $0x10, s8  }
0x8e: {  	s23 =	sor.u32 s22, s2;
	[tilespmem:s4+$0x0] =	vst v25  }
0x8f: {  	v25 =	vld [tilespmem:s23+$0x0]  }
0x90: {  	v26 =	vld [tilespmem:s23+$0x80];
	_ =	sdelay $0x1  }
0x91: {  	v27 =	vld [tilespmem:s23+$0x100];
	_ =	sdelay $0x1  }
0x92: {  	v28 =	vld [tilespmem:s23+$0x180]  }
0x93: {  	v25 =	vmul.f32 v25, v17;
	v26 =	vmul.f32 v26, v18  }
0x94: {  	v29 =	vld [tilespmem:s23+$0x200]  }
0x95: {  	v25 =	vadd.f32 v26, v25;
	v26 =	vmul.f32 v27, v19  }
0x96: {  	v27 =	vld [tilespmem:s23+$0x280]  }
0x97: {  	v25 =	vadd.f32 v26, v25;
	v26 =	vmul.f32 v28, v20  }
0x98: {  	v28 =	vld [tilespmem:s23+$0x300]  }
0x99: {  	v25 =	vadd.f32 v26, v25;
	v26 =	vmul.f32 v29, v21  }
0x9a: {  	v29 =	vld [tilespmem:s23+$0x380]  }
0x9b: {  	v25 =	vadd.f32 v26, v25;
	v26 =	vmul.f32 v27, v22;
	_ =	sdelay $0x1  }
0x9c: {  	v25 =	vadd.f32 v26, v25;
	v26 =	vmul.f32 v28, v23;
	_ =	sdelay $0x1  }
0x9d: {  	v25 =	vadd.f32 v26, v25;
	v26 =	vmul.f32 v29, v24  }
0x9e: {  	s24 =	sand.u32 $0xF80, s21  }
0x9f: {  	s24 =	sadd.s32 $0x10100, s24;
	v25 =	vadd.f32 v26, v25  }
0xa0: {  	s25 =	sor.u32 $0x20, s8;
	s3 =	sor.u32 s22, s24  }
0xa1: {  	s26 =	sor.u32 s25, s2;
	[tilespmem:s3+$0x0] =	vst v25  }
0xa2: {  	v25 =	vld [tilespmem:s26+$0x0]  }
0xa3: {  	v26 =	vld [tilespmem:s26+$0x80];
	_ =	sdelay $0x1  }
0xa4: {  	v27 =	vld [tilespmem:s26+$0x100];
	_ =	sdelay $0x1  }
0xa5: {  	v28 =	vld [tilespmem:s26+$0x180]  }
0xa6: {  	v25 =	vmul.f32 v25, v17;
	v26 =	vmul.f32 v26, v18  }
0xa7: {  	v29 =	vld [tilespmem:s26+$0x200]  }
0xa8: {  	v25 =	vadd.f32 v26, v25;
	v26 =	vmul.f32 v27, v19  }
0xa9: {  	v27 =	vld [tilespmem:s26+$0x280]  }
0xaa: {  	v25 =	vadd.f32 v26, v25;
	v26 =	vmul.f32 v28, v20  }
0xab: {  	v28 =	vld [tilespmem:s26+$0x300]  }
0xac: {  	v25 =	vadd.f32 v26, v25;
	v26 =	vmul.f32 v29, v21  }
0xad: {  	v29 =	vld [tilespmem:s26+$0x380]  }
0xae: {  	v25 =	vadd.f32 v26, v25;
	v26 =	vmul.f32 v27, v22;
	_ =	sdelay $0x1  }
0xaf: {  	v25 =	vadd.f32 v26, v25;
	v26 =	vmul.f32 v28, v23;
	_ =	sdelay $0x1  }
0xb0: {  	v25 =	vadd.f32 v26, v25;
	v26 =	vmul.f32 v29, v24;
	_ =	sdelay $0x1  }
0xb1: {  	v25 =	vadd.f32 v26, v25  }
0xb2: {  	s29 =	sor.u32 s25, s24;
	s1 =	sor.u32 $0x30, s8  }
0xb3: {  	s2 =	sor.u32 s1, s2;
	[tilespmem:s29+$0x0] =	vst v25  }
0xb4: {  	v25 =	vld [tilespmem:s2+$0x0]  }
0xb5: {  	v26 =	vld [tilespmem:s2+$0x80];
	_ =	sdelay $0x1  }
0xb6: {  	v27 =	vld [tilespmem:s2+$0x100];
	_ =	sdelay $0x1  }
0xb7: {  	v28 =	vld [tilespmem:s2+$0x180]  }
0xb8: {  	v25 =	vmul.f32 v25, v17;
	v26 =	vmul.f32 v26, v18  }
0xb9: {  	v29 =	vld [tilespmem:s2+$0x200]  }
0xba: {  	v27 =	vmul.f32 v27, v19;
	v25 =	vadd.f32 v26, v25  }
0xbb: {  	v26 =	vld [tilespmem:s2+$0x280]  }
0xbc: {  	v30 =	vld [tilespmem:s2+$0x300];
	v28 =	vmul.f32 v28, v20;
	v25 =	vadd.f32 v27, v25  }
0xbd: {  	v27 =	vld [tilespmem:s2+$0x380]  }
0xbe: {  	v29 =	vmul.f32 v29, v21;
	v25 =	vadd.f32 v28, v25;
	_ =	sdelay $0x1  }
0xbf: {  	v28 =	vmul.f32 v26, v22;
	v29 =	vadd.f32 v29, v25  }
0xc0: {  	s5 =	simm.s32 $0x0  }
0xc1: {  	s21 =	simm.s32 $0x10140;
	s22 =	simm.s32 $0x0;
	s23 =	simm.s32 $0x0;
	v26 =	vmul.f32 v30, v23;
	v25 =	vmul.f32 v27, v24;
	v27 =	vadd.f32 v28, v29  }
.LBB2_2:
0xc2: {  	s5 =	sadd.s32 $0x4, s5;
	s22 =	sadd.s32 $0x200, s22;
	s23 =	sadd.s32 $0x40, s23  }
0xc3: {  	p0 =	slt.u32 s5, $0xFC;
	v26 =	vadd.f32 v26, v27  }
0xc4: {  	s2 =	sand.u32 $0x7C00, s22  }
0xc5: {  	s3 =	sor.u32 s1, s24;
	s25 =	sand.u32 $0x40, s23;
	s2 =	sor.u32 $0x100, s2;
	v25 =	vadd.f32 v25, v26  }
0xc6: {  	s4 =	sor.u32 $0x10, s25;
	s1 =	sor.u32 $0x20, s25;
	s24 =	sor.u32 s25, s2  }
0xc7: {  	[tilespmem:s3+$0x0] =	vst v25  }
0xc8: {  	v25 =	vld [tilespmem:s24+$0x0]  }
0xc9: {  	v26 =	vld [tilespmem:s24+$0x80];
	_ =	sdelay $0x1  }
0xca: {  	v27 =	vld [tilespmem:s24+$0x100];
	_ =	sdelay $0x1  }
0xcb: {  	v28 =	vld [tilespmem:s24+$0x180]  }
0xcc: {  	v25 =	vmul.f32 v25, v17;
	v26 =	vmul.f32 v26, v18  }
0xcd: {  	v29 =	vld [tilespmem:s24+$0x200]  }
0xce: {  	v25 =	vadd.f32 v26, v25;
	v26 =	vmul.f32 v27, v19  }
0xcf: {  	v27 =	vld [tilespmem:s24+$0x280]  }
0xd0: {  	v25 =	vadd.f32 v26, v25;
	v26 =	vmul.f32 v28, v20  }
0xd1: {  	v28 =	vld [tilespmem:s24+$0x300]  }
0xd2: {  	v25 =	vadd.f32 v26, v25;
	v26 =	vmul.f32 v29, v21  }
0xd3: {  	v29 =	vld [tilespmem:s24+$0x380]  }
0xd4: {  	v25 =	vadd.f32 v26, v25;
	v26 =	vmul.f32 v27, v22;
	_ =	sdelay $0x1  }
0xd5: {  	v25 =	vadd.f32 v26, v25;
	v26 =	vmul.f32 v28, v23;
	_ =	sdelay $0x1  }
0xd6: {  	v25 =	vadd.f32 v26, v25;
	v26 =	vmul.f32 v29, v24;
	_ =	sdelay $0x1  }
0xd7: {  	v25 =	vadd.f32 v26, v25;
	_ =	sdelay $0x1  }
0xd8: {  	s3 =	sor.u32 s4, s2;
	[tilespmem:s21+$0x0] =	vst v25  }
0xd9: {  	v25 =	vld [tilespmem:s3+$0x0]  }
0xda: {  	v26 =	vld [tilespmem:s3+$0x80];
	_ =	sdelay $0x1  }
0xdb: {  	v27 =	vld [tilespmem:s3+$0x100];
	_ =	sdelay $0x1  }
0xdc: {  	v28 =	vld [tilespmem:s3+$0x180]  }
0xdd: {  	v25 =	vmul.f32 v25, v17;
	v26 =	vmul.f32 v26, v18  }
0xde: {  	v29 =	vld [tilespmem:s3+$0x200]  }
0xdf: {  	v25 =	vadd.f32 v26, v25;
	v26 =	vmul.f32 v27, v19  }
0xe0: {  	v27 =	vld [tilespmem:s3+$0x280]  }
0xe1: {  	v25 =	vadd.f32 v26, v25;
	v26 =	vmul.f32 v28, v20  }
0xe2: {  	v28 =	vld [tilespmem:s3+$0x300]  }
0xe3: {  	v25 =	vadd.f32 v26, v25;
	v26 =	vmul.f32 v29, v21  }
0xe4: {  	v29 =	vld [tilespmem:s3+$0x380]  }
0xe5: {  	v25 =	vadd.f32 v26, v25;
	v26 =	vmul.f32 v27, v22;
	_ =	sdelay $0x1  }
0xe6: {  	v25 =	vadd.f32 v26, v25;
	v26 =	vmul.f32 v28, v23;
	_ =	sdelay $0x1  }
0xe7: {  	v25 =	vadd.f32 v26, v25;
	v26 =	vmul.f32 v29, v24  }
0xe8: {  	s3 =	sand.u32 $0xF80, s23  }
0xe9: {  	s24 =	sadd.s32 $0x10100, s3;
	v25 =	vadd.f32 v26, v25  }
0xea: {  	s3 =	sor.u32 s4, s24;
	s4 =	sor.u32 s1, s24  }
0xeb: {  	s1 =	sor.u32 s1, s2;
	[tilespmem:s3+$0x0] =	vst v25  }
0xec: {  	v25 =	vld [tilespmem:s1+$0x0]  }
0xed: {  	v26 =	vld [tilespmem:s1+$0x80];
	_ =	sdelay $0x1  }
0xee: {  	v27 =	vld [tilespmem:s1+$0x100];
	_ =	sdelay $0x1  }
0xef: {  	v25 =	vmul.f32 v25, v17;
	v28 =	vld [tilespmem:s1+$0x180]  }
0xf0: {  	v26 =	vmul.f32 v26, v18  }
0xf1: {  	v29 =	vld [tilespmem:s1+$0x200]  }
0xf2: {  	v25 =	vadd.f32 v26, v25;
	v26 =	vmul.f32 v27, v19  }
0xf3: {  	v27 =	vld [tilespmem:s1+$0x280]  }
0xf4: {  	v25 =	vadd.f32 v26, v25;
	v26 =	vmul.f32 v28, v20  }
0xf5: {  	v28 =	vld [tilespmem:s1+$0x300]  }
0xf6: {  	v25 =	vadd.f32 v26, v25;
	v26 =	vmul.f32 v29, v21  }
0xf7: {  	v29 =	vld [tilespmem:s1+$0x380]  }
0xf8: {  	v25 =	vadd.f32 v26, v25;
	v26 =	vmul.f32 v27, v22;
	_ =	sdelay $0x1  }
0xf9: {  	v25 =	vadd.f32 v26, v25;
	v26 =	vmul.f32 v28, v23;
	_ =	sdelay $0x1  }
0xfa: {  	v25 =	vadd.f32 v26, v25;
	v26 =	vmul.f32 v29, v24;
	_ =	sdelay $0x1  }
0xfb: {  	v25 =	vadd.f32 v26, v25  }
0xfc: {  	s1 =	sor.u32 $0x30, s25  }
0xfd: {  	s2 =	sor.u32 s1, s2;
	[tilespmem:s4+$0x0] =	vst v25  }
0xfe: {  	v25 =	vld [tilespmem:s2+$0x0]  }
0xff: {  	v26 =	vld [tilespmem:s2+$0x80]  }
0x100: {  	v27 =	vld [tilespmem:s2+$0x100]  }
0x101: {  	v28 =	vld [tilespmem:s2+$0x180]  }
0x102: {  	v29 =	vld [tilespmem:s2+$0x200]  }
0x103: {  	v25 =	vmul.f32 v25, v17;
	v30 =	vld [tilespmem:s2+$0x280]  }
0x104: {  	v26 =	vmul.f32 v26, v18;
	v31 =	vld [tilespmem:s2+$0x300]  }
0x105: {  	v27 =	vmul.f32 v27, v19;
	v32 =	vld [tilespmem:s2+$0x380]  }
0x106: {  	v25 =	vadd.f32 v26, v25  }
0x107: {  	v26 =	vmul.f32 v28, v20  }
0x108: {  	v25 =	vadd.f32 v27, v25  }
0x109: {  	v27 =	vmul.f32 v29, v21  }
.Ltmp0:
0x10a: {  	v26 =	vadd.f32 v26, v25;
	v25 =	vmul.f32 v32, v24;
	(pc) =	sbr.rel @p0 .LBB2_2-.Ltmp0, $4  }
0x10b: {  	v28 =	vmul.f32 v30, v22  }
0x10c: {  	v27 =	vadd.f32 v27, v26  }
0x10d: {  	v26 =	vmul.f32 v31, v23  }
0x10e: {  	s21 =	sadd.s32 $0x40, s21;
	s2 =	simm.s32 $0x0;
	v27 =	vadd.f32 v28, v27  }
0x10f: {  	_ = 	snop  }
0x110: {  	v17 =	vadd.f32 v26, v27;
	_ =	sdelay $0x1  }
0x111: {  	v17 =	vadd.f32 v25, v17  }
0x112: {  	s1 =	sor.u32 s1, s24  }
0x113: {  	s5 =	simm.s32 $0x0;
	[tilespmem:s1+$0x0] =	vst v17  }
.LBB2_4:
0x114: {  	s21 =	sshll.u32 s5, $0x4  }
0x115: {  	v17 =	vld.msk [tilespmem:s21+$0x10], $0xff;
	_ =	sdelay $0x4  }
0x116: {  	v18 =	vshll.u32 v17, $0x5  }
0x117: {  	v17 =	vand.u32 $0x7, v17;
	v18 =	vand.u32 $0xFFFFFF00, v18  }
0x118: {  	v17 =	vor.u32 v17, v18  }
0x119: {  	v17 =	vperm.xlane v17, v1;
	_ =	sdelay $0x1  }
0x11a: {  	v17 =	vadd.s32 v3, v17;
	_ =	sdelay $0x3  }
0x11b: {  	s0 =	simm.s32 $0x100  }
0x11c: {  	[tilespmem:s0], [sflag:$0x1] =	stream.indirect_vreg.gather [hbm4b:s30+s2], $0x80, v17, vm0, $0xb8;
	[tilespmem:$0x11180] =	vst v63  }
0x11d: {  	s3 =	simm.s32 $0x900  }
0x11e: {  	[tilespmem:s3], [sflag:$0x1] =	stream.indirect_vreg.gather [hbm4b:s31+s2], $0x80, v17, vm0, $0xb8;
	[tilespmem:$0x11180] =	vst v63  }
0x11f: {  	s4 =	rddreg [dreg:$0x7];
	s1 =	simm.s32 $0x1100  }
0x120: {  	[tilespmem:s1], [sflag:$0x1] =	stream.indirect_vreg.gather [hbm4b:s4+s2], $0x80, v17, vm0, $0xb8;
	[tilespmem:$0x11180] =	vst v63  }
0x121: {  	s6 =	rddreg [dreg:$0x8];
	s22 =	simm.s32 $0x1900  }
0x122: {  	[tilespmem:s22], [sflag:$0x1] =	stream.indirect_vreg.gather [hbm4b:s6+s2], $0x80, v17, vm0, $0xb8;
	[tilespmem:$0x11180] =	vst v63  }
0x123: {  	s23 =	simm.s32 $0x2100  }
0x124: {  	[tilespmem:s23], [sflag:$0x1] =	stream.indirect_vreg.gather [hbm4b:s9+s2], $0x80, v17, vm0, $0xb8;
	[tilespmem:$0x11180] =	vst v63  }
0x125: {  	s24 =	simm.s32 $0x2900  }
0x126: {  	[tilespmem:s24], [sflag:$0x1] =	stream.indirect_vreg.gather [hbm4b:s10+s2], $0x80, v17, vm0, $0xb8;
	[tilespmem:$0x11180] =	vst v63  }
0x127: {  	s25 =	simm.s32 $0x3100  }
0x128: {  	[tilespmem:s25], [sflag:$0x1] =	stream.indirect_vreg.gather [hbm4b:s11+s2], $0x80, v17, vm0, $0xb8;
	[tilespmem:$0x11180] =	vst v63  }
0x129: {  	s26 =	simm.s32 $0x3900  }
0x12a: {  	[tilespmem:s26], [sflag:$0x1] =	stream.indirect_vreg.gather [hbm4b:s12+s2], $0x80, v17, vm0, $0xb8;
	[tilespmem:$0x11180] =	vst v63  }
0x12b: {  	s8 =	smov.u32 s31;
	s31 =	simm.s32 $0x4100  }
0x12c: {  	[tilespmem:s31], [sflag:$0x1] =	stream.indirect_vreg.gather [hbm4b:s13+s2], $0x80, v17, vm0, $0xb8;
	[tilespmem:$0x11180] =	vst v63  }
0x12d: {  	s1 =	simm.s32 $0x4900  }
0x12e: {  	[tilespmem:s1], [sflag:$0x1] =	stream.indirect_vreg.gather [hbm4b:s14+s2], $0x80, v17, vm0, $0xb8;
	[tilespmem:$0x11180] =	vst v63  }
0x12f: {  	s3 =	simm.s32 $0x5100  }
0x130: {  	[tilespmem:s3], [sflag:$0x1] =	stream.indirect_vreg.gather [hbm4b:s15+s2], $0x80, v17, vm0, $0xb8;
	[tilespmem:$0x11180] =	vst v63  }
0x131: {  	s4 =	simm.s32 $0x5900  }
0x132: {  	[tilespmem:s4], [sflag:$0x1] =	stream.indirect_vreg.gather [hbm4b:s16+s2], $0x80, v17, vm0, $0xb8;
	[tilespmem:$0x11180] =	vst v63  }
0x133: {  	s6 =	simm.s32 $0x6100  }
0x134: {  	[tilespmem:s6], [sflag:$0x1] =	stream.indirect_vreg.gather [hbm4b:s17+s2], $0x80, v17, vm0, $0xb8;
	[tilespmem:$0x11180] =	vst v63  }
0x135: {  	s22 =	simm.s32 $0x6900;
	s23 =	sor.u32 $0x8, s21  }
0x136: {  	[tilespmem:s22], [sflag:$0x1] =	stream.indirect_vreg.gather [hbm4b:s18+s2], $0x80, v17, vm0, $0xb8;
	[tilespmem:$0x11180] =	vst v63  }
0x137: {  	v18 =	vmov s23;
	s24 =	sor.u32 $0x9, s21;
	s25 =	simm.s32 $0x7100  }
0x138: {  	v18 =	vbroadcast v18, $0x0;
	v19 =	vmov s24;
	[tilespmem:s25], [sflag:$0x1] =	stream.indirect_vreg.gather [hbm4b:s19+s2], $0x80, v17, vm0, $0xb8;
	[tilespmem:$0x11180] =	vst v63  }
0x139: {  	v19 =	vbroadcast v19, $0x0;
	s26 =	simm.s32 $0x7900;
	s31 =	simm.s32 $0x2  }
0x13a: {  	[tilespmem:s26], [sflag:$0x1] =	stream.indirect_vreg.gather [hbm4b:s20+s2], $0x80, v17, vm0, $0xb8;
	[tilespmem:$0x11180] =	vst v63  }
0x13b: {  	_ =	swait.ge [sflag:s31], $0x8000  }
0x13c: {  	s3 =	sor.u32 $0xA, s21;
	[sflag:s31] =	ssyncset.done $0x0  }
0x13d: {  	v17 =	vmov s3;
	s3 =	sand.u32 $0x7C00, s2;
	[sflag:s31] =	ssyncadd.s32 $0xFFFF8000  }
0x13e: {  	s23 =	sand.u32 $0x40, s2;
	s4 =	sor.u32 $0xB, s21;
	v20 =	vbroadcast v17, $0x0;
	s22 =	sor.u32 $0x8100, s3;
	v18 =	vld.idx.msk [tilespmem:v18+s28+$0x0], $0xffff  }
0x13f: {  	v21 =	vmov s4;
	s6 =	sor.u32 $0xC, s21;
	s3 =	sor.u32 s23, s22;
	v17 =	vld.idx.msk [tilespmem:v19+s28+$0x0], $0xffff  }
0x140: {  	v21 =	vbroadcast v21, $0x0;
	v19 =	vmov s6;
	v22 =	vld [tilespmem:s3+$0x0]  }
0x141: {  	s24 =	sor.u32 $0xD, s21;
	s4 =	simm.s32 $0x10100;
	v24 =	vld [tilespmem:s3+$0x80];
	v23 =	vbroadcast v19, $0x0  }
0x142: {  	v25 =	vmov s24;
	v26 =	vld [tilespmem:s4+$0x0]  }
0x143: {  	p0 =	por $0x0, $0x0;
	s24 =	simm.s32 $0x1;
	v25 =	vbroadcast v25, $0x0;
	s25 =	sor.u32 $0xE, s21;
	v28 =	vld [tilespmem:s3+$0x100]  }
0x144: {  	s24 =	simm.s32 @!p0 $0x0;
	v27 =	vmov s25;
	v19 =	vld.idx.msk [tilespmem:v20+s28+$0x0], $0xffff  }
0x145: {  	v27 =	vbroadcast v27, $0x0;
	s26 =	sshll.u32 s24, $0x6;
	v29 =	vld [tilespmem:s3+$0x180];
	v22 =	vmul.f32 v22, v18  }
0x146: {  	s1 =	sadd.s32 $0x0, s26;
	v20 =	vld.idx.msk [tilespmem:v21+s28+$0x0], $0xffff  }
0x147: {  	s0 =	sor.u32 $0x200, s1;
	s31 =	sshllo.u32 s5, $0x4;
	v24 =	vmul.f32 v24, v17;
	v21 =	vld.idx.msk [tilespmem:v23+s28+$0x0], $0xffff;
	v23 =	vadd.f32 v22, v26  }
0x148: {  	v30 =	vld [tilespmem:s0+$0x8100];
	v26 =	vmov s31  }
0x149: {  	s6 =	sor.u32 $0x280, s1;
	v22 =	vld.idx.msk [tilespmem:v25+s28+$0x0], $0xffff;
	v25 =	vmul.f32 v28, v19;
	v24 =	vadd.f32 v24, v23  }
0x14a: {  	v50 =	vld [tilespmem:s6+$0x8100]  }
0x14b: {  	s24 =	sor.u32 $0x300, s1;
	v23 =	vld.idx.msk [tilespmem:v27+s28+$0x0], $0xffff;
	v27 =	vmul.f32 v29, v20;
	v25 =	vadd.f32 v25, v24  }
0x14c: {  	v51 =	vld [tilespmem:s24+$0x8100]  }
0x14d: {  	s25 =	sor.u32 $0x380, s1;
	v24 =	vld.idx.msk [tilespmem:v26+s28+$0x0], $0xffff;
	v26 =	vmul.f32 v30, v21;
	v25 =	vadd.f32 v27, v25  }
0x14e: {  	v27 =	vld [tilespmem:s25+$0x8100]  }
0x14f: {  	v25 =	vadd.f32 v26, v25;
	v26 =	vmul.f32 v50, v22;
	_ =	sdelay $0x1  }
0x150: {  	v25 =	vadd.f32 v26, v25;
	v26 =	vmul.f32 v51, v23;
	_ =	sdelay $0x1  }
0x151: {  	v25 =	vadd.f32 v26, v25;
	v26 =	vmul.f32 v27, v24;
	_ =	sdelay $0x1  }
0x152: {  	v25 =	vadd.f32 v26, v25  }
0x153: {  	s26 =	sor.u32 $0x10, s23  }
0x154: {  	s0 =	sor.u32 s26, s22;
	s31 =	sand.u32 $0xF80, s2;
	[tilespmem:s4+$0x0] =	vst v25  }
0x155: {  	s3 =	sadd.s32 $0x10100, s31;
	v25 =	vld [tilespmem:s0+$0x0]  }
0x156: {  	s24 =	sor.u32 s26, s3;
	v26 =	vld [tilespmem:s0+$0x80]  }
0x157: {  	v27 =	vld [tilespmem:s24+$0x0];
	_ =	sdelay $0x1  }
0x158: {  	v52 =	vld [tilespmem:s0+$0x100]  }
0x159: {  	v25 =	vmul.f32 v25, v18  }
0x15a: {  	s25 =	sadd.s32 $0x10, s1;
	v53 =	vld [tilespmem:s0+$0x180]  }
0x15b: {  	s6 =	sor.u32 $0x200, s25;
	v26 =	vmul.f32 v26, v17;
	v25 =	vadd.f32 v25, v27  }
0x15c: {  	v27 =	vld [tilespmem:s6+$0x8100]  }
0x15d: {  	s26 =	sor.u32 $0x280, s25;
	v25 =	vadd.f32 v26, v25;
	v26 =	vmul.f32 v52, v19  }
0x15e: {  	v54 =	vld [tilespmem:s26+$0x8100]  }
0x15f: {  	s31 =	sor.u32 $0x300, s25;
	v25 =	vadd.f32 v26, v25;
	v26 =	vmul.f32 v53, v20  }
0x160: {  	v55 =	vld [tilespmem:s31+$0x8100]  }
0x161: {  	s0 =	sor.u32 $0x380, s25;
	v25 =	vadd.f32 v26, v25;
	v26 =	vmul.f32 v27, v21  }
0x162: {  	v27 =	vld [tilespmem:s0+$0x8100]  }
0x163: {  	v25 =	vadd.f32 v26, v25;
	v26 =	vmul.f32 v54, v22;
	_ =	sdelay $0x1  }
0x164: {  	v25 =	vadd.f32 v26, v25;
	v26 =	vmul.f32 v55, v23;
	_ =	sdelay $0x1  }
0x165: {  	v25 =	vadd.f32 v26, v25;
	v26 =	vmul.f32 v27, v24;
	_ =	sdelay $0x1  }
0x166: {  	v25 =	vadd.f32 v26, v25  }
0x167: {  	s6 =	sor.u32 $0x20, s23  }
0x168: {  	s25 =	sor.u32 s6, s22;
	[tilespmem:s24+$0x0] =	vst v25  }
0x169: {  	v25 =	vld [tilespmem:s25+$0x0]  }
0x16a: {  	s4 =	sor.u32 s6, s3;
	v26 =	vld [tilespmem:s25+$0x80]  }
0x16b: {  	v27 =	vld [tilespmem:s4+$0x0];
	_ =	sdelay $0x1  }
0x16c: {  	v56 =	vld [tilespmem:s25+$0x100]  }
0x16d: {  	v25 =	vmul.f32 v25, v18  }
0x16e: {  	s26 =	sadd.s32 $0x20, s1;
	v57 =	vld [tilespmem:s25+$0x180]  }
0x16f: {  	s31 =	sor.u32 $0x200, s26;
	v26 =	vmul.f32 v26, v17;
	v25 =	vadd.f32 v25, v27  }
0x170: {  	v27 =	vld [tilespmem:s31+$0x8100]  }
0x171: {  	s0 =	sor.u32 $0x280, s26;
	v25 =	vadd.f32 v26, v25;
	v26 =	vmul.f32 v56, v19  }
0x172: {  	v58 =	vld [tilespmem:s0+$0x8100]  }
0x173: {  	s6 =	sor.u32 $0x300, s26;
	v25 =	vadd.f32 v26, v25;
	v26 =	vmul.f32 v57, v20  }
0x174: {  	v59 =	vld [tilespmem:s6+$0x8100]  }
0x175: {  	s24 =	sor.u32 $0x380, s26;
	v25 =	vadd.f32 v26, v25;
	v26 =	vmul.f32 v27, v21  }
0x176: {  	v27 =	vld [tilespmem:s24+$0x8100]  }
0x177: {  	v25 =	vadd.f32 v26, v25;
	v26 =	vmul.f32 v58, v22;
	_ =	sdelay $0x1  }
0x178: {  	v25 =	vadd.f32 v26, v25;
	v26 =	vmul.f32 v59, v23;
	_ =	sdelay $0x1  }
0x179: {  	v25 =	vadd.f32 v26, v25;
	v26 =	vmul.f32 v27, v24;
	_ =	sdelay $0x1  }
0x17a: {  	v25 =	vadd.f32 v26, v25  }
0x17b: {  	s23 =	sor.u32 $0x30, s23  }
0x17c: {  	s22 =	sor.u32 s23, s22;
	[tilespmem:s4+$0x0] =	vst v25  }
0x17d: {  	s4 =	sor.u32 s23, s3;
	v25 =	vld [tilespmem:s22+$0x0]  }
0x17e: {  	v26 =	vld [tilespmem:s4+$0x0]  }
0x17f: {  	v27 =	vld [tilespmem:s22+$0x80];
	_ =	sdelay $0x1  }
0x180: {  	v60 =	vld [tilespmem:s22+$0x100]  }
0x181: {  	v25 =	vmul.f32 v25, v18  }
0x182: {  	s1 =	sadd.s32 $0x30, s1;
	v61 =	vld [tilespmem:s22+$0x180]  }
0x183: {  	s24 =	sor.u32 $0x200, s1;
	v25 =	vadd.f32 v25, v26;
	v26 =	vmul.f32 v27, v17  }
0x184: {  	v27 =	vld [tilespmem:s24+$0x8100]  }
0x185: {  	s25 =	sor.u32 $0x280, s1;
	v25 =	vadd.f32 v26, v25;
	v26 =	vmul.f32 v60, v19  }
0x186: {  	v62 =	vld [tilespmem:s25+$0x8100]  }
0x187: {  	s26 =	sor.u32 $0x300, s1;
	v25 =	vadd.f32 v26, v25;
	v26 =	vmul.f32 v61, v20  }
0x188: {  	v63 =	vld [tilespmem:s26+$0x8100]  }
0x189: {  	s1 =	sor.u32 $0x380, s1;
	v25 =	vadd.f32 v26, v25;
	v26 =	vmul.f32 v27, v21  }
0x18a: {  	v27 =	vld [tilespmem:s1+$0x8100]  }
0x18b: {  	v25 =	vadd.f32 v26, v25;
	v26 =	vmul.f32 v62, v22;
	_ =	sdelay $0x1  }
0x18c: {  	v25 =	vadd.f32 v26, v25;
	v26 =	vmul.f32 v63, v23;
	_ =	sdelay $0x1  }
0x18d: {  	s29 =	simm.s32 $0x200;
	v25 =	vadd.f32 v26, v25;
	v26 =	vmul.f32 v27, v24  }
0x18e: {  	s7 =	smov.u32 s30;
	s31 =	sand.u32 $0x7C00, s29  }
0x18f: {  	s30 =	simm.s32 $0x4;
	s23 =	sor.u32 $0x8100, s31;
	s25 =	simm.s32 $0x40;
	v25 =	vadd.f32 v26, v25  }
0x190: {  	s22 =	sadd.s32 $0x10, s21;
	s26 =	simm.s32 $0x10140;
	s24 =	sand.u32 $0x40, s25  }
.LBB2_5:
0x191: {  	s30 =	sadd.s32 $0x4, s30;
	s1 =	sor.u32 s24, s23;
	[tilespmem:s4+$0x0] =	vst v25;
	p0 =	por !p0, !p0  }
0x192: {  	p1 =	slt.u32 s30, $0xFC;
	v25 =	vld [tilespmem:s1+$0x0]  }
0x193: {  	v26 =	vld [tilespmem:s1+$0x80]  }
0x194: {  	v27 =	vld [tilespmem:s26+$0x0]  }
0x195: {  	s3 =	simm.s32 $0x1  }
0x196: {  	s3 =	simm.s32 @!p0 $0x0;
	v28 =	vld [tilespmem:s1+$0x100]  }
0x197: {  	s3 =	sshll.u32 s3, $0x6;
	v25 =	vmul.f32 v25, v18  }
0x198: {  	s4 =	sadd.s32 s3, s29;
	v29 =	vld [tilespmem:s1+$0x180]  }
0x199: {  	s3 =	sadd.s32 $0x10, s4;
	s31 =	sadd.s32 $0x30, s4;
	v26 =	vmul.f32 v26, v17;
	s1 =	sor.u32 $0x200, s4;
	v25 =	vadd.f32 v25, v27  }
0x19a: {  	v27 =	vld [tilespmem:s1+$0x8100]  }
0x19b: {  	s1 =	sor.u32 $0x280, s4;
	v25 =	vadd.f32 v26, v25;
	v26 =	vmul.f32 v28, v19  }
0x19c: {  	v28 =	vld [tilespmem:s1+$0x8100]  }
0x19d: {  	s1 =	sor.u32 $0x300, s4;
	v25 =	vadd.f32 v26, v25;
	v26 =	vmul.f32 v29, v20  }
0x19e: {  	v29 =	vld [tilespmem:s1+$0x8100]  }
0x19f: {  	s1 =	sor.u32 $0x380, s4;
	v25 =	vadd.f32 v26, v25;
	v26 =	vmul.f32 v27, v21  }
0x1a0: {  	v27 =	vld [tilespmem:s1+$0x8100]  }
0x1a1: {  	v25 =	vadd.f32 v26, v25;
	v26 =	vmul.f32 v28, v22;
	_ =	sdelay $0x1  }
0x1a2: {  	v25 =	vadd.f32 v26, v25;
	v26 =	vmul.f32 v29, v23;
	_ =	sdelay $0x1  }
0x1a3: {  	v25 =	vadd.f32 v26, v25;
	v26 =	vmul.f32 v27, v24;
	_ =	sdelay $0x1  }
0x1a4: {  	v25 =	vadd.f32 v26, v25  }
0x1a5: {  	s0 =	sor.u32 $0x10, s24  }
0x1a6: {  	s6 =	sor.u32 s0, s23;
	s1 =	sand.u32 $0xF80, s25;
	[tilespmem:s26+$0x0] =	vst v25  }
0x1a7: {  	s1 =	sadd.s32 $0x10100, s1;
	v25 =	vld [tilespmem:s6+$0x0]  }
0x1a8: {  	s0 =	sor.u32 s0, s1;
	v26 =	vld [tilespmem:s6+$0x80]  }
0x1a9: {  	v27 =	vld [tilespmem:s0+$0x0];
	_ =	sdelay $0x1  }
0x1aa: {  	v28 =	vld [tilespmem:s6+$0x100]  }
0x1ab: {  	v25 =	vmul.f32 v25, v18  }
0x1ac: {  	v29 =	vld [tilespmem:s6+$0x180]  }
0x1ad: {  	v26 =	vmul.f32 v26, v17;
	s6 =	sor.u32 $0x200, s3;
	v25 =	vadd.f32 v25, v27  }
0x1ae: {  	v27 =	vld [tilespmem:s6+$0x8100]  }
0x1af: {  	s6 =	sor.u32 $0x280, s3;
	v25 =	vadd.f32 v26, v25;
	v26 =	vmul.f32 v28, v19  }
0x1b0: {  	v28 =	vld [tilespmem:s6+$0x8100]  }
0x1b1: {  	s6 =	sor.u32 $0x300, s3;
	v25 =	vadd.f32 v26, v25;
	v26 =	vmul.f32 v29, v20  }
0x1b2: {  	v29 =	vld [tilespmem:s6+$0x8100]  }
0x1b3: {  	s3 =	sor.u32 $0x380, s3;
	v25 =	vadd.f32 v26, v25;
	v26 =	vmul.f32 v27, v21  }
0x1b4: {  	v27 =	vld [tilespmem:s3+$0x8100]  }
0x1b5: {  	v25 =	vadd.f32 v26, v25;
	v26 =	vmul.f32 v28, v22;
	_ =	sdelay $0x1  }
0x1b6: {  	v25 =	vadd.f32 v26, v25;
	v26 =	vmul.f32 v29, v23;
	_ =	sdelay $0x1  }
0x1b7: {  	v25 =	vadd.f32 v26, v25;
	v26 =	vmul.f32 v27, v24;
	_ =	sdelay $0x1  }
0x1b8: {  	v25 =	vadd.f32 v26, v25  }
0x1b9: {  	s3 =	sor.u32 $0x20, s24  }
0x1ba: {  	[tilespmem:s0+$0x0] =	vst v25;
	s0 =	sor.u32 s3, s23  }
0x1bb: {  	v25 =	vld [tilespmem:s0+$0x0]  }
0x1bc: {  	s3 =	sor.u32 s3, s1;
	v26 =	vld [tilespmem:s0+$0x80]  }
0x1bd: {  	v27 =	vld [tilespmem:s3+$0x0];
	_ =	sdelay $0x1  }
0x1be: {  	v28 =	vld [tilespmem:s0+$0x100]  }
0x1bf: {  	v25 =	vmul.f32 v25, v18  }
0x1c0: {  	v29 =	vld [tilespmem:s0+$0x180];
	s0 =	sadd.s32 $0x20, s4  }
0x1c1: {  	v26 =	vmul.f32 v26, v17;
	v25 =	vadd.f32 v25, v27;
	s4 =	sor.u32 $0x200, s0  }
0x1c2: {  	v27 =	vld [tilespmem:s4+$0x8100]  }
0x1c3: {  	s4 =	sor.u32 $0x280, s0;
	v25 =	vadd.f32 v26, v25;
	v26 =	vmul.f32 v28, v19  }
0x1c4: {  	v28 =	vld [tilespmem:s4+$0x8100]  }
0x1c5: {  	s4 =	sor.u32 $0x300, s0;
	v25 =	vadd.f32 v26, v25;
	v26 =	vmul.f32 v29, v20  }
0x1c6: {  	v29 =	vld [tilespmem:s4+$0x8100]  }
0x1c7: {  	s0 =	sor.u32 $0x380, s0;
	v25 =	vadd.f32 v26, v25;
	v26 =	vmul.f32 v27, v21  }
0x1c8: {  	v27 =	vld [tilespmem:s0+$0x8100]  }
0x1c9: {  	v25 =	vadd.f32 v26, v25;
	v26 =	vmul.f32 v28, v22;
	_ =	sdelay $0x1  }
0x1ca: {  	v25 =	vadd.f32 v26, v25;
	v26 =	vmul.f32 v29, v23;
	_ =	sdelay $0x1  }
0x1cb: {  	v25 =	vadd.f32 v26, v25;
	v26 =	vmul.f32 v27, v24;
	_ =	sdelay $0x1  }
0x1cc: {  	v25 =	vadd.f32 v26, v25  }
0x1cd: {  	s0 =	sor.u32 $0x30, s24  }
0x1ce: {  	[tilespmem:s3+$0x0] =	vst v25;
	s3 =	sor.u32 s0, s23  }
0x1cf: {  	s4 =	sor.u32 s0, s1;
	v25 =	vld [tilespmem:s3+$0x0]  }
0x1d0: {  	v26 =	vld [tilespmem:s4+$0x0]  }
0x1d1: {  	v27 =	vld [tilespmem:s3+$0x80]  }
0x1d2: {  	v28 =	vld [tilespmem:s3+$0x100]  }
0x1d3: {  	s0 =	sor.u32 $0x200, s31;
	v29 =	vld [tilespmem:s3+$0x180]  }
0x1d4: {  	v25 =	vmul.f32 v25, v18;
	v30 =	vld [tilespmem:s0+$0x8100];
	s0 =	sor.u32 $0x280, s31  }
0x1d5: {  	v31 =	vld [tilespmem:s0+$0x8100];
	s0 =	sor.u32 $0x300, s31  }
0x1d6: {  	v25 =	vadd.f32 v25, v26;
	v26 =	vmul.f32 v27, v17;
	v27 =	vld [tilespmem:s0+$0x8100];
	s0 =	sor.u32 $0x380, s31  }
0x1d7: {  	v32 =	vld [tilespmem:s0+$0x8100]  }
0x1d8: {  	v25 =	vadd.f32 v26, v25;
	v26 =	vmul.f32 v28, v19;
	_ =	sdelay $0x1  }
0x1d9: {  	v25 =	vadd.f32 v26, v25;
	v26 =	vmul.f32 v29, v20;
	_ =	sdelay $0x1  }
0x1da: {  	v25 =	vadd.f32 v26, v25;
	v26 =	vmul.f32 v30, v21;
	_ =	sdelay $0x1  }
0x1db: {  	v25 =	vadd.f32 v26, v25;
	v26 =	vmul.f32 v31, v22;
	_ =	sdelay $0x1  }
0x1dc: {  	v25 =	vadd.f32 v26, v25;
	v26 =	vmul.f32 v27, v23  }
.Ltmp1:
0x1dd: {  	(pc) =	sbr.rel @p1 .LBB2_5-.Ltmp1, $4  }
0x1de: {  	v25 =	vadd.f32 v26, v25;
	v26 =	vmul.f32 v32, v24  }
0x1df: {  	s29 =	sadd.s32 $0x200, s29  }
0x1e0: {  	s25 =	sadd.s32 $0x40, s25;
	s0 =	sand.u32 $0x7C00, s29;
	v25 =	vadd.f32 v26, v25  }
0x1e1: {  	s26 =	sadd.s32 $0x40, s26;
	s24 =	sand.u32 $0x40, s25;
	s23 =	sor.u32 $0x8100, s0  }
0x1e2: {  	s0 =	sor.u32 s24, s23;
	[tilespmem:s4+$0x0] =	vst v25  }
0x1e3: {  	v25 =	vld [tilespmem:s0+$0x0]  }
0x1e4: {  	v26 =	vld [tilespmem:s0+$0x80]  }
0x1e5: {  	v27 =	vld [tilespmem:s26+$0x0]  }
0x1e6: {  	p0 =	por !p0, !p0;
	s1 =	simm.s32 $0x1  }
0x1e7: {  	s1 =	simm.s32 @!p0 $0x0;
	v28 =	vld [tilespmem:s0+$0x100]  }
0x1e8: {  	s1 =	sshll.u32 s1, $0x6;
	v25 =	vmul.f32 v25, v18  }
0x1e9: {  	v29 =	vld [tilespmem:s0+$0x180];
	s1 =	sadd.s32 s1, s29  }
0x1ea: {  	s6 =	sor.u32 $0x200, s1;
	v26 =	vmul.f32 v26, v17;
	v25 =	vadd.f32 v25, v27  }
0x1eb: {  	v27 =	vld [tilespmem:s6+$0x8100]  }
0x1ec: {  	s29 =	sor.u32 $0x280, s1;
	v25 =	vadd.f32 v26, v25;
	v26 =	vmul.f32 v28, v19  }
0x1ed: {  	v37 =	vld [tilespmem:s29+$0x8100]  }
0x1ee: {  	s3 =	sor.u32 $0x300, s1;
	v25 =	vadd.f32 v26, v25;
	v26 =	vmul.f32 v29, v20  }
0x1ef: {  	v38 =	vld [tilespmem:s3+$0x8100]  }
0x1f0: {  	s4 =	sor.u32 $0x380, s1;
	v25 =	vadd.f32 v26, v25;
	v26 =	vmul.f32 v27, v21  }
0x1f1: {  	v27 =	vld [tilespmem:s4+$0x8100]  }
0x1f2: {  	v25 =	vadd.f32 v26, v25;
	v26 =	vmul.f32 v37, v22;
	_ =	sdelay $0x1  }
0x1f3: {  	v25 =	vadd.f32 v26, v25;
	v26 =	vmul.f32 v38, v23;
	_ =	sdelay $0x1  }
0x1f4: {  	v25 =	vadd.f32 v26, v25;
	v26 =	vmul.f32 v27, v24;
	_ =	sdelay $0x1  }
0x1f5: {  	v25 =	vadd.f32 v26, v25  }
0x1f6: {  	s6 =	sor.u32 $0x10, s24  }
0x1f7: {  	s3 =	sand.u32 $0xF80, s25;
	s29 =	sor.u32 s6, s23;
	[tilespmem:s26+$0x0] =	vst v25  }
0x1f8: {  	s3 =	sadd.s32 $0x10100, s3;
	v25 =	vld [tilespmem:s29+$0x0]  }
0x1f9: {  	s0 =	sor.u32 s6, s3;
	v26 =	vld [tilespmem:s29+$0x80]  }
0x1fa: {  	v27 =	vld [tilespmem:s0+$0x0];
	_ =	sdelay $0x1  }
0x1fb: {  	v39 =	vld [tilespmem:s29+$0x100]  }
0x1fc: {  	v25 =	vmul.f32 v25, v18  }
0x1fd: {  	s6 =	sadd.s32 $0x10, s1;
	v40 =	vld [tilespmem:s29+$0x180]  }
0x1fe: {  	s25 =	sor.u32 $0x200, s6;
	v26 =	vmul.f32 v26, v17;
	v25 =	vadd.f32 v25, v27  }
0x1ff: {  	v27 =	vld [tilespmem:s25+$0x8100]  }
0x200: {  	s26 =	sor.u32 $0x280, s6;
	v25 =	vadd.f32 v26, v25;
	v26 =	vmul.f32 v39, v19  }
0x201: {  	v41 =	vld [tilespmem:s26+$0x8100]  }
0x202: {  	s29 =	sor.u32 $0x300, s6;
	v25 =	vadd.f32 v26, v25;
	v26 =	vmul.f32 v40, v20  }
0x203: {  	v42 =	vld [tilespmem:s29+$0x8100]  }
0x204: {  	s6 =	sor.u32 $0x380, s6;
	v25 =	vadd.f32 v26, v25;
	v26 =	vmul.f32 v27, v21  }
0x205: {  	v27 =	vld [tilespmem:s6+$0x8100]  }
0x206: {  	v25 =	vadd.f32 v26, v25;
	v26 =	vmul.f32 v41, v22;
	_ =	sdelay $0x1  }
0x207: {  	v25 =	vadd.f32 v26, v25;
	v26 =	vmul.f32 v42, v23;
	_ =	sdelay $0x1  }
0x208: {  	v25 =	vadd.f32 v26, v25;
	v26 =	vmul.f32 v27, v24;
	_ =	sdelay $0x1  }
0x209: {  	v25 =	vadd.f32 v26, v25  }
0x20a: {  	s25 =	sor.u32 $0x20, s24  }
0x20b: {  	s26 =	sor.u32 s25, s23;
	[tilespmem:s0+$0x0] =	vst v25  }
0x20c: {  	v25 =	vld [tilespmem:s26+$0x0]  }
0x20d: {  	s4 =	sor.u32 s25, s3;
	v26 =	vld [tilespmem:s26+$0x80]  }
0x20e: {  	v27 =	vld [tilespmem:s4+$0x0];
	_ =	sdelay $0x1  }
0x20f: {  	v43 =	vld [tilespmem:s26+$0x100]  }
0x210: {  	v25 =	vmul.f32 v25, v18  }
0x211: {  	s0 =	sadd.s32 $0x20, s1;
	v44 =	vld [tilespmem:s26+$0x180]  }
0x212: {  	s29 =	sor.u32 $0x200, s0;
	v26 =	vmul.f32 v26, v17;
	v25 =	vadd.f32 v25, v27  }
0x213: {  	v27 =	vld [tilespmem:s29+$0x8100]  }
0x214: {  	s25 =	sor.u32 $0x280, s0;
	v25 =	vadd.f32 v26, v25;
	v26 =	vmul.f32 v43, v19  }
0x215: {  	v45 =	vld [tilespmem:s25+$0x8100]  }
0x216: {  	s26 =	sor.u32 $0x300, s0;
	v25 =	vadd.f32 v26, v25;
	v26 =	vmul.f32 v44, v20  }
0x217: {  	v46 =	vld [tilespmem:s26+$0x8100]  }
0x218: {  	s0 =	sor.u32 $0x380, s0;
	v25 =	vadd.f32 v26, v25;
	v26 =	vmul.f32 v27, v21  }
0x219: {  	v27 =	vld [tilespmem:s0+$0x8100]  }
0x21a: {  	v25 =	vadd.f32 v26, v25;
	v26 =	vmul.f32 v45, v22;
	_ =	sdelay $0x1  }
0x21b: {  	v25 =	vadd.f32 v26, v25;
	v26 =	vmul.f32 v46, v23;
	_ =	sdelay $0x1  }
0x21c: {  	v25 =	vadd.f32 v26, v25;
	v26 =	vmul.f32 v27, v24;
	_ =	sdelay $0x1  }
0x21d: {  	v25 =	vadd.f32 v26, v25  }
0x21e: {  	s29 =	sor.u32 $0x30, s24  }
0x21f: {  	s6 =	sor.u32 s29, s23;
	[tilespmem:s4+$0x0] =	vst v25  }
0x220: {  	s0 =	sor.u32 s29, s3;
	v25 =	vld [tilespmem:s6+$0x0]  }
0x221: {  	v26 =	vld [tilespmem:s0+$0x0]  }
0x222: {  	v27 =	vld [tilespmem:s6+$0x80];
	_ =	sdelay $0x1  }
0x223: {  	v47 =	vld [tilespmem:s6+$0x100]  }
0x224: {  	v18 =	vmul.f32 v25, v18  }
0x225: {  	s1 =	sadd.s32 $0x30, s1;
	v25 =	vld [tilespmem:s6+$0x180]  }
0x226: {  	s23 =	sor.u32 $0x200, s1;
	v17 =	vmul.f32 v27, v17;
	v18 =	vadd.f32 v18, v26  }
0x227: {  	v26 =	vld [tilespmem:s23+$0x8100]  }
0x228: {  	s24 =	sor.u32 $0x280, s1;
	v17 =	vadd.f32 v17, v18;
	v18 =	vmul.f32 v47, v19  }
0x229: {  	v19 =	vld [tilespmem:s24+$0x8100]  }
0x22a: {  	s25 =	sor.u32 $0x300, s1;
	v17 =	vadd.f32 v18, v17;
	v18 =	vmul.f32 v25, v20  }
0x22b: {  	v20 =	vld [tilespmem:s25+$0x8100]  }
0x22c: {  	s1 =	sor.u32 $0x380, s1;
	v17 =	vadd.f32 v18, v17;
	v18 =	vmul.f32 v26, v21  }
0x22d: {  	v21 =	vld [tilespmem:s1+$0x8100]  }
0x22e: {  	v17 =	vadd.f32 v18, v17;
	v18 =	vmul.f32 v19, v22;
	_ =	sdelay $0x1  }
0x22f: {  	v17 =	vadd.f32 v18, v17;
	v18 =	vmul.f32 v20, v23;
	_ =	sdelay $0x1  }
0x230: {  	v17 =	vadd.f32 v18, v17;
	v18 =	vmul.f32 v21, v24;
	_ =	sdelay $0x1  }
0x231: {  	v17 =	vadd.f32 v18, v17;
	_ =	sdelay $0x1  }
0x232: {  	s26 =	sand.u32 $0x3FFFFFF0, s21;
	[tilespmem:s0+$0x0] =	vst v17  }
0x233: {  	v17 =	vld.msk [tilespmem:s26+$0x18], $0xff;
	_ =	sdelay $0x4  }
0x234: {  	v18 =	vshll.u32 v17, $0x5  }
0x235: {  	v17 =	vand.u32 $0x7, v17;
	v18 =	vand.u32 $0xFFFFFF00, v18  }
0x236: {  	v17 =	vor.u32 v17, v18  }
0x237: {  	v17 =	vperm.xlane v17, v1;
	_ =	sdelay $0x1  }
0x238: {  	v17 =	vadd.s32 v3, v17;
	_ =	sdelay $0x3  }
0x239: {  	s29 =	simm.s32 $0x8100;
	s4 =	simm.s32 $0x0  }
0x23a: {  	[tilespmem:s29], [sflag:$0x2] =	stream.indirect_vreg.gather [hbm4b:s7+s4], $0x80, v17, vm0, $0xb8;
	[tilespmem:$0x11180] =	vst v63  }
0x23b: {  	s1 =	simm.s32 $0x8900  }
0x23c: {  	[tilespmem:s1], [sflag:$0x2] =	stream.indirect_vreg.gather [hbm4b:s8+s4], $0x80, v17, vm0, $0xb8;
	[tilespmem:$0x11180] =	vst v63  }
0x23d: {  	s30 =	smov.u32 s7;
	s3 =	rddreg [dreg:$0x7];
	s6 =	simm.s32 $0x9100  }
0x23e: {  	[tilespmem:s6], [sflag:$0x2] =	stream.indirect_vreg.gather [hbm4b:s3+s4], $0x80, v17, vm0, $0xb8;
	[tilespmem:$0x11180] =	vst v63  }
0x23f: {  	s31 =	smov.u32 s8;
	s7 =	rddreg [dreg:$0x8];
	s8 =	simm.s32 $0x9900  }
0x240: {  	[tilespmem:s8], [sflag:$0x2] =	stream.indirect_vreg.gather [hbm4b:s7+s4], $0x80, v17, vm0, $0xb8;
	[tilespmem:$0x11180] =	vst v63  }
0x241: {  	s23 =	simm.s32 $0xA100  }
0x242: {  	[tilespmem:s23], [sflag:$0x2] =	stream.indirect_vreg.gather [hbm4b:s9+s4], $0x80, v17, vm0, $0xb8;
	[tilespmem:$0x11180] =	vst v63  }
0x243: {  	s24 =	simm.s32 $0xA900  }
0x244: {  	[tilespmem:s24], [sflag:$0x2] =	stream.indirect_vreg.gather [hbm4b:s10+s4], $0x80, v17, vm0, $0xb8;
	[tilespmem:$0x11180] =	vst v63  }
0x245: {  	s25 =	simm.s32 $0xB100  }
0x246: {  	[tilespmem:s25], [sflag:$0x2] =	stream.indirect_vreg.gather [hbm4b:s11+s4], $0x80, v17, vm0, $0xb8;
	[tilespmem:$0x11180] =	vst v63  }
0x247: {  	s26 =	simm.s32 $0xB900  }
0x248: {  	[tilespmem:s26], [sflag:$0x2] =	stream.indirect_vreg.gather [hbm4b:s12+s4], $0x80, v17, vm0, $0xb8;
	[tilespmem:$0x11180] =	vst v63  }
0x249: {  	s29 =	simm.s32 $0xC100  }
0x24a: {  	[tilespmem:s29], [sflag:$0x2] =	stream.indirect_vreg.gather [hbm4b:s13+s4], $0x80, v17, vm0, $0xb8;
	[tilespmem:$0x11180] =	vst v63  }
0x24b: {  	s1 =	simm.s32 $0xC900  }
0x24c: {  	[tilespmem:s1], [sflag:$0x2] =	stream.indirect_vreg.gather [hbm4b:s14+s4], $0x80, v17, vm0, $0xb8;
	[tilespmem:$0x11180] =	vst v63  }
0x24d: {  	s3 =	simm.s32 $0xD100  }
0x24e: {  	[tilespmem:s3], [sflag:$0x2] =	stream.indirect_vreg.gather [hbm4b:s15+s4], $0x80, v17, vm0, $0xb8;
	[tilespmem:$0x11180] =	vst v63  }
0x24f: {  	s6 =	simm.s32 $0xD900  }
0x250: {  	[tilespmem:s6], [sflag:$0x2] =	stream.indirect_vreg.gather [hbm4b:s16+s4], $0x80, v17, vm0, $0xb8;
	[tilespmem:$0x11180] =	vst v63  }
0x251: {  	s7 =	simm.s32 $0xE100  }
0x252: {  	[tilespmem:s7], [sflag:$0x2] =	stream.indirect_vreg.gather [hbm4b:s17+s4], $0x80, v17, vm0, $0xb8;
	[tilespmem:$0x11180] =	vst v63  }
0x253: {  	s8 =	simm.s32 $0xE900;
	s23 =	sadd.s32 $0x11, s21  }
0x254: {  	v18 =	vmov s22;
	[tilespmem:s8], [sflag:$0x2] =	stream.indirect_vreg.gather [hbm4b:s18+s4], $0x80, v17, vm0, $0xb8;
	[tilespmem:$0x11180] =	vst v63  }
0x255: {  	v18 =	vand.u32 $0xFFFFFFF0, v18;
	v19 =	vmov s23;
	s24 =	simm.s32 $0xF100  }
0x256: {  	v18 =	vbroadcast v18, $0x0;
	v19 =	vand.u32 $0xFFFFFFF1, v19;
	[tilespmem:s24], [sflag:$0x2] =	stream.indirect_vreg.gather [hbm4b:s19+s4], $0x80, v17, vm0, $0xb8;
	[tilespmem:$0x11180] =	vst v63  }
0x257: {  	v19 =	vbroadcast v19, $0x0;
	s25 =	simm.s32 $0xF900;
	s26 =	sadd.s32 $0x12, s21;
	s29 =	simm.s32 $0x1  }
0x258: {  	[tilespmem:s25], [sflag:$0x2] =	stream.indirect_vreg.gather [hbm4b:s20+s4], $0x80, v17, vm0, $0xb8;
	[tilespmem:$0x11180] =	vst v63  }
0x259: {  	v17 =	vmov s26;
	_ =	swait.ge [sflag:s29], $0x8000  }
0x25a: {  	s3 =	sadd.s32 $0x13, s21;
	v17 =	vand.u32 $0xFFFFFFF2, v17;
	[sflag:s29] =	ssyncset.done $0x0  }
0x25b: {  	v21 =	vmov s3;
	s6 =	sand.u32 $0x7C00, s4;
	v20 =	vbroadcast v17, $0x0;
	[sflag:s29] =	ssyncadd.s32 $0xFFFF8000  }
0x25c: {  	s23 =	sand.u32 $0x40, s4;
	v21 =	vand.u32 $0xFFFFFFF3, v21;
	s22 =	sor.u32 $0x100, s6;
	s7 =	sadd.s32 $0x14, s21;
	v17 =	vld.idx.msk [tilespmem:v18+s28+$0x0], $0xffff  }
0x25d: {  	v21 =	vbroadcast v21, $0x0;
	s0 =	sor.u32 s23, s22;
	v18 =	vld.idx.msk [tilespmem:v19+s28+$0x0], $0xffff;
	v19 =	vmov s7  }
0x25e: {  	s8 =	sadd.s32 $0x15, s21;
	v22 =	vld [tilespmem:s0+$0x0];
	v19 =	vand.u32 $0xFFFFFFF4, v19  }
0x25f: {  	s24 =	simm.s32 $0x10100;
	v24 =	vld [tilespmem:s0+$0x80];
	v23 =	vbroadcast v19, $0x0;
	v19 =	vmov s8  }
0x260: {  	s25 =	sadd.s32 $0x16, s21;
	v26 =	vld [tilespmem:s24+$0x0];
	v25 =	vand.u32 $0xFFFFFFF5, v19  }
0x261: {  	p0 =	por $0x0, $0x0;
	s1 =	simm.s32 $0x1;
	v19 =	vld.idx.msk [tilespmem:v20+s28+$0x0], $0xffff;
	v25 =	vbroadcast v25, $0x0;
	v20 =	vmov s25  }
0x262: {  	s1 =	simm.s32 @!p0 $0x0;
	s26 =	sadd.s32 $0x17, s21;
	v48 =	vld [tilespmem:s0+$0x100];
	v27 =	vand.u32 $0xFFFFFFF6, v20  }
0x263: {  	s1 =	sshll.u32 s1, $0x6;
	v20 =	vld.idx.msk [tilespmem:v21+s28+$0x0], $0xffff;
	v21 =	vmov s26;
	v22 =	vmul.f32 v22, v17;
	v27 =	vbroadcast v27, $0x0  }
0x264: {  	s1 =	sadd.s32 $0x0, s1;
	v30 =	vld [tilespmem:s0+$0x180];
	v49 =	vand.u32 $0xFFFFFFF7, v21  }
0x265: {  	s29 =	sor.u32 $0x200, s1;
	v24 =	vmul.f32 v24, v18;
	v29 =	vbroadcast v49, $0x0;
	v21 =	vld.idx.msk [tilespmem:v23+s28+$0x0], $0xffff;
	v23 =	vadd.f32 v22, v26  }
0x266: {  	v26 =	vld [tilespmem:s29+$0x100]  }
0x267: {  	s6 =	sor.u32 $0x280, s1;
	v22 =	vld.idx.msk [tilespmem:v25+s28+$0x0], $0xffff;
	v24 =	vadd.f32 v24, v23;
	v25 =	vmul.f32 v48, v19  }
0x268: {  	v50 =	vld [tilespmem:s6+$0x100]  }
0x269: {  	s7 =	sor.u32 $0x300, s1;
	v23 =	vld.idx.msk [tilespmem:v27+s28+$0x0], $0xffff;
	v25 =	vadd.f32 v25, v24;
	v27 =	vmul.f32 v30, v20  }
0x26a: {  	v51 =	vld [tilespmem:s7+$0x100]  }
0x26b: {  	s8 =	sor.u32 $0x380, s1;
	v24 =	vld.idx.msk [tilespmem:v29+s28+$0x0], $0xffff;
	v26 =	vmul.f32 v26, v21;
	v25 =	vadd.f32 v27, v25  }
0x26c: {  	v27 =	vld [tilespmem:s8+$0x100]  }
0x26d: {  	v25 =	vadd.f32 v26, v25;
	v26 =	vmul.f32 v50, v22;
	_ =	sdelay $0x1  }
0x26e: {  	v25 =	vadd.f32 v26, v25;
	v26 =	vmul.f32 v51, v23;
	_ =	sdelay $0x1  }
0x26f: {  	v25 =	vadd.f32 v26, v25;
	v26 =	vmul.f32 v27, v24;
	_ =	sdelay $0x1  }
0x270: {  	v25 =	vadd.f32 v26, v25  }
0x271: {  	s21 =	sor.u32 $0x10, s23  }
0x272: {  	s25 =	sor.u32 s21, s22;
	[tilespmem:s24+$0x0] =	vst v25;
	s24 =	sand.u32 $0xF80, s4  }
0x273: {  	s3 =	sadd.s32 $0x10100, s24;
	v25 =	vld [tilespmem:s25+$0x0]  }
0x274: {  	v26 =	vld [tilespmem:s25+$0x80];
	s0 =	sor.u32 s21, s3  }
0x275: {  	v27 =	vld [tilespmem:s0+$0x0];
	_ =	sdelay $0x1  }
0x276: {  	v52 =	vld [tilespmem:s25+$0x100]  }
0x277: {  	v25 =	vmul.f32 v25, v17  }
0x278: {  	s26 =	sadd.s32 $0x10, s1;
	v53 =	vld [tilespmem:s25+$0x180]  }
0x279: {  	s29 =	sor.u32 $0x200, s26;
	v26 =	vmul.f32 v26, v18;
	v25 =	vadd.f32 v25, v27  }
0x27a: {  	v27 =	vld [tilespmem:s29+$0x100]  }
0x27b: {  	s7 =	sor.u32 $0x280, s26;
	v25 =	vadd.f32 v26, v25;
	v26 =	vmul.f32 v52, v19  }
0x27c: {  	v54 =	vld [tilespmem:s7+$0x100]  }
0x27d: {  	s8 =	sor.u32 $0x300, s26;
	v25 =	vadd.f32 v26, v25;
	v26 =	vmul.f32 v53, v20  }
0x27e: {  	v55 =	vld [tilespmem:s8+$0x100]  }
0x27f: {  	s21 =	sor.u32 $0x380, s26;
	v25 =	vadd.f32 v26, v25;
	v26 =	vmul.f32 v27, v21  }
0x280: {  	v27 =	vld [tilespmem:s21+$0x100]  }
0x281: {  	v25 =	vadd.f32 v26, v25;
	v26 =	vmul.f32 v54, v22;
	_ =	sdelay $0x1  }
0x282: {  	v25 =	vadd.f32 v26, v25;
	v26 =	vmul.f32 v55, v23;
	_ =	sdelay $0x1  }
0x283: {  	v25 =	vadd.f32 v26, v25;
	v26 =	vmul.f32 v27, v24;
	_ =	sdelay $0x1  }
0x284: {  	v25 =	vadd.f32 v26, v25  }
0x285: {  	s24 =	sor.u32 $0x20, s23  }
0x286: {  	s25 =	sor.u32 s24, s22;
	[tilespmem:s0+$0x0] =	vst v25  }
0x287: {  	v25 =	vld [tilespmem:s25+$0x0]  }
0x288: {  	s4 =	sor.u32 s24, s3;
	v26 =	vld [tilespmem:s25+$0x80]  }
0x289: {  	v27 =	vld [tilespmem:s4+$0x0];
	_ =	sdelay $0x1  }
0x28a: {  	v56 =	vld [tilespmem:s25+$0x100]  }
0x28b: {  	v25 =	vmul.f32 v25, v17  }
0x28c: {  	s26 =	sadd.s32 $0x20, s1;
	v57 =	vld [tilespmem:s25+$0x180]  }
0x28d: {  	s29 =	sor.u32 $0x200, s26;
	v26 =	vmul.f32 v26, v18;
	v25 =	vadd.f32 v25, v27  }
0x28e: {  	v27 =	vld [tilespmem:s29+$0x100]  }
0x28f: {  	s7 =	sor.u32 $0x280, s26;
	v25 =	vadd.f32 v26, v25;
	v26 =	vmul.f32 v56, v19  }
0x290: {  	v58 =	vld [tilespmem:s7+$0x100]  }
0x291: {  	s8 =	sor.u32 $0x300, s26;
	v25 =	vadd.f32 v26, v25;
	v26 =	vmul.f32 v57, v20  }
0x292: {  	v59 =	vld [tilespmem:s8+$0x100]  }
0x293: {  	s0 =	sor.u32 $0x380, s26;
	v25 =	vadd.f32 v26, v25;
	v26 =	vmul.f32 v27, v21  }
0x294: {  	v27 =	vld [tilespmem:s0+$0x100]  }
0x295: {  	v25 =	vadd.f32 v26, v25;
	v26 =	vmul.f32 v58, v22;
	_ =	sdelay $0x1  }
0x296: {  	v25 =	vadd.f32 v26, v25;
	v26 =	vmul.f32 v59, v23;
	_ =	sdelay $0x1  }
0x297: {  	v25 =	vadd.f32 v26, v25;
	v26 =	vmul.f32 v27, v24;
	_ =	sdelay $0x1  }
0x298: {  	v25 =	vadd.f32 v26, v25  }
0x299: {  	s21 =	sor.u32 $0x30, s23  }
0x29a: {  	s23 =	sor.u32 s21, s22;
	[tilespmem:s4+$0x0] =	vst v25  }
0x29b: {  	s4 =	sor.u32 s21, s3;
	v25 =	vld [tilespmem:s23+$0x0]  }
0x29c: {  	v26 =	vld [tilespmem:s4+$0x0]  }
0x29d: {  	v27 =	vld [tilespmem:s23+$0x80];
	_ =	sdelay $0x1  }
0x29e: {  	v60 =	vld [tilespmem:s23+$0x100]  }
0x29f: {  	v25 =	vmul.f32 v25, v17  }
0x2a0: {  	s24 =	sadd.s32 $0x30, s1;
	v61 =	vld [tilespmem:s23+$0x180]  }
0x2a1: {  	s1 =	sor.u32 $0x200, s24;
	v25 =	vadd.f32 v25, v26;
	v26 =	vmul.f32 v27, v18  }
0x2a2: {  	v27 =	vld [tilespmem:s1+$0x100]  }
0x2a3: {  	s25 =	sor.u32 $0x280, s24;
	v25 =	vadd.f32 v26, v25;
	v26 =	vmul.f32 v60, v19  }
0x2a4: {  	v62 =	vld [tilespmem:s25+$0x100]  }
0x2a5: {  	s26 =	sor.u32 $0x300, s24;
	v25 =	vadd.f32 v26, v25;
	v26 =	vmul.f32 v61, v20  }
0x2a6: {  	v63 =	vld [tilespmem:s26+$0x100]  }
0x2a7: {  	s0 =	sor.u32 $0x380, s24;
	v25 =	vadd.f32 v26, v25;
	v26 =	vmul.f32 v27, v21  }
0x2a8: {  	v27 =	vld [tilespmem:s0+$0x100]  }
0x2a9: {  	v25 =	vadd.f32 v26, v25;
	v26 =	vmul.f32 v62, v22;
	_ =	sdelay $0x1  }
0x2aa: {  	v25 =	vadd.f32 v26, v25;
	v26 =	vmul.f32 v63, v23;
	_ =	sdelay $0x1  }
0x2ab: {  	v25 =	vadd.f32 v26, v25;
	v26 =	vmul.f32 v27, v24  }
0x2ac: {  	s25 =	simm.s32 $0x200  }
0x2ad: {  	s24 =	simm.s32 $0x10140;
	s23 =	simm.s32 $0x40;
	s29 =	sand.u32 $0x7C00, s25;
	v25 =	vadd.f32 v26, v25  }
0x2ae: {  	s26 =	simm.s32 $0x4;
	s22 =	sand.u32 $0x40, s23;
	s21 =	sor.u32 $0x100, s29  }
.LBB2_7:
0x2af: {  	s26 =	sadd.s32 $0x4, s26;
	s0 =	sor.u32 s22, s21;
	[tilespmem:s4+$0x0] =	vst v25;
	p0 =	por !p0, !p0  }
0x2b0: {  	p1 =	slt.u32 s26, $0xFC;
	v25 =	vld [tilespmem:s0+$0x0]  }
0x2b1: {  	v26 =	vld [tilespmem:s0+$0x80]  }
0x2b2: {  	v27 =	vld [tilespmem:s24+$0x0]  }
0x2b3: {  	s1 =	simm.s32 $0x1  }
0x2b4: {  	s1 =	simm.s32 @!p0 $0x0;
	v28 =	vld [tilespmem:s0+$0x100]  }
0x2b5: {  	s1 =	sshll.u32 s1, $0x6;
	v25 =	vmul.f32 v25, v17  }
0x2b6: {  	s4 =	sadd.s32 s1, s25;
	v29 =	vld [tilespmem:s0+$0x180]  }
0x2b7: {  	s3 =	sadd.s32 $0x10, s4;
	s29 =	sadd.s32 $0x30, s4;
	v26 =	vmul.f32 v26, v18;
	s0 =	sor.u32 $0x200, s4;
	v25 =	vadd.f32 v25, v27  }
0x2b8: {  	v27 =	vld [tilespmem:s0+$0x100]  }
0x2b9: {  	s0 =	sor.u32 $0x280, s4;
	v25 =	vadd.f32 v26, v25;
	v26 =	vmul.f32 v28, v19  }
0x2ba: {  	v28 =	vld [tilespmem:s0+$0x100]  }
0x2bb: {  	s0 =	sor.u32 $0x300, s4;
	v25 =	vadd.f32 v26, v25;
	v26 =	vmul.f32 v29, v20  }
0x2bc: {  	v29 =	vld [tilespmem:s0+$0x100]  }
0x2bd: {  	s0 =	sor.u32 $0x380, s4;
	v25 =	vadd.f32 v26, v25;
	v26 =	vmul.f32 v27, v21  }
0x2be: {  	v27 =	vld [tilespmem:s0+$0x100]  }
0x2bf: {  	v25 =	vadd.f32 v26, v25;
	v26 =	vmul.f32 v28, v22;
	_ =	sdelay $0x1  }
0x2c0: {  	v25 =	vadd.f32 v26, v25;
	v26 =	vmul.f32 v29, v23;
	_ =	sdelay $0x1  }
0x2c1: {  	v25 =	vadd.f32 v26, v25;
	v26 =	vmul.f32 v27, v24;
	_ =	sdelay $0x1  }
0x2c2: {  	v25 =	vadd.f32 v26, v25  }
0x2c3: {  	s0 =	sor.u32 $0x10, s22  }
0x2c4: {  	s1 =	sand.u32 $0xF80, s23;
	s6 =	sor.u32 s0, s21;
	[tilespmem:s24+$0x0] =	vst v25  }
0x2c5: {  	s1 =	sadd.s32 $0x10100, s1;
	v25 =	vld [tilespmem:s6+$0x0]  }
0x2c6: {  	s0 =	sor.u32 s0, s1;
	v26 =	vld [tilespmem:s6+$0x80]  }
0x2c7: {  	v27 =	vld [tilespmem:s0+$0x0];
	_ =	sdelay $0x1  }
0x2c8: {  	v28 =	vld [tilespmem:s6+$0x100]  }
0x2c9: {  	v25 =	vmul.f32 v25, v17  }
0x2ca: {  	v29 =	vld [tilespmem:s6+$0x180]  }
0x2cb: {  	v26 =	vmul.f32 v26, v18;
	s6 =	sor.u32 $0x200, s3;
	v25 =	vadd.f32 v25, v27  }
0x2cc: {  	v27 =	vld [tilespmem:s6+$0x100]  }
0x2cd: {  	s6 =	sor.u32 $0x280, s3;
	v25 =	vadd.f32 v26, v25;
	v26 =	vmul.f32 v28, v19  }
0x2ce: {  	v28 =	vld [tilespmem:s6+$0x100]  }
0x2cf: {  	s6 =	sor.u32 $0x300, s3;
	v25 =	vadd.f32 v26, v25;
	v26 =	vmul.f32 v29, v20  }
0x2d0: {  	v29 =	vld [tilespmem:s6+$0x100]  }
0x2d1: {  	s3 =	sor.u32 $0x380, s3;
	v25 =	vadd.f32 v26, v25;
	v26 =	vmul.f32 v27, v21  }
0x2d2: {  	v27 =	vld [tilespmem:s3+$0x100]  }
0x2d3: {  	v25 =	vadd.f32 v26, v25;
	v26 =	vmul.f32 v28, v22;
	_ =	sdelay $0x1  }
0x2d4: {  	v25 =	vadd.f32 v26, v25;
	v26 =	vmul.f32 v29, v23;
	_ =	sdelay $0x1  }
0x2d5: {  	v25 =	vadd.f32 v26, v25;
	v26 =	vmul.f32 v27, v24;
	_ =	sdelay $0x1  }
0x2d6: {  	v25 =	vadd.f32 v26, v25  }
0x2d7: {  	s3 =	sor.u32 $0x20, s22  }
0x2d8: {  	[tilespmem:s0+$0x0] =	vst v25;
	s0 =	sor.u32 s3, s21  }
0x2d9: {  	v25 =	vld [tilespmem:s0+$0x0]  }
0x2da: {  	s3 =	sor.u32 s3, s1;
	v26 =	vld [tilespmem:s0+$0x80]  }
0x2db: {  	v27 =	vld [tilespmem:s3+$0x0];
	_ =	sdelay $0x1  }
0x2dc: {  	v28 =	vld [tilespmem:s0+$0x100]  }
0x2dd: {  	v25 =	vmul.f32 v25, v17  }
0x2de: {  	v29 =	vld [tilespmem:s0+$0x180];
	s0 =	sadd.s32 $0x20, s4  }
0x2df: {  	v26 =	vmul.f32 v26, v18;
	v25 =	vadd.f32 v25, v27;
	s4 =	sor.u32 $0x200, s0  }
0x2e0: {  	v27 =	vld [tilespmem:s4+$0x100]  }
0x2e1: {  	s4 =	sor.u32 $0x280, s0;
	v25 =	vadd.f32 v26, v25;
	v26 =	vmul.f32 v28, v19  }
0x2e2: {  	v28 =	vld [tilespmem:s4+$0x100]  }
0x2e3: {  	s4 =	sor.u32 $0x300, s0;
	v25 =	vadd.f32 v26, v25;
	v26 =	vmul.f32 v29, v20  }
0x2e4: {  	v29 =	vld [tilespmem:s4+$0x100]  }
0x2e5: {  	s0 =	sor.u32 $0x380, s0;
	v25 =	vadd.f32 v26, v25;
	v26 =	vmul.f32 v27, v21  }
0x2e6: {  	v27 =	vld [tilespmem:s0+$0x100]  }
0x2e7: {  	v25 =	vadd.f32 v26, v25;
	v26 =	vmul.f32 v28, v22;
	_ =	sdelay $0x1  }
0x2e8: {  	v25 =	vadd.f32 v26, v25;
	v26 =	vmul.f32 v29, v23;
	_ =	sdelay $0x1  }
0x2e9: {  	v25 =	vadd.f32 v26, v25;
	v26 =	vmul.f32 v27, v24;
	_ =	sdelay $0x1  }
0x2ea: {  	v25 =	vadd.f32 v26, v25  }
0x2eb: {  	s0 =	sor.u32 $0x30, s22  }
0x2ec: {  	[tilespmem:s3+$0x0] =	vst v25;
	s3 =	sor.u32 s0, s21  }
0x2ed: {  	s4 =	sor.u32 s0, s1;
	v25 =	vld [tilespmem:s3+$0x0]  }
0x2ee: {  	v26 =	vld [tilespmem:s4+$0x0]  }
0x2ef: {  	v27 =	vld [tilespmem:s3+$0x80]  }
0x2f0: {  	v28 =	vld [tilespmem:s3+$0x100]  }
0x2f1: {  	s0 =	sor.u32 $0x200, s29;
	v29 =	vld [tilespmem:s3+$0x180]  }
0x2f2: {  	v25 =	vmul.f32 v25, v17;
	v30 =	vld [tilespmem:s0+$0x100];
	s0 =	sor.u32 $0x280, s29  }
0x2f3: {  	v31 =	vld [tilespmem:s0+$0x100];
	s0 =	sor.u32 $0x300, s29  }
0x2f4: {  	v25 =	vadd.f32 v25, v26;
	v26 =	vmul.f32 v27, v18;
	v27 =	vld [tilespmem:s0+$0x100];
	s0 =	sor.u32 $0x380, s29  }
0x2f5: {  	v32 =	vld [tilespmem:s0+$0x100]  }
0x2f6: {  	v25 =	vadd.f32 v26, v25;
	v26 =	vmul.f32 v28, v19;
	_ =	sdelay $0x1  }
0x2f7: {  	v25 =	vadd.f32 v26, v25;
	v26 =	vmul.f32 v29, v20;
	_ =	sdelay $0x1  }
0x2f8: {  	v25 =	vadd.f32 v26, v25;
	v26 =	vmul.f32 v30, v21;
	_ =	sdelay $0x1  }
0x2f9: {  	v25 =	vadd.f32 v26, v25;
	v26 =	vmul.f32 v31, v22;
	_ =	sdelay $0x1  }
0x2fa: {  	v25 =	vadd.f32 v26, v25;
	v26 =	vmul.f32 v27, v23  }
.Ltmp2:
0x2fb: {  	(pc) =	sbr.rel @p1 .LBB2_7-.Ltmp2, $4  }
0x2fc: {  	v25 =	vadd.f32 v26, v25;
	v26 =	vmul.f32 v32, v24  }
0x2fd: {  	s25 =	sadd.s32 $0x200, s25  }
0x2fe: {  	s23 =	sadd.s32 $0x40, s23;
	s0 =	sand.u32 $0x7C00, s25;
	v25 =	vadd.f32 v26, v25  }
0x2ff: {  	s24 =	sadd.s32 $0x40, s24;
	s22 =	sand.u32 $0x40, s23;
	s21 =	sor.u32 $0x100, s0  }
0x300: {  	s0 =	sor.u32 s22, s21;
	[tilespmem:s4+$0x0] =	vst v25  }
0x301: {  	v25 =	vld [tilespmem:s0+$0x0]  }
0x302: {  	v26 =	vld [tilespmem:s0+$0x80]  }
0x303: {  	v27 =	vld [tilespmem:s24+$0x0]  }
0x304: {  	p0 =	por !p0, !p0;
	s1 =	simm.s32 $0x1  }
0x305: {  	s1 =	simm.s32 @!p0 $0x0;
	v28 =	vld [tilespmem:s0+$0x100]  }
0x306: {  	s1 =	sshll.u32 s1, $0x6;
	v25 =	vmul.f32 v25, v17  }
0x307: {  	v29 =	vld [tilespmem:s0+$0x180];
	s1 =	sadd.s32 s1, s25  }
0x308: {  	s4 =	sor.u32 $0x200, s1;
	v26 =	vmul.f32 v26, v18;
	v25 =	vadd.f32 v25, v27  }
0x309: {  	v51 =	vld [tilespmem:s4+$0x100]  }
0x30a: {  	s6 =	sor.u32 $0x280, s1;
	v52 =	vmul.f32 v28, v19;
	v25 =	vadd.f32 v26, v25  }
0x30b: {  	v53 =	vld [tilespmem:s6+$0x100]  }
0x30c: {  	s7 =	sor.u32 $0x300, s1;
	v54 =	vmul.f32 v29, v20;
	v25 =	vadd.f32 v52, v25  }
0x30d: {  	v55 =	vld [tilespmem:s7+$0x100]  }
0x30e: {  	s8 =	sor.u32 $0x380, s1;
	v56 =	vmul.f32 v51, v21;
	v25 =	vadd.f32 v54, v25  }
0x30f: {  	v57 =	vld [tilespmem:s8+$0x100]  }
0x310: {  	v58 =	vmul.f32 v53, v22;
	v25 =	vadd.f32 v56, v25;
	_ =	sdelay $0x1  }
0x311: {  	v59 =	vmul.f32 v55, v23;
	v25 =	vadd.f32 v58, v25;
	_ =	sdelay $0x1  }
0x312: {  	v60 =	vmul.f32 v57, v24;
	v25 =	vadd.f32 v59, v25;
	_ =	sdelay $0x1  }
0x313: {  	v25 =	vadd.f32 v60, v25  }
0x314: {  	s25 =	sor.u32 $0x10, s22  }
0x315: {  	s3 =	sand.u32 $0xF80, s23;
	s26 =	sor.u32 s25, s21;
	[tilespmem:s24+$0x0] =	vst v25  }
0x316: {  	s3 =	sadd.s32 $0x10100, s3;
	v25 =	vld [tilespmem:s26+$0x0]  }
0x317: {  	s0 =	sor.u32 s25, s3;
	v61 =	vld [tilespmem:s26+$0x80]  }
0x318: {  	v62 =	vld [tilespmem:s0+$0x0];
	_ =	sdelay $0x1  }
0x319: {  	v63 =	vld [tilespmem:s26+$0x100]  }
0x31a: {  	v25 =	vmul.f32 v25, v17  }
0x31b: {  	s6 =	sadd.s32 $0x10, s1;
	v32 =	vld [tilespmem:s26+$0x180]  }
0x31c: {  	s29 =	sor.u32 $0x200, s6;
	v26 =	vmul.f32 v61, v18;
	v25 =	vadd.f32 v25, v62  }
0x31d: {  	v33 =	vld [tilespmem:s29+$0x100]  }
0x31e: {  	s7 =	sor.u32 $0x280, s6;
	v34 =	vmul.f32 v63, v19;
	v25 =	vadd.f32 v26, v25  }
0x31f: {  	v35 =	vld [tilespmem:s7+$0x100]  }
0x320: {  	s8 =	sor.u32 $0x300, s6;
	v36 =	vmul.f32 v32, v20;
	v25 =	vadd.f32 v34, v25  }
0x321: {  	v37 =	vld [tilespmem:s8+$0x100]  }
0x322: {  	s23 =	sor.u32 $0x380, s6;
	v38 =	vmul.f32 v33, v21;
	v25 =	vadd.f32 v36, v25  }
0x323: {  	v39 =	vld [tilespmem:s23+$0x100]  }
0x324: {  	v40 =	vmul.f32 v35, v22;
	v25 =	vadd.f32 v38, v25;
	_ =	sdelay $0x1  }
0x325: {  	v41 =	vmul.f32 v37, v23;
	v25 =	vadd.f32 v40, v25;
	_ =	sdelay $0x1  }
0x326: {  	v42 =	vmul.f32 v39, v24;
	v25 =	vadd.f32 v41, v25;
	_ =	sdelay $0x1  }
0x327: {  	v25 =	vadd.f32 v42, v25  }
0x328: {  	s24 =	sor.u32 $0x20, s22  }
0x329: {  	s25 =	sor.u32 s24, s21;
	[tilespmem:s0+$0x0] =	vst v25  }
0x32a: {  	v25 =	vld [tilespmem:s25+$0x0]  }
0x32b: {  	s4 =	sor.u32 s24, s3;
	v43 =	vld [tilespmem:s25+$0x80]  }
0x32c: {  	v44 =	vld [tilespmem:s4+$0x0];
	_ =	sdelay $0x1  }
0x32d: {  	v45 =	vld [tilespmem:s25+$0x100]  }
0x32e: {  	v25 =	vmul.f32 v25, v17  }
0x32f: {  	s26 =	sadd.s32 $0x20, s1;
	v46 =	vld [tilespmem:s25+$0x180]  }
0x330: {  	s29 =	sor.u32 $0x200, s26;
	v26 =	vmul.f32 v43, v18;
	v25 =	vadd.f32 v25, v44  }
0x331: {  	v47 =	vld [tilespmem:s29+$0x100]  }
0x332: {  	s7 =	sor.u32 $0x280, s26;
	v48 =	vmul.f32 v45, v19;
	v25 =	vadd.f32 v26, v25  }
0x333: {  	v49 =	vld [tilespmem:s7+$0x100]  }
0x334: {  	s8 =	sor.u32 $0x300, s26;
	v50 =	vmul.f32 v46, v20;
	v25 =	vadd.f32 v48, v25  }
0x335: {  	v51 =	vld [tilespmem:s8+$0x100]  }
0x336: {  	s0 =	sor.u32 $0x380, s26;
	v52 =	vmul.f32 v47, v21;
	v25 =	vadd.f32 v50, v25  }
0x337: {  	v53 =	vld [tilespmem:s0+$0x100]  }
0x338: {  	v54 =	vmul.f32 v49, v22;
	v25 =	vadd.f32 v52, v25;
	_ =	sdelay $0x1  }
0x339: {  	v55 =	vmul.f32 v51, v23;
	v25 =	vadd.f32 v54, v25;
	_ =	sdelay $0x1  }
0x33a: {  	v56 =	vmul.f32 v53, v24;
	v25 =	vadd.f32 v55, v25;
	_ =	sdelay $0x1  }
0x33b: {  	v25 =	vadd.f32 v56, v25  }
0x33c: {  	s23 =	sor.u32 $0x30, s22  }
0x33d: {  	s24 =	sor.u32 s23, s21;
	[tilespmem:s4+$0x0] =	vst v25  }
0x33e: {  	s0 =	sor.u32 s23, s3;
	v25 =	vld [tilespmem:s24+$0x0]  }
0x33f: {  	v57 =	vld [tilespmem:s0+$0x0]  }
0x340: {  	v58 =	vld [tilespmem:s24+$0x80];
	_ =	sdelay $0x1  }
0x341: {  	v59 =	vld [tilespmem:s24+$0x100]  }
0x342: {  	v17 =	vmul.f32 v25, v17  }
0x343: {  	s1 =	sadd.s32 $0x30, s1;
	v60 =	vld [tilespmem:s24+$0x180]  }
0x344: {  	s25 =	sor.u32 $0x200, s1;
	v18 =	vmul.f32 v58, v18;
	v17 =	vadd.f32 v17, v57  }
0x345: {  	v61 =	vld [tilespmem:s25+$0x100]  }
0x346: {  	s26 =	sor.u32 $0x280, s1;
	v17 =	vadd.f32 v18, v17;
	v18 =	vmul.f32 v59, v19  }
0x347: {  	v19 =	vld [tilespmem:s26+$0x100]  }
0x348: {  	s29 =	sor.u32 $0x300, s1;
	v17 =	vadd.f32 v18, v17;
	v18 =	vmul.f32 v60, v20  }
0x349: {  	v62 =	vld [tilespmem:s29+$0x100]  }
0x34a: {  	s1 =	sor.u32 $0x380, s1;
	v17 =	vadd.f32 v18, v17;
	v18 =	vmul.f32 v61, v21  }
0x34b: {  	v63 =	vld [tilespmem:s1+$0x100]  }
0x34c: {  	v17 =	vadd.f32 v18, v17;
	v18 =	vmul.f32 v19, v22;
	_ =	sdelay $0x1  }
0x34d: {  	s5 =	sadd.s32 $0x1, s5;
	v17 =	vadd.f32 v18, v17;
	v18 =	vmul.f32 v62, v23  }
0x34e: {  	p0 =	sne.s32 s5, $0x7  }
.Ltmp3:
0x34f: {  	v17 =	vadd.f32 v18, v17;
	v18 =	vmul.f32 v63, v24;
	(pc) =	sbr.rel @p0 .LBB2_4-.Ltmp3, $3  }
0x350: {  	_ = 	snop  }
0x351: {  	v17 =	vadd.f32 v18, v17;
	_ =	sdelay $0x1  }
0x352: {  	[tilespmem:s0+$0x0] =	vst v17  }
0x353: {  	s1 =	simm.s32 $0x2  }
0x354: {  	_ =	swait.ge [sflag:s1], $0x8000  }
0x355: {  	s0 =	simm.s32 $0x0;
	[sflag:s1] =	ssyncset.done $0x0  }
0x356: {  	s24 =	sand.u32 $0x7C00, s0;
	[sflag:s1] =	ssyncadd.s32 $0xFFFF8000  }
0x357: {  	s2 =	sand.u32 $0x40, s0;
	s1 =	sor.u32 $0x8100, s24;
	v18 =	vld.idx.msk [tilespmem:v9+s28+$0x0], $0xffff  }
0x358: {  	v17 =	vld.idx.msk [tilespmem:v10+s28+$0x0], $0xffff;
	s3 =	sor.u32 s2, s1  }
0x359: {  	s5 =	simm.s32 $0x10100;
	v21 =	vld [tilespmem:s3+$0x0]  }
0x35a: {  	v23 =	vld [tilespmem:s5+$0x0]  }
0x35b: {  	p0 =	por $0x0, $0x0;
	s4 =	simm.s32 $0x1;
	v22 =	vld [tilespmem:s3+$0x80]  }
0x35c: {  	s4 =	simm.s32 @!p0 $0x0;
	v19 =	vld.idx.msk [tilespmem:v11+s28+$0x0], $0xffff  }
0x35d: {  	s4 =	sshll.u32 s4, $0x6;
	v24 =	vld [tilespmem:s3+$0x100]  }
0x35e: {  	s4 =	sadd.s32 $0x0, s4;
	v20 =	vld.idx.msk [tilespmem:v12+s28+$0x0], $0xffff;
	v25 =	vmul.f32 v21, v18  }
0x35f: {  	s25 =	sor.u32 $0x200, s4;
	v26 =	vld [tilespmem:s3+$0x180]  }
0x360: {  	v27 =	vld [tilespmem:s25+$0x8100];
	v23 =	vadd.f32 v25, v23;
	v25 =	vmul.f32 v22, v17  }
0x361: {  	s26 =	sor.u32 $0x280, s4;
	v21 =	vld.idx.msk [tilespmem:v13+s28+$0x0], $0xffff  }
0x362: {  	v28 =	vld [tilespmem:s26+$0x8100];
	v24 =	vmul.f32 v24, v19;
	v25 =	vadd.f32 v25, v23  }
0x363: {  	s29 =	sor.u32 $0x300, s4;
	v22 =	vld.idx.msk [tilespmem:v14+s28+$0x0], $0xffff  }
0x364: {  	v29 =	vld [tilespmem:s29+$0x8100];
	v26 =	vmul.f32 v26, v20;
	v25 =	vadd.f32 v24, v25  }
0x365: {  	v23 =	vld.idx.msk [tilespmem:v15+s28+$0x0], $0xffff  }
0x366: {  	s6 =	sor.u32 $0x380, s4;
	v24 =	vld.idx.msk [tilespmem:v16+s28+$0x0], $0xffff;
	v25 =	vadd.f32 v26, v25;
	v26 =	vmul.f32 v27, v21  }
0x367: {  	v27 =	vld [tilespmem:s6+$0x8100]  }
0x368: {  	v25 =	vadd.f32 v26, v25;
	v26 =	vmul.f32 v28, v22;
	_ =	sdelay $0x1  }
0x369: {  	v25 =	vadd.f32 v26, v25;
	v26 =	vmul.f32 v29, v23;
	_ =	sdelay $0x1  }
0x36a: {  	v25 =	vadd.f32 v26, v25;
	v26 =	vmul.f32 v27, v24;
	_ =	sdelay $0x1  }
0x36b: {  	v25 =	vadd.f32 v26, v25  }
0x36c: {  	s6 =	sor.u32 $0x10, s2  }
0x36d: {  	s0 =	sand.u32 $0xF80, s0;
	s7 =	sor.u32 s6, s1;
	[tilespmem:s5+$0x0] =	vst v25  }
0x36e: {  	s3 =	sadd.s32 $0x10100, s0;
	v25 =	vld [tilespmem:s7+$0x0]  }
0x36f: {  	s0 =	sor.u32 s6, s3;
	v26 =	vld [tilespmem:s7+$0x80]  }
0x370: {  	v27 =	vld [tilespmem:s0+$0x0];
	_ =	sdelay $0x1  }
0x371: {  	v52 =	vld [tilespmem:s7+$0x100]  }
0x372: {  	v25 =	vmul.f32 v25, v18  }
0x373: {  	s8 =	sadd.s32 $0x10, s4;
	v53 =	vld [tilespmem:s7+$0x180]  }
0x374: {  	s21 =	sor.u32 $0x200, s8;
	v26 =	vmul.f32 v26, v17;
	v25 =	vadd.f32 v25, v27  }
0x375: {  	v27 =	vld [tilespmem:s21+$0x8100]  }
0x376: {  	s22 =	sor.u32 $0x280, s8;
	v25 =	vadd.f32 v26, v25;
	v26 =	vmul.f32 v52, v19  }
0x377: {  	v54 =	vld [tilespmem:s22+$0x8100]  }
0x378: {  	s23 =	sor.u32 $0x300, s8;
	v25 =	vadd.f32 v26, v25;
	v26 =	vmul.f32 v53, v20  }
0x379: {  	v55 =	vld [tilespmem:s23+$0x8100]  }
0x37a: {  	s24 =	sor.u32 $0x380, s8;
	v25 =	vadd.f32 v26, v25;
	v26 =	vmul.f32 v27, v21  }
0x37b: {  	v27 =	vld [tilespmem:s24+$0x8100]  }
0x37c: {  	v25 =	vadd.f32 v26, v25;
	v26 =	vmul.f32 v54, v22;
	_ =	sdelay $0x1  }
0x37d: {  	v25 =	vadd.f32 v26, v25;
	v26 =	vmul.f32 v55, v23;
	_ =	sdelay $0x1  }
0x37e: {  	v25 =	vadd.f32 v26, v25;
	v26 =	vmul.f32 v27, v24;
	_ =	sdelay $0x1  }
0x37f: {  	v25 =	vadd.f32 v26, v25  }
0x380: {  	s25 =	sor.u32 $0x20, s2  }
0x381: {  	s26 =	sor.u32 s25, s1;
	[tilespmem:s0+$0x0] =	vst v25  }
0x382: {  	v25 =	vld [tilespmem:s26+$0x0]  }
0x383: {  	s5 =	sor.u32 s25, s3;
	v26 =	vld [tilespmem:s26+$0x80]  }
0x384: {  	v27 =	vld [tilespmem:s5+$0x0];
	_ =	sdelay $0x1  }
0x385: {  	v56 =	vld [tilespmem:s26+$0x100]  }
0x386: {  	v25 =	vmul.f32 v25, v18  }
0x387: {  	s29 =	sadd.s32 $0x20, s4;
	v57 =	vld [tilespmem:s26+$0x180]  }
0x388: {  	s7 =	sor.u32 $0x200, s29;
	v26 =	vmul.f32 v26, v17;
	v25 =	vadd.f32 v25, v27  }
0x389: {  	v27 =	vld [tilespmem:s7+$0x8100]  }
0x38a: {  	s8 =	sor.u32 $0x280, s29;
	v25 =	vadd.f32 v26, v25;
	v26 =	vmul.f32 v56, v19  }
0x38b: {  	v58 =	vld [tilespmem:s8+$0x8100]  }
0x38c: {  	s21 =	sor.u32 $0x300, s29;
	v25 =	vadd.f32 v26, v25;
	v26 =	vmul.f32 v57, v20  }
0x38d: {  	v59 =	vld [tilespmem:s21+$0x8100]  }
0x38e: {  	s0 =	sor.u32 $0x380, s29;
	v25 =	vadd.f32 v26, v25;
	v26 =	vmul.f32 v27, v21  }
0x38f: {  	v27 =	vld [tilespmem:s0+$0x8100]  }
0x390: {  	v25 =	vadd.f32 v26, v25;
	v26 =	vmul.f32 v58, v22;
	_ =	sdelay $0x1  }
0x391: {  	v25 =	vadd.f32 v26, v25;
	v26 =	vmul.f32 v59, v23;
	_ =	sdelay $0x1  }
0x392: {  	v25 =	vadd.f32 v26, v25;
	v26 =	vmul.f32 v27, v24;
	_ =	sdelay $0x1  }
0x393: {  	v25 =	vadd.f32 v26, v25  }
0x394: {  	s22 =	sor.u32 $0x30, s2  }
0x395: {  	s2 =	sor.u32 s22, s1;
	[tilespmem:s5+$0x0] =	vst v25  }
0x396: {  	s1 =	sor.u32 s22, s3;
	v25 =	vld [tilespmem:s2+$0x0]  }
0x397: {  	v26 =	vld [tilespmem:s1+$0x0]  }
0x398: {  	v27 =	vld [tilespmem:s2+$0x80];
	_ =	sdelay $0x1  }
0x399: {  	v60 =	vld [tilespmem:s2+$0x100]  }
0x39a: {  	v25 =	vmul.f32 v25, v18  }
0x39b: {  	s23 =	sadd.s32 $0x30, s4;
	v61 =	vld [tilespmem:s2+$0x180]  }
0x39c: {  	s24 =	sor.u32 $0x200, s23;
	v25 =	vadd.f32 v25, v26;
	v26 =	vmul.f32 v27, v17  }
0x39d: {  	v27 =	vld [tilespmem:s24+$0x8100]  }
0x39e: {  	s25 =	sor.u32 $0x280, s23;
	v25 =	vadd.f32 v26, v25;
	v26 =	vmul.f32 v60, v19  }
0x39f: {  	v62 =	vld [tilespmem:s25+$0x8100]  }
0x3a0: {  	s26 =	sor.u32 $0x300, s23;
	v25 =	vadd.f32 v26, v25;
	v26 =	vmul.f32 v61, v20  }
0x3a1: {  	v63 =	vld [tilespmem:s26+$0x8100]  }
0x3a2: {  	s0 =	sor.u32 $0x380, s23;
	v25 =	vadd.f32 v26, v25;
	v26 =	vmul.f32 v27, v21  }
0x3a3: {  	v27 =	vld [tilespmem:s0+$0x8100]  }
0x3a4: {  	v25 =	vadd.f32 v26, v25;
	v26 =	vmul.f32 v62, v22;
	_ =	sdelay $0x1  }
0x3a5: {  	v25 =	vadd.f32 v26, v25;
	v26 =	vmul.f32 v63, v23;
	_ =	sdelay $0x1  }
0x3a6: {  	v25 =	vadd.f32 v26, v25;
	v26 =	vmul.f32 v27, v24  }
0x3a7: {  	s23 =	simm.s32 $0x200  }
0x3a8: {  	s22 =	simm.s32 $0x10140;
	s21 =	simm.s32 $0x40;
	s29 =	sand.u32 $0x7C00, s23;
	v25 =	vadd.f32 v26, v25  }
0x3a9: {  	s5 =	sand.u32 $0x40, s21;
	s2 =	sor.u32 $0x8100, s29;
	s24 =	simm.s32 $0x4  }
.LBB2_10:
0x3aa: {  	s24 =	sadd.s32 $0x4, s24;
	s0 =	sor.u32 s5, s2;
	[tilespmem:s1+$0x0] =	vst v25;
	p0 =	por !p0, !p0  }
0x3ab: {  	p1 =	slt.u32 s24, $0xFC;
	v25 =	vld [tilespmem:s0+$0x0]  }
0x3ac: {  	v26 =	vld [tilespmem:s0+$0x80]  }
0x3ad: {  	v27 =	vld [tilespmem:s22+$0x0]  }
0x3ae: {  	s1 =	simm.s32 $0x1  }
0x3af: {  	s1 =	simm.s32 @!p0 $0x0;
	v28 =	vld [tilespmem:s0+$0x100]  }
0x3b0: {  	s1 =	sshll.u32 s1, $0x6;
	v25 =	vmul.f32 v25, v18  }
0x3b1: {  	s4 =	sadd.s32 s1, s23;
	v29 =	vld [tilespmem:s0+$0x180]  }
0x3b2: {  	s3 =	sadd.s32 $0x10, s4;
	s25 =	sadd.s32 $0x30, s4;
	v26 =	vmul.f32 v26, v17;
	s0 =	sor.u32 $0x200, s4;
	v25 =	vadd.f32 v25, v27  }
0x3b3: {  	v27 =	vld [tilespmem:s0+$0x8100]  }
0x3b4: {  	s0 =	sor.u32 $0x280, s4;
	v25 =	vadd.f32 v26, v25;
	v26 =	vmul.f32 v28, v19  }
0x3b5: {  	v28 =	vld [tilespmem:s0+$0x8100]  }
0x3b6: {  	s0 =	sor.u32 $0x300, s4;
	v25 =	vadd.f32 v26, v25;
	v26 =	vmul.f32 v29, v20  }
0x3b7: {  	v29 =	vld [tilespmem:s0+$0x8100]  }
0x3b8: {  	s0 =	sor.u32 $0x380, s4;
	v25 =	vadd.f32 v26, v25;
	v26 =	vmul.f32 v27, v21  }
0x3b9: {  	v27 =	vld [tilespmem:s0+$0x8100]  }
0x3ba: {  	v25 =	vadd.f32 v26, v25;
	v26 =	vmul.f32 v28, v22;
	_ =	sdelay $0x1  }
0x3bb: {  	v25 =	vadd.f32 v26, v25;
	v26 =	vmul.f32 v29, v23;
	_ =	sdelay $0x1  }
0x3bc: {  	v25 =	vadd.f32 v26, v25;
	v26 =	vmul.f32 v27, v24;
	_ =	sdelay $0x1  }
0x3bd: {  	v25 =	vadd.f32 v26, v25  }
0x3be: {  	s0 =	sor.u32 $0x10, s5  }
0x3bf: {  	s1 =	sand.u32 $0xF80, s21;
	s6 =	sor.u32 s0, s2;
	[tilespmem:s22+$0x0] =	vst v25  }
0x3c0: {  	s1 =	sadd.s32 $0x10100, s1;
	v25 =	vld [tilespmem:s6+$0x0]  }
0x3c1: {  	s0 =	sor.u32 s0, s1;
	v26 =	vld [tilespmem:s6+$0x80]  }
0x3c2: {  	v27 =	vld [tilespmem:s0+$0x0];
	_ =	sdelay $0x1  }
0x3c3: {  	v28 =	vld [tilespmem:s6+$0x100]  }
0x3c4: {  	v25 =	vmul.f32 v25, v18  }
0x3c5: {  	v29 =	vld [tilespmem:s6+$0x180]  }
0x3c6: {  	v26 =	vmul.f32 v26, v17;
	s6 =	sor.u32 $0x200, s3;
	v25 =	vadd.f32 v25, v27  }
0x3c7: {  	v27 =	vld [tilespmem:s6+$0x8100]  }
0x3c8: {  	s6 =	sor.u32 $0x280, s3;
	v25 =	vadd.f32 v26, v25;
	v26 =	vmul.f32 v28, v19  }
0x3c9: {  	v28 =	vld [tilespmem:s6+$0x8100]  }
0x3ca: {  	s6 =	sor.u32 $0x300, s3;
	v25 =	vadd.f32 v26, v25;
	v26 =	vmul.f32 v29, v20  }
0x3cb: {  	v29 =	vld [tilespmem:s6+$0x8100]  }
0x3cc: {  	s3 =	sor.u32 $0x380, s3;
	v25 =	vadd.f32 v26, v25;
	v26 =	vmul.f32 v27, v21  }
0x3cd: {  	v27 =	vld [tilespmem:s3+$0x8100]  }
0x3ce: {  	v25 =	vadd.f32 v26, v25;
	v26 =	vmul.f32 v28, v22;
	_ =	sdelay $0x1  }
0x3cf: {  	v25 =	vadd.f32 v26, v25;
	v26 =	vmul.f32 v29, v23;
	_ =	sdelay $0x1  }
0x3d0: {  	v25 =	vadd.f32 v26, v25;
	v26 =	vmul.f32 v27, v24;
	_ =	sdelay $0x1  }
0x3d1: {  	v25 =	vadd.f32 v26, v25  }
0x3d2: {  	s3 =	sor.u32 $0x20, s5  }
0x3d3: {  	[tilespmem:s0+$0x0] =	vst v25;
	s0 =	sor.u32 s3, s2  }
0x3d4: {  	v25 =	vld [tilespmem:s0+$0x0]  }
0x3d5: {  	s3 =	sor.u32 s3, s1;
	v26 =	vld [tilespmem:s0+$0x80]  }
0x3d6: {  	v27 =	vld [tilespmem:s3+$0x0];
	_ =	sdelay $0x1  }
0x3d7: {  	v28 =	vld [tilespmem:s0+$0x100]  }
0x3d8: {  	v25 =	vmul.f32 v25, v18  }
0x3d9: {  	v29 =	vld [tilespmem:s0+$0x180];
	s0 =	sadd.s32 $0x20, s4  }
0x3da: {  	v26 =	vmul.f32 v26, v17;
	v25 =	vadd.f32 v25, v27;
	s4 =	sor.u32 $0x200, s0  }
0x3db: {  	v27 =	vld [tilespmem:s4+$0x8100]  }
0x3dc: {  	s4 =	sor.u32 $0x280, s0;
	v25 =	vadd.f32 v26, v25;
	v26 =	vmul.f32 v28, v19  }
0x3dd: {  	v28 =	vld [tilespmem:s4+$0x8100]  }
0x3de: {  	s4 =	sor.u32 $0x300, s0;
	v25 =	vadd.f32 v26, v25;
	v26 =	vmul.f32 v29, v20  }
0x3df: {  	v29 =	vld [tilespmem:s4+$0x8100]  }
0x3e0: {  	s0 =	sor.u32 $0x380, s0;
	v25 =	vadd.f32 v26, v25;
	v26 =	vmul.f32 v27, v21  }
0x3e1: {  	v27 =	vld [tilespmem:s0+$0x8100]  }
0x3e2: {  	v25 =	vadd.f32 v26, v25;
	v26 =	vmul.f32 v28, v22;
	_ =	sdelay $0x1  }
0x3e3: {  	v25 =	vadd.f32 v26, v25;
	v26 =	vmul.f32 v29, v23;
	_ =	sdelay $0x1  }
0x3e4: {  	v25 =	vadd.f32 v26, v25;
	v26 =	vmul.f32 v27, v24;
	_ =	sdelay $0x1  }
0x3e5: {  	v25 =	vadd.f32 v26, v25  }
0x3e6: {  	s0 =	sor.u32 $0x30, s5  }
0x3e7: {  	s2 =	sor.u32 s0, s2;
	[tilespmem:s3+$0x0] =	vst v25  }
0x3e8: {  	s1 =	sor.u32 s0, s1;
	v25 =	vld [tilespmem:s2+$0x0]  }
0x3e9: {  	v26 =	vld [tilespmem:s1+$0x0]  }
0x3ea: {  	v27 =	vld [tilespmem:s2+$0x80]  }
0x3eb: {  	v28 =	vld [tilespmem:s2+$0x100]  }
0x3ec: {  	s0 =	sor.u32 $0x200, s25;
	v29 =	vld [tilespmem:s2+$0x180]  }
0x3ed: {  	v25 =	vmul.f32 v25, v18;
	v30 =	vld [tilespmem:s0+$0x8100];
	s0 =	sor.u32 $0x280, s25  }
0x3ee: {  	v31 =	vld [tilespmem:s0+$0x8100];
	s0 =	sor.u32 $0x300, s25  }
0x3ef: {  	v25 =	vadd.f32 v25, v26;
	v26 =	vmul.f32 v27, v17;
	v27 =	vld [tilespmem:s0+$0x8100];
	s0 =	sor.u32 $0x380, s25  }
0x3f0: {  	v32 =	vld [tilespmem:s0+$0x8100]  }
0x3f1: {  	v25 =	vadd.f32 v26, v25;
	v26 =	vmul.f32 v28, v19;
	_ =	sdelay $0x1  }
0x3f2: {  	v25 =	vadd.f32 v26, v25;
	v26 =	vmul.f32 v29, v20;
	_ =	sdelay $0x1  }
0x3f3: {  	v25 =	vadd.f32 v26, v25;
	v26 =	vmul.f32 v30, v21;
	_ =	sdelay $0x1  }
0x3f4: {  	v25 =	vadd.f32 v26, v25;
	v26 =	vmul.f32 v31, v22;
	_ =	sdelay $0x1  }
0x3f5: {  	v25 =	vadd.f32 v26, v25;
	v26 =	vmul.f32 v27, v23  }
.Ltmp4:
0x3f6: {  	(pc) =	sbr.rel @p1 .LBB2_10-.Ltmp4, $4  }
0x3f7: {  	v25 =	vadd.f32 v26, v25;
	v26 =	vmul.f32 v32, v24  }
0x3f8: {  	s23 =	sadd.s32 $0x200, s23  }
0x3f9: {  	s21 =	sadd.s32 $0x40, s21;
	s0 =	sand.u32 $0x7C00, s23;
	v25 =	vadd.f32 v26, v25  }
0x3fa: {  	s22 =	sadd.s32 $0x40, s22;
	s5 =	sand.u32 $0x40, s21;
	s2 =	sor.u32 $0x8100, s0  }
0x3fb: {  	s0 =	sor.u32 s5, s2;
	[tilespmem:s1+$0x0] =	vst v25  }
0x3fc: {  	v25 =	vld [tilespmem:s0+$0x0]  }
0x3fd: {  	v26 =	vld [tilespmem:s0+$0x80]  }
0x3fe: {  	v27 =	vld [tilespmem:s22+$0x0]  }
0x3ff: {  	p0 =	por !p0, !p0;
	s1 =	simm.s32 $0x1  }
0x400: {  	s1 =	simm.s32 @!p0 $0x0;
	v28 =	vld [tilespmem:s0+$0x100]  }
0x401: {  	s1 =	sshll.u32 s1, $0x6;
	v25 =	vmul.f32 v25, v18  }
0x402: {  	v29 =	vld [tilespmem:s0+$0x180];
	s1 =	sadd.s32 s1, s23  }
0x403: {  	s8 =	sor.u32 $0x200, s1;
	v26 =	vmul.f32 v26, v17;
	v25 =	vadd.f32 v25, v27  }
0x404: {  	v51 =	vld [tilespmem:s8+$0x8100]  }
0x405: {  	s23 =	sor.u32 $0x280, s1;
	v52 =	vmul.f32 v28, v19;
	v25 =	vadd.f32 v26, v25  }
0x406: {  	v53 =	vld [tilespmem:s23+$0x8100]  }
0x407: {  	s24 =	sor.u32 $0x300, s1;
	v54 =	vmul.f32 v29, v20;
	v25 =	vadd.f32 v52, v25  }
0x408: {  	v55 =	vld [tilespmem:s24+$0x8100]  }
0x409: {  	s25 =	sor.u32 $0x380, s1;
	v56 =	vmul.f32 v51, v21;
	v25 =	vadd.f32 v54, v25  }
0x40a: {  	v57 =	vld [tilespmem:s25+$0x8100]  }
0x40b: {  	v58 =	vmul.f32 v53, v22;
	v25 =	vadd.f32 v56, v25;
	_ =	sdelay $0x1  }
0x40c: {  	v59 =	vmul.f32 v55, v23;
	v25 =	vadd.f32 v58, v25;
	_ =	sdelay $0x1  }
0x40d: {  	v60 =	vmul.f32 v57, v24;
	v25 =	vadd.f32 v59, v25;
	_ =	sdelay $0x1  }
0x40e: {  	v25 =	vadd.f32 v60, v25  }
0x40f: {  	s26 =	sor.u32 $0x10, s5  }
0x410: {  	s3 =	sand.u32 $0xF80, s21;
	s4 =	sor.u32 s26, s2;
	[tilespmem:s22+$0x0] =	vst v25  }
0x411: {  	s3 =	sadd.s32 $0x10100, s3;
	v25 =	vld [tilespmem:s4+$0x0]  }
0x412: {  	s0 =	sor.u32 s26, s3;
	v61 =	vld [tilespmem:s4+$0x80]  }
0x413: {  	v62 =	vld [tilespmem:s0+$0x0];
	_ =	sdelay $0x1  }
0x414: {  	v63 =	vld [tilespmem:s4+$0x100]  }
0x415: {  	v25 =	vmul.f32 v25, v18  }
0x416: {  	s6 =	sadd.s32 $0x10, s1;
	v32 =	vld [tilespmem:s4+$0x180]  }
0x417: {  	s29 =	sor.u32 $0x200, s6;
	v26 =	vmul.f32 v61, v17;
	v25 =	vadd.f32 v25, v62  }
0x418: {  	v33 =	vld [tilespmem:s29+$0x8100]  }
0x419: {  	s7 =	sor.u32 $0x280, s6;
	v34 =	vmul.f32 v63, v19;
	v25 =	vadd.f32 v26, v25  }
0x41a: {  	v35 =	vld [tilespmem:s7+$0x8100]  }
0x41b: {  	s8 =	sor.u32 $0x300, s6;
	v36 =	vmul.f32 v32, v20;
	v25 =	vadd.f32 v34, v25  }
0x41c: {  	v37 =	vld [tilespmem:s8+$0x8100]  }
0x41d: {  	s21 =	sor.u32 $0x380, s6;
	v38 =	vmul.f32 v33, v21;
	v25 =	vadd.f32 v36, v25  }
0x41e: {  	v39 =	vld [tilespmem:s21+$0x8100]  }
0x41f: {  	v40 =	vmul.f32 v35, v22;
	v25 =	vadd.f32 v38, v25;
	_ =	sdelay $0x1  }
0x420: {  	v41 =	vmul.f32 v37, v23;
	v25 =	vadd.f32 v40, v25;
	_ =	sdelay $0x1  }
0x421: {  	v42 =	vmul.f32 v39, v24;
	v25 =	vadd.f32 v41, v25;
	_ =	sdelay $0x1  }
0x422: {  	v25 =	vadd.f32 v42, v25  }
0x423: {  	s22 =	sor.u32 $0x20, s5  }
0x424: {  	s23 =	sor.u32 s22, s2;
	[tilespmem:s0+$0x0] =	vst v25  }
0x425: {  	v25 =	vld [tilespmem:s23+$0x0]  }
0x426: {  	s4 =	sor.u32 s22, s3;
	v43 =	vld [tilespmem:s23+$0x80]  }
0x427: {  	v44 =	vld [tilespmem:s4+$0x0];
	_ =	sdelay $0x1  }
0x428: {  	v45 =	vld [tilespmem:s23+$0x100]  }
0x429: {  	v25 =	vmul.f32 v25, v18  }
0x42a: {  	s24 =	sadd.s32 $0x20, s1;
	v46 =	vld [tilespmem:s23+$0x180]  }
0x42b: {  	s25 =	sor.u32 $0x200, s24;
	v26 =	vmul.f32 v43, v17;
	v25 =	vadd.f32 v25, v44  }
0x42c: {  	v47 =	vld [tilespmem:s25+$0x8100]  }
0x42d: {  	s26 =	sor.u32 $0x280, s24;
	v48 =	vmul.f32 v45, v19;
	v25 =	vadd.f32 v26, v25  }
0x42e: {  	v49 =	vld [tilespmem:s26+$0x8100]  }
0x42f: {  	s29 =	sor.u32 $0x300, s24;
	v50 =	vmul.f32 v46, v20;
	v25 =	vadd.f32 v48, v25  }
0x430: {  	v51 =	vld [tilespmem:s29+$0x8100]  }
0x431: {  	s0 =	sor.u32 $0x380, s24;
	v52 =	vmul.f32 v47, v21;
	v25 =	vadd.f32 v50, v25  }
0x432: {  	v53 =	vld [tilespmem:s0+$0x8100]  }
0x433: {  	v54 =	vmul.f32 v49, v22;
	v25 =	vadd.f32 v52, v25;
	_ =	sdelay $0x1  }
0x434: {  	v55 =	vmul.f32 v51, v23;
	v25 =	vadd.f32 v54, v25;
	_ =	sdelay $0x1  }
0x435: {  	v56 =	vmul.f32 v53, v24;
	v25 =	vadd.f32 v55, v25;
	_ =	sdelay $0x1  }
0x436: {  	v25 =	vadd.f32 v56, v25  }
0x437: {  	s5 =	sor.u32 $0x30, s5  }
0x438: {  	s6 =	sor.u32 s5, s2;
	[tilespmem:s4+$0x0] =	vst v25  }
0x439: {  	s0 =	sor.u32 s5, s3;
	v25 =	vld [tilespmem:s6+$0x0]  }
0x43a: {  	v57 =	vld [tilespmem:s0+$0x0]  }
0x43b: {  	v58 =	vld [tilespmem:s6+$0x80];
	_ =	sdelay $0x1  }
0x43c: {  	v59 =	vld [tilespmem:s6+$0x100]  }
0x43d: {  	v18 =	vmul.f32 v25, v18  }
0x43e: {  	s1 =	sadd.s32 $0x30, s1;
	v60 =	vld [tilespmem:s6+$0x180]  }
0x43f: {  	s7 =	sor.u32 $0x200, s1;
	v17 =	vmul.f32 v58, v17;
	v18 =	vadd.f32 v18, v57  }
0x440: {  	v61 =	vld [tilespmem:s7+$0x8100]  }
0x441: {  	s8 =	sor.u32 $0x280, s1;
	v17 =	vadd.f32 v17, v18;
	v18 =	vmul.f32 v59, v19  }
0x442: {  	v19 =	vld [tilespmem:s8+$0x8100]  }
0x443: {  	s21 =	sor.u32 $0x300, s1;
	v17 =	vadd.f32 v18, v17;
	v18 =	vmul.f32 v60, v20  }
0x444: {  	v62 =	vld [tilespmem:s21+$0x8100]  }
0x445: {  	s1 =	sor.u32 $0x380, s1;
	v17 =	vadd.f32 v18, v17;
	v18 =	vmul.f32 v61, v21  }
0x446: {  	v63 =	vld [tilespmem:s1+$0x8100]  }
0x447: {  	v17 =	vadd.f32 v18, v17;
	v18 =	vmul.f32 v19, v22;
	_ =	sdelay $0x1  }
0x448: {  	v17 =	vadd.f32 v18, v17;
	v18 =	vmul.f32 v62, v23;
	_ =	sdelay $0x1  }
0x449: {  	v17 =	vadd.f32 v18, v17;
	v18 =	vmul.f32 v63, v24;
	_ =	sdelay $0x1  }
0x44a: {  	v17 =	vadd.f32 v18, v17  }
0x44b: {  	s22 =	rddreg [dreg:$0x9]  }
0x44c: {  	s23 =	simm.s32 $0x400;
	s4 =	simm.s32 $0x10100;
	s1 =	simm.s32 $0x4;
	[tilespmem:s0+$0x0] =	vst v17  }
0x44d: {  	[hbm4b:s22+s28] =	stream.strided.scatter [tilespmem:s4], [sflag:$0x4], $0x1000, s23, s28, $0x38;
	[tilespmem:$0x11180] =	vst v63  }
0x44e: {  	_ =	swait.ge [sflag:s1], $0x1000  }
0x44f: {  	s25 =	simm.s32 $0x11100;
	[sflag:s1] =	ssyncset.done $0x0  }
0x450: {  	s21 =	simm.s32 $0x0;
	s24 =	rddreg [dreg:$0xa];
	[sflag:s1] =	ssyncadd.s32 $0xFFFFF000  }
0x451: {  	[hbm4b:s24+s21] =	stream.linear.scatter [tilespmem:s25], [sflag:$0x4], $0x80, $0x38;
	[tilespmem:$0x11180] =	vst v63  }
0x452: {  	_ =	swait.ge [sflag:s1], $0x80  }
0x453: {  	s26 =	rddreg [dreg:$0xc]  }
0x454: {  	s29 =	rddreg [dreg:$0xb];
	s2 =	sadd.s32 $0x1, s26  }
0x455: {  	p0 =	sne.s32 s2, s29  }
.Ltmp5:
0x456: {  	_ = 	snop;
	(pc) =	sbr.rel @p0 .LBB2_1-.Ltmp5, $3  }
0x457: {  	_ =	sdelay $0x1  }
0x458: {  	[sflag:s1] =	ssyncset.done $0x0  }
0x459: {  	[sflag:s1] =	ssyncadd.s32 $0xFFFFFF80  }
0x45a: {  	_ =	sfence.sel $0x180000  }
0x45b: {  	[bflag:$0x0] =	sbarrier.arrive $0xFFFF  }
0x45c: {  	_ =	strace $0x90000047  }
0x45d: {  	s0 =	stileid.u32;
	[bflag:$0x2] =	sbarrier.arrive $0xFFFF  }
0x45e: {  	p0 =	sne.s32 s0, $0x0;
	s0 =	rddreg [dreg:$0x5]  }
0x45f: {  	s0 =	sadd.s32 @!p0 $0x100000, s0  }
0x460: {  	[sflag:s0] =	ssyncadd.tile.s32 @!p0 $0x1;
	_ =	shalt  }
.Lfunc_end2:
_tile_overlayer_lowered:
.L_overlay_start_2:
0x461: {  	(tag) =	ssettag $0x2  }
0x462: {  	s0 =	rddreg [dreg:$0x0];
	s2 =	stileid.u32  }
0x463: {  	s1 =	rddreg [dreg:$0x1];
	p0 =	sne.s32 s2, $0x0  }
0x464: {  	s3 =	rddreg [dreg:$0x2];
	[bflag:$0x3] =	sbarrier.arrive $0xFFFF;
	s2 =	simm.s32 @!p0 $0x1C04  }
0x465: {  	[timem:s3], [sflag:s2] =	dma.local @!p0 [hbm:s0], s1  }
0x466: {  	s0 =	simm.s32 @!p0 $0x4  }
0x467: {  	_ =	swait.ge @!p0 [sflag:s0], s1  }
0x468: {  	s1 =	ssub.s32 @!p0 $0x0, s1;
	[sflag:s0] =	ssyncset.done @!p0 $0x0  }
0x469: {  	[sflag:s0] =	ssyncadd.s32 @!p0 s1  }
0x46a: {  	[bflag:$0x3] =	sbarrier.arrive $0xFFFF  }
0x46b: {  	_ =	shalt  }

</sc_bundles>
